<compile_context>
chip_gen: v7x
topology: tpu7x:2x2x1
jax: 0.10.2.dev20260603
libtpu: 0.0.44.dev20260713+nightly
codegen_flags: <defaults>
</compile_context>

<pallas_src>
import functools

import numpy as np
import jax
import jax.numpy as jnp
from jax import lax
from jax.experimental import pallas as pl
from jax.experimental.pallas import tpu as pltpu
from jax.experimental.pallas import tpu_sc as plsc

N_VALUES = 16777216
N_TOKENS = 4096
NC = 2
NS = 16
L = 16
NW = NC * NS
PER_W = N_VALUES // NW
CHUNK = 8192
N_CHUNKS = PER_W // CHUNK
UNROLL = 4
GROUPS = CHUNK // (UNROLL * L)
LEVELS = 12
EYT = N_TOKENS

_src = np.zeros(EYT, np.int32)
for _k in range(1, LEVELS + 1):
    _b = N_TOKENS >> _k
    _n = 1 << (_k - 1)
    _q = np.arange(_n, dtype=np.int32)
    _src[_n + _q] = _q * 2 * _b + _b - 1
_SRC = _src

_mesh = plsc.VectorSubcoreMesh(
    core_axis_name="c", subcore_axis_name="s",
    num_cores=NC, num_subcores=NS)


@functools.partial(
    pl.kernel,
    out_type=jax.ShapeDtypeStruct((N_VALUES,), jnp.int32),
    mesh=_mesh,
    compiler_params=pltpu.CompilerParams(needs_layout_passes=False),
    scratch_types=[
        pltpu.VMEM((EYT * L,), jnp.float32),
        pltpu.VMEM((CHUNK,), jnp.float32),
        pltpu.VMEM((CHUNK,), jnp.float32),
        pltpu.VMEM((CHUNK,), jnp.int32),
        pltpu.VMEM((CHUNK,), jnp.int32),
        pltpu.SemaphoreType.DMA,
        pltpu.SemaphoreType.DMA,
        pltpu.SemaphoreType.DMA,
        pltpu.SemaphoreType.DMA,
    ],
)
def _cdf_bin(inp_hbm, eyt_hbm, out_hbm, e_v, in0, in1, out0, out1,
             si0, si1, so0, so1):
    wid = lax.axis_index("s") * NC + lax.axis_index("c")
    base = wid * PER_W
    iota = lax.iota(jnp.int32, L)
    d_hi = L - iota
    d_lo = -iota
    s2_hi = iota + 3 * L
    s2_lo = iota + 2 * L

    pltpu.sync_copy(eyt_hbm, e_v)
    root = e_v[pl.ds(L, L)]

    def compute(in_v, out_v):
        @plsc.parallel_loop(0, GROUPS, unroll=4)
        def grp(g):
            goff = g * (UNROLL * L)
            xs = [in_v[pl.ds(goff + u * L, L)] for u in range(UNROLL)]
            ss = [jnp.where(root <= x, s2_hi, s2_lo) for x in xs]
            for _ in range(LEVELS - 1):
                vals = [plsc.load_gather(e_v, [s]) for s in ss]
                ss = [s + s + jnp.where(v <= x, d_hi, d_lo)
                      for s, v, x in zip(ss, vals, xs)]
            for u in range(UNROLL):
                out_v[pl.ds(goff + u * L, L)] = (ss[u] >> 4) - N_TOKENS

    ins = (in0, in1)
    outs = (out0, out1)
    sis = (si0, si1)
    sos = (so0, so1)

    pltpu.async_copy(inp_hbm.at[pl.ds(base, CHUNK)], in0, si0)

    def chunk_body(cidx, carry):
        for k in range(2):
            c = 2 * cidx + k
            off = base + c * CHUNK
            nxt_off = off + CHUNK
            @pl.when(c + 1 < N_CHUNKS)
            def _():
                pltpu.async_copy(inp_hbm.at[pl.ds(nxt_off, CHUNK)],
                                 ins[1 - k], sis[1 - k])
            @pl.when(c >= 2)
            def _():
                pltpu.make_async_copy(outs[k],
                                      out_hbm.at[pl.ds(off, CHUNK)],
                                      sos[k]).wait()
            pltpu.make_async_copy(inp_hbm.at[pl.ds(off, CHUNK)],
                                  ins[k], sis[k]).wait()
            compute(ins[k], outs[k])
            pltpu.async_copy(outs[k], out_hbm.at[pl.ds(off, CHUNK)],
                             sos[k])
        return carry

    lax.fori_loop(0, N_CHUNKS // 2, chunk_body, 0)

    for k in range(2):
        off = base + (N_CHUNKS - 2 + k) * CHUNK
        pltpu.make_async_copy(outs[k], out_hbm.at[pl.ds(off, CHUNK)],
                              sos[k]).wait()


def kernel(input, token_values):
    mids = (token_values[:-1] + token_values[1:]) * jnp.float32(0.5)
    mids = jnp.concatenate([mids, mids[-1:]])
    eyt = mids[_SRC]
    eyt_rep = jnp.repeat(eyt, L)
    return _cdf_bin(input, eyt_rep)

# --- scband reference (transcript-rebuilt; emitter-appended) ---
"""Pipeline reference for scband-cdfbinning-18657337934693 (READ-ONLY COPY).

The authoritative reference and input builder live on the scoring server;
editing this copy changes nothing except your own understanding.
"""

import jax, jax.numpy as jnp
import numpy as np

N_TOKENS = 4096
N_VALUES = 16777216


def setup_inputs(seed: int = 0) -> dict:
    key = jax.random.key(seed)
    k1, k2 = jax.random.split(key)
    # forward arg per input_specs (fill=randn)
    inp = jax.random.normal(k1, (N_VALUES,), dtype=jnp.float32)
    # 'learned' parameter: token_values built in __init__ from np.histogram/cdf of
    # train_data; it is a sorted, monotonically increasing array of n_tokens edges.
    # We synthesize it as sorted samples of the same (normal) distribution, which is
    # exactly what the CDF-binning construction produces for normal train_data.
    token_values = jnp.sort(jax.random.normal(k2, (N_TOKENS,), dtype=jnp.float32))
    return {"input": inp, "token_values": token_values}


def reference(input, token_values):
    n_tokens = token_values.shape[0]
    # torch.searchsorted default (right=False) == jnp.searchsorted side='left'
    token_idxs = jnp.searchsorted(token_values, input, side='left')
    token_idxs = token_idxs.astype(jnp.int32)
    # token_idxs[token_idxs >= n_tokens] = n_tokens - 1
    token_idxs = jnp.where(token_idxs >= n_tokens, n_tokens - 1, token_idxs)
    # gather the bracketing token values (negative index -1 wraps, same as torch)
    d0 = jnp.abs(token_values[token_idxs] - input)
    d1 = jnp.abs(input - token_values[token_idxs - 1])
    sel = jnp.argmin(jnp.stack([d0, d1], axis=-1), axis=-1)
    tokens = token_idxs - sel.astype(jnp.int32)
    return tokens.astype(jnp.int32)

if __name__ == "__main__":
    import jax
    _d = setup_inputs()
    print(jax.jit(kernel)(*tuple(_d.values())))

</pallas_src>

<mosaic_0001>
#map = affine_map<(d0, d1) -> (0)>
module attributes {stable_mosaic.version = 14 : i64} {
  func.func @_cdf_bin(%arg0: i32, %arg1: i32, %arg2: memref<16777216xf32, #tpu.memory_space<hbm>>, %arg3: memref<65536xf32, #tpu.memory_space<hbm>>, %arg4: memref<16777216xi32, #tpu.memory_space<hbm>>, %arg5: memref<65536xf32, #tpu.memory_space<vmem>>, %arg6: memref<8192xf32, #tpu.memory_space<vmem>>, %arg7: memref<8192xf32, #tpu.memory_space<vmem>>, %arg8: memref<8192xi32, #tpu.memory_space<vmem>>, %arg9: memref<8192xi32, #tpu.memory_space<vmem>>, %arg10: memref<!tpu.dma_semaphore, #tpu.memory_space<semaphore_mem>>, %arg11: memref<!tpu.dma_semaphore, #tpu.memory_space<semaphore_mem>>, %arg12: memref<!tpu.dma_semaphore, #tpu.memory_space<semaphore_mem>>, %arg13: memref<!tpu.dma_semaphore, #tpu.memory_space<semaphore_mem>>) attributes {dimension_semantics = [#tpu.dimension_semantics<core_parallel>, #tpu.dimension_semantics<subcore_parallel>], iteration_bounds = array<i64: 2, 16>, scalar_prefetch = 0 : i64, scratch_operands = 9 : i64, tpu.core_type = #tpu.core_type<sc_vector_subcore>, window_params = [{transform_indices = #map}, {transform_indices = #map}, {transform_indices = #map}]} {
    %mul3A = arith.constant 2 : i32
    %mul3A_0 = arith.muli %arg1, %mul3A : i32
    %add3A = arith.addi %mul3A_0, %arg0 : i32
    %mul3A_1 = arith.constant 524288 : i32
    %mul3A_2 = arith.muli %add3A, %mul3A_1 : i32
    %iota3A = tpu.iota {dimensions = array<i32: 0>} : vector<16xi32>
    %sub3A = arith.constant 16 : i32
    %sub3A_3 = vector.broadcast %sub3A : i32 to vector<16xi32>
    %sub3A_4 = arith.subi %sub3A_3, %iota3A : vector<16xi32>
    %neg3A = arith.constant 0 : i32
    %neg3A_5 = vector.broadcast %neg3A : i32 to vector<16xi32>
    %neg3A_6 = arith.subi %neg3A_5, %iota3A : vector<16xi32>
    %add3A_7 = arith.constant 48 : i32
    %add3A_8 = vector.broadcast %add3A_7 : i32 to vector<16xi32>
    %add3A_9 = arith.addi %iota3A, %add3A_8 : vector<16xi32>
    %add3A_10 = arith.constant 32 : i32
    %add3A_11 = vector.broadcast %add3A_10 : i32 to vector<16xi32>
    %add3A_12 = arith.addi %iota3A, %add3A_11 : vector<16xi32>
    "tpu.region"() ({
      %run_scoped3A = tpu.sem_alloc : memref<!tpu.dma_semaphore, #tpu.memory_space<semaphore_mem>>
      tpu.enqueue_dma source(%arg3 : memref<65536xf32, #tpu.memory_space<hbm>>) target(%arg5 : memref<65536xf32, #tpu.memory_space<vmem>>) target_semaphore(%run_scoped3A : memref<!tpu.dma_semaphore, #tpu.memory_space<semaphore_mem>>)
      tpu.wait_dma2 semaphore(%run_scoped3A : memref<!tpu.dma_semaphore, #tpu.memory_space<semaphore_mem>>) src(%arg3 : memref<65536xf32, #tpu.memory_space<hbm>>) dst(%arg5 : memref<65536xf32, #tpu.memory_space<vmem>>)
      tpu.yield
    }) : () -> ()
    %get3A = arith.constant 16 : index
    %get3A_13 = tpu.vector_load %arg5[%get3A] {strides = array<i32>} : memref<65536xf32, #tpu.memory_space<vmem>>, vector<16xf32>,
    %dma_start3A = tpu.memref_slice %arg2[%mul3A_2] : memref<16777216xf32, #tpu.memory_space<hbm>> -> memref<8192xf32, #tpu.memory_space<hbm>>
    %dma_start3A_14 = tpu.memref_slice %arg2[%mul3A_2] : memref<16777216xf32, #tpu.memory_space<hbm>> -> memref<8192xf32, #tpu.memory_space<hbm>>
    tpu.enqueue_dma source(%dma_start3A_14 : memref<8192xf32, #tpu.memory_space<hbm>>) target(%arg6 : memref<8192xf32, #tpu.memory_space<vmem>>) target_semaphore(%arg10 : memref<!tpu.dma_semaphore, #tpu.memory_space<semaphore_mem>>)
    %scan3A = arith.constant 0 : i32
    %scan3A_15 = arith.constant 0 : i32
    %scan3A_16 = arith.constant 32 : i32
    %scan3A_17 = arith.addi %scan3A_15, %scan3A_16 : i32
    %scan3A_18 = arith.constant 1 : i32
    scf.for %scan3A_27 = %scan3A_15 to %scan3A_17 step %scan3A_18  : i32 {
      %mul3A_28 = arith.constant 2 : i32
      %mul3A_29 = arith.muli %mul3A_28, %scan3A_27 : i32
      %add3A_30 = arith.constant 0 : i32
      %add3A_31 = arith.addi %mul3A_29, %add3A_30 : i32
      %mul3A_32 = arith.constant 8192 : i32
      %mul3A_33 = arith.muli %add3A_31, %mul3A_32 : i32
      %add3A_34 = arith.addi %mul3A_2, %mul3A_33 : i32
      %add3A_35 = arith.constant 8192 : i32
      %add3A_36 = arith.addi %add3A_34, %add3A_35 : i32
      %add3A_37 = arith.constant 1 : i32
      %add3A_38 = arith.addi %add3A_31, %add3A_37 : i32
      %lt3A = arith.constant 64 : i32
      %lt3A_39 = arith.cmpi slt, %add3A_38, %lt3A : i32
      %convert_element_type3A = arith.extui %lt3A_39 : i1 to i32
      %cond3A = arith.constant 0 : i32
      %cond3A_40 = arith.cmpi ne, %convert_element_type3A, %cond3A : i32
      scf.if %cond3A_40 {
        %dma_start3A_79 = tpu.memref_slice %arg2[%add3A_36] : memref<16777216xf32, #tpu.memory_space<hbm>> -> memref<8192xf32, #tpu.memory_space<hbm>>
        %dma_start3A_80 = tpu.memref_slice %arg2[%add3A_36] : memref<16777216xf32, #tpu.memory_space<hbm>> -> memref<8192xf32, #tpu.memory_space<hbm>>
        tpu.enqueue_dma source(%dma_start3A_80 : memref<8192xf32, #tpu.memory_space<hbm>>) target(%arg7 : memref<8192xf32, #tpu.memory_space<vmem>>) target_semaphore(%arg11 : memref<!tpu.dma_semaphore, #tpu.memory_space<semaphore_mem>>)
      } else {
      }
      %ge3A = arith.constant 2 : i32
      %ge3A_41 = arith.cmpi sge, %add3A_31, %ge3A : i32
      %convert_element_type3A_42 = arith.extui %ge3A_41 : i1 to i32
      %cond3A_43 = arith.constant 0 : i32
      %cond3A_44 = arith.cmpi ne, %convert_element_type3A_42, %cond3A_43 : i32
      scf.if %cond3A_44 {
        %dma_wait3A_79 = tpu.memref_slice %arg4[%add3A_34] : memref<16777216xi32, #tpu.memory_space<hbm>> -> memref<8192xi32, #tpu.memory_space<hbm>>
        %dma_wait3A_80 = tpu.memref_slice %arg4[%add3A_34] : memref<16777216xi32, #tpu.memory_space<hbm>> -> memref<8192xi32, #tpu.memory_space<hbm>>
        tpu.wait_dma2 semaphore(%arg12 : memref<!tpu.dma_semaphore, #tpu.memory_space<semaphore_mem>>) src(%arg8 : memref<8192xi32, #tpu.memory_space<vmem>>) dst(%dma_wait3A_80 : memref<8192xi32, #tpu.memory_space<hbm>>)
      } else {
      }
      %dma_wait3A_45 = tpu.memref_slice %arg2[%add3A_34] : memref<16777216xf32, #tpu.memory_space<hbm>> -> memref<8192xf32, #tpu.memory_space<hbm>>
      %dma_wait3A_46 = tpu.memref_slice %arg2[%add3A_34] : memref<16777216xf32, #tpu.memory_space<hbm>> -> memref<8192xf32, #tpu.memory_space<hbm>>
      tpu.wait_dma2 semaphore(%arg10 : memref<!tpu.dma_semaphore, #tpu.memory_space<semaphore_mem>>) src(%dma_wait3A_46 : memref<8192xf32, #tpu.memory_space<hbm>>) dst(%arg6 : memref<8192xf32, #tpu.memory_space<vmem>>)
      %parallel_loop3A = arith.constant 0 : i32
      %parallel_loop3A_47 = arith.constant 128 : i32
      %parallel_loop3A_48 = arith.constant 1 : i32
      scf.for %parallel_loop3A_79 = %parallel_loop3A to %parallel_loop3A_47 step %parallel_loop3A_48  : i32 {
        %parallel_loop3A_80 = arith.constant 64 : i32
        %parallel_loop3A_81 = arith.muli %parallel_loop3A_79, %parallel_loop3A_80 : i32
        %parallel_loop3A_82 = arith.constant 0 : i32
        %parallel_loop3A_83 = arith.addi %parallel_loop3A_81, %parallel_loop3A_82 : i32
        %parallel_loop3A_84 = arith.index_cast %parallel_loop3A_83 : i32 to index
        %parallel_loop3A_85 = tpu.vector_load %arg6[%parallel_loop3A_84] {strides = array<i32>} : memref<8192xf32, #tpu.memory_space<vmem>>, vector<16xf32>,
        %parallel_loop3A_86 = arith.constant 16 : i32
        %parallel_loop3A_87 = arith.addi %parallel_loop3A_81, %parallel_loop3A_86 : i32
        %parallel_loop3A_88 = arith.index_cast %parallel_loop3A_87 : i32 to index
        %parallel_loop3A_89 = tpu.vector_load %arg6[%parallel_loop3A_88] {strides = array<i32>} : memref<8192xf32, #tpu.memory_space<vmem>>, vector<16xf32>,
        %parallel_loop3A_90 = arith.constant 32 : i32
        %parallel_loop3A_91 = arith.addi %parallel_loop3A_81, %parallel_loop3A_90 : i32
        %parallel_loop3A_92 = arith.index_cast %parallel_loop3A_91 : i32 to index
        %parallel_loop3A_93 = tpu.vector_load %arg6[%parallel_loop3A_92] {strides = array<i32>} : memref<8192xf32, #tpu.memory_space<vmem>>, vector<16xf32>,
        %parallel_loop3A_94 = arith.constant 48 : i32
        %parallel_loop3A_95 = arith.addi %parallel_loop3A_81, %parallel_loop3A_94 : i32
        %parallel_loop3A_96 = arith.index_cast %parallel_loop3A_95 : i32 to index
        %parallel_loop3A_97 = tpu.vector_load %arg6[%parallel_loop3A_96] {strides = array<i32>} : memref<8192xf32, #tpu.memory_space<vmem>>, vector<16xf32>,
        %parallel_loop3A_98 = arith.cmpf ole, %get3A_13, %parallel_loop3A_85 : vector<16xf32>
        %parallel_loop3A_99 = arith.select %parallel_loop3A_98, %add3A_9, %add3A_12 : vector<16xi1>, vector<16xi32>
        %parallel_loop3A_100 = arith.cmpf ole, %get3A_13, %parallel_loop3A_89 : vector<16xf32>
        %parallel_loop3A_101 = arith.select %parallel_loop3A_100, %add3A_9, %add3A_12 : vector<16xi1>, vector<16xi32>
        %parallel_loop3A_102 = arith.cmpf ole, %get3A_13, %parallel_loop3A_93 : vector<16xf32>
        %parallel_loop3A_103 = arith.select %parallel_loop3A_102, %add3A_9, %add3A_12 : vector<16xi1>, vector<16xi32>
        %parallel_loop3A_104 = arith.cmpf ole, %get3A_13, %parallel_loop3A_97 : vector<16xf32>
        %parallel_loop3A_105 = arith.select %parallel_loop3A_104, %add3A_9, %add3A_12 : vector<16xi1>, vector<16xi32>
        %parallel_loop3A_106 = tpu.vector_load_idx %arg5[%parallel_loop3A_99] : memref<65536xf32, #tpu.memory_space<vmem>>[vector<16xi32>], vector<16xf32>,
        %parallel_loop3A_107 = tpu.vector_load_idx %arg5[%parallel_loop3A_101] : memref<65536xf32, #tpu.memory_space<vmem>>[vector<16xi32>], vector<16xf32>,
        %parallel_loop3A_108 = tpu.vector_load_idx %arg5[%parallel_loop3A_103] : memref<65536xf32, #tpu.memory_space<vmem>>[vector<16xi32>], vector<16xf32>,
        %parallel_loop3A_109 = tpu.vector_load_idx %arg5[%parallel_loop3A_105] : memref<65536xf32, #tpu.memory_space<vmem>>[vector<16xi32>], vector<16xf32>,
        %parallel_loop3A_110 = arith.addi %parallel_loop3A_99, %parallel_loop3A_99 : vector<16xi32>
        %parallel_loop3A_111 = arith.cmpf ole, %parallel_loop3A_106, %parallel_loop3A_85 : vector<16xf32>
        %parallel_loop3A_112 = arith.select %parallel_loop3A_111, %sub3A_4, %neg3A_6 : vector<16xi1>, vector<16xi32>
        %parallel_loop3A_113 = arith.addi %parallel_loop3A_110, %parallel_loop3A_112 : vector<16xi32>
        %parallel_loop3A_114 = arith.addi %parallel_loop3A_101, %parallel_loop3A_101 : vector<16xi32>
        %parallel_loop3A_115 = arith.cmpf ole, %parallel_loop3A_107, %parallel_loop3A_89 : vector<16xf32>
        %parallel_loop3A_116 = arith.select %parallel_loop3A_115, %sub3A_4, %neg3A_6 : vector<16xi1>, vector<16xi32>
        %parallel_loop3A_117 = arith.addi %parallel_loop3A_114, %parallel_loop3A_116 : vector<16xi32>
        %parallel_loop3A_118 = arith.addi %parallel_loop3A_103, %parallel_loop3A_103 : vector<16xi32>
        %parallel_loop3A_119 = arith.cmpf ole, %parallel_loop3A_108, %parallel_loop3A_93 : vector<16xf32>
        %parallel_loop3A_120 = arith.select %parallel_loop3A_119, %sub3A_4, %neg3A_6 : vector<16xi1>, vector<16xi32>
        %parallel_loop3A_121 = arith.addi %parallel_loop3A_118, %parallel_loop3A_120 : vector<16xi32>
        %parallel_loop3A_122 = arith.addi %parallel_loop3A_105, %parallel_loop3A_105 : vector<16xi32>
        %parallel_loop3A_123 = arith.cmpf ole, %parallel_loop3A_109, %parallel_loop3A_97 : vector<16xf32>
        %parallel_loop3A_124 = arith.select %parallel_loop3A_123, %sub3A_4, %neg3A_6 : vector<16xi1>, vector<16xi32>
        %parallel_loop3A_125 = arith.addi %parallel_loop3A_122, %parallel_loop3A_124 : vector<16xi32>
        %parallel_loop3A_126 = tpu.vector_load_idx %arg5[%parallel_loop3A_113] : memref<65536xf32, #tpu.memory_space<vmem>>[vector<16xi32>], vector<16xf32>,
        %parallel_loop3A_127 = tpu.vector_load_idx %arg5[%parallel_loop3A_117] : memref<65536xf32, #tpu.memory_space<vmem>>[vector<16xi32>], vector<16xf32>,
        %parallel_loop3A_128 = tpu.vector_load_idx %arg5[%parallel_loop3A_121] : memref<65536xf32, #tpu.memory_space<vmem>>[vector<16xi32>], vector<16xf32>,
        %parallel_loop3A_129 = tpu.vector_load_idx %arg5[%parallel_loop3A_125] : memref<65536xf32, #tpu.memory_space<vmem>>[vector<16xi32>], vector<16xf32>,
        %parallel_loop3A_130 = arith.addi %parallel_loop3A_113, %parallel_loop3A_113 : vector<16xi32>
        %parallel_loop3A_131 = arith.cmpf ole, %parallel_loop3A_126, %parallel_loop3A_85 : vector<16xf32>
        %parallel_loop3A_132 = arith.select %parallel_loop3A_131, %sub3A_4, %neg3A_6 : vector<16xi1>, vector<16xi32>
        %parallel_loop3A_133 = arith.addi %parallel_loop3A_130, %parallel_loop3A_132 : vector<16xi32>
        %parallel_loop3A_134 = arith.addi %parallel_loop3A_117, %parallel_loop3A_117 : vector<16xi32>
        %parallel_loop3A_135 = arith.cmpf ole, %parallel_loop3A_127, %parallel_loop3A_89 : vector<16xf32>
        %parallel_loop3A_136 = arith.select %parallel_loop3A_135, %sub3A_4, %neg3A_6 : vector<16xi1>, vector<16xi32>
        %parallel_loop3A_137 = arith.addi %parallel_loop3A_134, %parallel_loop3A_136 : vector<16xi32>
        %parallel_loop3A_138 = arith.addi %parallel_loop3A_121, %parallel_loop3A_121 : vector<16xi32>
        %parallel_loop3A_139 = arith.cmpf ole, %parallel_loop3A_128, %parallel_loop3A_93 : vector<16xf32>
        %parallel_loop3A_140 = arith.select %parallel_loop3A_139, %sub3A_4, %neg3A_6 : vector<16xi1>, vector<16xi32>
        %parallel_loop3A_141 = arith.addi %parallel_loop3A_138, %parallel_loop3A_140 : vector<16xi32>
        %parallel_loop3A_142 = arith.addi %parallel_loop3A_125, %parallel_loop3A_125 : vector<16xi32>
        %parallel_loop3A_143 = arith.cmpf ole, %parallel_loop3A_129, %parallel_loop3A_97 : vector<16xf32>
        %parallel_loop3A_144 = arith.select %parallel_loop3A_143, %sub3A_4, %neg3A_6 : vector<16xi1>, vector<16xi32>
        %parallel_loop3A_145 = arith.addi %parallel_loop3A_142, %parallel_loop3A_144 : vector<16xi32>
        %parallel_loop3A_146 = tpu.vector_load_idx %arg5[%parallel_loop3A_133] : memref<65536xf32, #tpu.memory_space<vmem>>[vector<16xi32>], vector<16xf32>,
        %parallel_loop3A_147 = tpu.vector_load_idx %arg5[%parallel_loop3A_137] : memref<65536xf32, #tpu.memory_space<vmem>>[vector<16xi32>], vector<16xf32>,
        %parallel_loop3A_148 = tpu.vector_load_idx %arg5[%parallel_loop3A_141] : memref<65536xf32, #tpu.memory_space<vmem>>[vector<16xi32>], vector<16xf32>,
        %parallel_loop3A_149 = tpu.vector_load_idx %arg5[%parallel_loop3A_145] : memref<65536xf32, #tpu.memory_space<vmem>>[vector<16xi32>], vector<16xf32>,
        %parallel_loop3A_150 = arith.addi %parallel_loop3A_133, %parallel_loop3A_133 : vector<16xi32>
        %parallel_loop3A_151 = arith.cmpf ole, %parallel_loop3A_146, %parallel_loop3A_85 : vector<16xf32>
        %parallel_loop3A_152 = arith.select %parallel_loop3A_151, %sub3A_4, %neg3A_6 : vector<16xi1>, vector<16xi32>
        %parallel_loop3A_153 = arith.addi %parallel_loop3A_150, %parallel_loop3A_152 : vector<16xi32>
        %parallel_loop3A_154 = arith.addi %parallel_loop3A_137, %parallel_loop3A_137 : vector<16xi32>
        %parallel_loop3A_155 = arith.cmpf ole, %parallel_loop3A_147, %parallel_loop3A_89 : vector<16xf32>
        %parallel_loop3A_156 = arith.select %parallel_loop3A_155, %sub3A_4, %neg3A_6 : vector<16xi1>, vector<16xi32>
        %parallel_loop3A_157 = arith.addi %parallel_loop3A_154, %parallel_loop3A_156 : vector<16xi32>
        %parallel_loop3A_158 = arith.addi %parallel_loop3A_141, %parallel_loop3A_141 : vector<16xi32>
        %parallel_loop3A_159 = arith.cmpf ole, %parallel_loop3A_148, %parallel_loop3A_93 : vector<16xf32>
        %parallel_loop3A_160 = arith.select %parallel_loop3A_159, %sub3A_4, %neg3A_6 : vector<16xi1>, vector<16xi32>
        %parallel_loop3A_161 = arith.addi %parallel_loop3A_158, %parallel_loop3A_160 : vector<16xi32>
        %parallel_loop3A_162 = arith.addi %parallel_loop3A_145, %parallel_loop3A_145 : vector<16xi32>
        %parallel_loop3A_163 = arith.cmpf ole, %parallel_loop3A_149, %parallel_loop3A_97 : vector<16xf32>
        %parallel_loop3A_164 = arith.select %parallel_loop3A_163, %sub3A_4, %neg3A_6 : vector<16xi1>, vector<16xi32>
        %parallel_loop3A_165 = arith.addi %parallel_loop3A_162, %parallel_loop3A_164 : vector<16xi32>
        %parallel_loop3A_166 = tpu.vector_load_idx %arg5[%parallel_loop3A_153] : memref<65536xf32, #tpu.memory_space<vmem>>[vector<16xi32>], vector<16xf32>,
        %parallel_loop3A_167 = tpu.vector_load_idx %arg5[%parallel_loop3A_157] : memref<65536xf32, #tpu.memory_space<vmem>>[vector<16xi32>], vector<16xf32>,
        %parallel_loop3A_168 = tpu.vector_load_idx %arg5[%parallel_loop3A_161] : memref<65536xf32, #tpu.memory_space<vmem>>[vector<16xi32>], vector<16xf32>,
        %parallel_loop3A_169 = tpu.vector_load_idx %arg5[%parallel_loop3A_165] : memref<65536xf32, #tpu.memory_space<vmem>>[vector<16xi32>], vector<16xf32>,
        %parallel_loop3A_170 = arith.addi %parallel_loop3A_153, %parallel_loop3A_153 : vector<16xi32>
        %parallel_loop3A_171 = arith.cmpf ole, %parallel_loop3A_166, %parallel_loop3A_85 : vector<16xf32>
        %parallel_loop3A_172 = arith.select %parallel_loop3A_171, %sub3A_4, %neg3A_6 : vector<16xi1>, vector<16xi32>
        %parallel_loop3A_173 = arith.addi %parallel_loop3A_170, %parallel_loop3A_172 : vector<16xi32>
        %parallel_loop3A_174 = arith.addi %parallel_loop3A_157, %parallel_loop3A_157 : vector<16xi32>
        %parallel_loop3A_175 = arith.cmpf ole, %parallel_loop3A_167, %parallel_loop3A_89 : vector<16xf32>
        %parallel_loop3A_176 = arith.select %parallel_loop3A_175, %sub3A_4, %neg3A_6 : vector<16xi1>, vector<16xi32>
        %parallel_loop3A_177 = arith.addi %parallel_loop3A_174, %parallel_loop3A_176 : vector<16xi32>
        %parallel_loop3A_178 = arith.addi %parallel_loop3A_161, %parallel_loop3A_161 : vector<16xi32>
        %parallel_loop3A_179 = arith.cmpf ole, %parallel_loop3A_168, %parallel_loop3A_93 : vector<16xf32>
        %parallel_loop3A_180 = arith.select %parallel_loop3A_179, %sub3A_4, %neg3A_6 : vector<16xi1>, vector<16xi32>
        %parallel_loop3A_181 = arith.addi %parallel_loop3A_178, %parallel_loop3A_180 : vector<16xi32>
        %parallel_loop3A_182 = arith.addi %parallel_loop3A_165, %parallel_loop3A_165 : vector<16xi32>
        %parallel_loop3A_183 = arith.cmpf ole, %parallel_loop3A_169, %parallel_loop3A_97 : vector<16xf32>
        %parallel_loop3A_184 = arith.select %parallel_loop3A_183, %sub3A_4, %neg3A_6 : vector<16xi1>, vector<16xi32>
        %parallel_loop3A_185 = arith.addi %parallel_loop3A_182, %parallel_loop3A_184 : vector<16xi32>
        %parallel_loop3A_186 = tpu.vector_load_idx %arg5[%parallel_loop3A_173] : memref<65536xf32, #tpu.memory_space<vmem>>[vector<16xi32>], vector<16xf32>,
        %parallel_loop3A_187 = tpu.vector_load_idx %arg5[%parallel_loop3A_177] : memref<65536xf32, #tpu.memory_space<vmem>>[vector<16xi32>], vector<16xf32>,
        %parallel_loop3A_188 = tpu.vector_load_idx %arg5[%parallel_loop3A_181] : memref<65536xf32, #tpu.memory_space<vmem>>[vector<16xi32>], vector<16xf32>,
        %parallel_loop3A_189 = tpu.vector_load_idx %arg5[%parallel_loop3A_185] : memref<65536xf32, #tpu.memory_space<vmem>>[vector<16xi32>], vector<16xf32>,
        %parallel_loop3A_190 = arith.addi %parallel_loop3A_173, %parallel_loop3A_173 : vector<16xi32>
        %parallel_loop3A_191 = arith.cmpf ole, %parallel_loop3A_186, %parallel_loop3A_85 : vector<16xf32>
        %parallel_loop3A_192 = arith.select %parallel_loop3A_191, %sub3A_4, %neg3A_6 : vector<16xi1>, vector<16xi32>
        %parallel_loop3A_193 = arith.addi %parallel_loop3A_190, %parallel_loop3A_192 : vector<16xi32>
        %parallel_loop3A_194 = arith.addi %parallel_loop3A_177, %parallel_loop3A_177 : vector<16xi32>
        %parallel_loop3A_195 = arith.cmpf ole, %parallel_loop3A_187, %parallel_loop3A_89 : vector<16xf32>
        %parallel_loop3A_196 = arith.select %parallel_loop3A_195, %sub3A_4, %neg3A_6 : vector<16xi1>, vector<16xi32>
        %parallel_loop3A_197 = arith.addi %parallel_loop3A_194, %parallel_loop3A_196 : vector<16xi32>
        %parallel_loop3A_198 = arith.addi %parallel_loop3A_181, %parallel_loop3A_181 : vector<16xi32>
        %parallel_loop3A_199 = arith.cmpf ole, %parallel_loop3A_188, %parallel_loop3A_93 : vector<16xf32>
        %parallel_loop3A_200 = arith.select %parallel_loop3A_199, %sub3A_4, %neg3A_6 : vector<16xi1>, vector<16xi32>
        %parallel_loop3A_201 = arith.addi %parallel_loop3A_198, %parallel_loop3A_200 : vector<16xi32>
        %parallel_loop3A_202 = arith.addi %parallel_loop3A_185, %parallel_loop3A_185 : vector<16xi32>
        %parallel_loop3A_203 = arith.cmpf ole, %parallel_loop3A_189, %parallel_loop3A_97 : vector<16xf32>
        %parallel_loop3A_204 = arith.select %parallel_loop3A_203, %sub3A_4, %neg3A_6 : vector<16xi1>, vector<16xi32>
        %parallel_loop3A_205 = arith.addi %parallel_loop3A_202, %parallel_loop3A_204 : vector<16xi32>
        %parallel_loop3A_206 = tpu.vector_load_idx %arg5[%parallel_loop3A_193] : memref<65536xf32, #tpu.memory_space<vmem>>[vector<16xi32>], vector<16xf32>,
        %parallel_loop3A_207 = tpu.vector_load_idx %arg5[%parallel_loop3A_197] : memref<65536xf32, #tpu.memory_space<vmem>>[vector<16xi32>], vector<16xf32>,
        %parallel_loop3A_208 = tpu.vector_load_idx %arg5[%parallel_loop3A_201] : memref<65536xf32, #tpu.memory_space<vmem>>[vector<16xi32>], vector<16xf32>,
        %parallel_loop3A_209 = tpu.vector_load_idx %arg5[%parallel_loop3A_205] : memref<65536xf32, #tpu.memory_space<vmem>>[vector<16xi32>], vector<16xf32>,
        %parallel_loop3A_210 = arith.addi %parallel_loop3A_193, %parallel_loop3A_193 : vector<16xi32>
        %parallel_loop3A_211 = arith.cmpf ole, %parallel_loop3A_206, %parallel_loop3A_85 : vector<16xf32>
        %parallel_loop3A_212 = arith.select %parallel_loop3A_211, %sub3A_4, %neg3A_6 : vector<16xi1>, vector<16xi32>
        %parallel_loop3A_213 = arith.addi %parallel_loop3A_210, %parallel_loop3A_212 : vector<16xi32>
        %parallel_loop3A_214 = arith.addi %parallel_loop3A_197, %parallel_loop3A_197 : vector<16xi32>
        %parallel_loop3A_215 = arith.cmpf ole, %parallel_loop3A_207, %parallel_loop3A_89 : vector<16xf32>
        %parallel_loop3A_216 = arith.select %parallel_loop3A_215, %sub3A_4, %neg3A_6 : vector<16xi1>, vector<16xi32>
        %parallel_loop3A_217 = arith.addi %parallel_loop3A_214, %parallel_loop3A_216 : vector<16xi32>
        %parallel_loop3A_218 = arith.addi %parallel_loop3A_201, %parallel_loop3A_201 : vector<16xi32>
        %parallel_loop3A_219 = arith.cmpf ole, %parallel_loop3A_208, %parallel_loop3A_93 : vector<16xf32>
        %parallel_loop3A_220 = arith.select %parallel_loop3A_219, %sub3A_4, %neg3A_6 : vector<16xi1>, vector<16xi32>
        %parallel_loop3A_221 = arith.addi %parallel_loop3A_218, %parallel_loop3A_220 : vector<16xi32>
        %parallel_loop3A_222 = arith.addi %parallel_loop3A_205, %parallel_loop3A_205 : vector<16xi32>
        %parallel_loop3A_223 = arith.cmpf ole, %parallel_loop3A_209, %parallel_loop3A_97 : vector<16xf32>
        %parallel_loop3A_224 = arith.select %parallel_loop3A_223, %sub3A_4, %neg3A_6 : vector<16xi1>, vector<16xi32>
        %parallel_loop3A_225 = arith.addi %parallel_loop3A_222, %parallel_loop3A_224 : vector<16xi32>
        %parallel_loop3A_226 = tpu.vector_load_idx %arg5[%parallel_loop3A_213] : memref<65536xf32, #tpu.memory_space<vmem>>[vector<16xi32>], vector<16xf32>,
        %parallel_loop3A_227 = tpu.vector_load_idx %arg5[%parallel_loop3A_217] : memref<65536xf32, #tpu.memory_space<vmem>>[vector<16xi32>], vector<16xf32>,
        %parallel_loop3A_228 = tpu.vector_load_idx %arg5[%parallel_loop3A_221] : memref<65536xf32, #tpu.memory_space<vmem>>[vector<16xi32>], vector<16xf32>,
        %parallel_loop3A_229 = tpu.vector_load_idx %arg5[%parallel_loop3A_225] : memref<65536xf32, #tpu.memory_space<vmem>>[vector<16xi32>], vector<16xf32>,
        %parallel_loop3A_230 = arith.addi %parallel_loop3A_213, %parallel_loop3A_213 : vector<16xi32>
        %parallel_loop3A_231 = arith.cmpf ole, %parallel_loop3A_226, %parallel_loop3A_85 : vector<16xf32>
        %parallel_loop3A_232 = arith.select %parallel_loop3A_231, %sub3A_4, %neg3A_6 : vector<16xi1>, vector<16xi32>
        %parallel_loop3A_233 = arith.addi %parallel_loop3A_230, %parallel_loop3A_232 : vector<16xi32>
        %parallel_loop3A_234 = arith.addi %parallel_loop3A_217, %parallel_loop3A_217 : vector<16xi32>
        %parallel_loop3A_235 = arith.cmpf ole, %parallel_loop3A_227, %parallel_loop3A_89 : vector<16xf32>
        %parallel_loop3A_236 = arith.select %parallel_loop3A_235, %sub3A_4, %neg3A_6 : vector<16xi1>, vector<16xi32>
        %parallel_loop3A_237 = arith.addi %parallel_loop3A_234, %parallel_loop3A_236 : vector<16xi32>
        %parallel_loop3A_238 = arith.addi %parallel_loop3A_221, %parallel_loop3A_221 : vector<16xi32>
        %parallel_loop3A_239 = arith.cmpf ole, %parallel_loop3A_228, %parallel_loop3A_93 : vector<16xf32>
        %parallel_loop3A_240 = arith.select %parallel_loop3A_239, %sub3A_4, %neg3A_6 : vector<16xi1>, vector<16xi32>
        %parallel_loop3A_241 = arith.addi %parallel_loop3A_238, %parallel_loop3A_240 : vector<16xi32>
        %parallel_loop3A_242 = arith.addi %parallel_loop3A_225, %parallel_loop3A_225 : vector<16xi32>
        %parallel_loop3A_243 = arith.cmpf ole, %parallel_loop3A_229, %parallel_loop3A_97 : vector<16xf32>
        %parallel_loop3A_244 = arith.select %parallel_loop3A_243, %sub3A_4, %neg3A_6 : vector<16xi1>, vector<16xi32>
        %parallel_loop3A_245 = arith.addi %parallel_loop3A_242, %parallel_loop3A_244 : vector<16xi32>
        %parallel_loop3A_246 = tpu.vector_load_idx %arg5[%parallel_loop3A_233] : memref<65536xf32, #tpu.memory_space<vmem>>[vector<16xi32>], vector<16xf32>,
        %parallel_loop3A_247 = tpu.vector_load_idx %arg5[%parallel_loop3A_237] : memref<65536xf32, #tpu.memory_space<vmem>>[vector<16xi32>], vector<16xf32>,
        %parallel_loop3A_248 = tpu.vector_load_idx %arg5[%parallel_loop3A_241] : memref<65536xf32, #tpu.memory_space<vmem>>[vector<16xi32>], vector<16xf32>,
        %parallel_loop3A_249 = tpu.vector_load_idx %arg5[%parallel_loop3A_245] : memref<65536xf32, #tpu.memory_space<vmem>>[vector<16xi32>], vector<16xf32>,
        %parallel_loop3A_250 = arith.addi %parallel_loop3A_233, %parallel_loop3A_233 : vector<16xi32>
        %parallel_loop3A_251 = arith.cmpf ole, %parallel_loop3A_246, %parallel_loop3A_85 : vector<16xf32>
        %parallel_loop3A_252 = arith.select %parallel_loop3A_251, %sub3A_4, %neg3A_6 : vector<16xi1>, vector<16xi32>
        %parallel_loop3A_253 = arith.addi %parallel_loop3A_250, %parallel_loop3A_252 : vector<16xi32>
        %parallel_loop3A_254 = arith.addi %parallel_loop3A_237, %parallel_loop3A_237 : vector<16xi32>
        %parallel_loop3A_255 = arith.cmpf ole, %parallel_loop3A_247, %parallel_loop3A_89 : vector<16xf32>
        %parallel_loop3A_256 = arith.select %parallel_loop3A_255, %sub3A_4, %neg3A_6 : vector<16xi1>, vector<16xi32>
        %parallel_loop3A_257 = arith.addi %parallel_loop3A_254, %parallel_loop3A_256 : vector<16xi32>
        %parallel_loop3A_258 = arith.addi %parallel_loop3A_241, %parallel_loop3A_241 : vector<16xi32>
        %parallel_loop3A_259 = arith.cmpf ole, %parallel_loop3A_248, %parallel_loop3A_93 : vector<16xf32>
        %parallel_loop3A_260 = arith.select %parallel_loop3A_259, %sub3A_4, %neg3A_6 : vector<16xi1>, vector<16xi32>
        %parallel_loop3A_261 = arith.addi %parallel_loop3A_258, %parallel_loop3A_260 : vector<16xi32>
        %parallel_loop3A_262 = arith.addi %parallel_loop3A_245, %parallel_loop3A_245 : vector<16xi32>
        %parallel_loop3A_263 = arith.cmpf ole, %parallel_loop3A_249, %parallel_loop3A_97 : vector<16xf32>
        %parallel_loop3A_264 = arith.select %parallel_loop3A_263, %sub3A_4, %neg3A_6 : vector<16xi1>, vector<16xi32>
        %parallel_loop3A_265 = arith.addi %parallel_loop3A_262, %parallel_loop3A_264 : vector<16xi32>
        %parallel_loop3A_266 = tpu.vector_load_idx %arg5[%parallel_loop3A_253] : memref<65536xf32, #tpu.memory_space<vmem>>[vector<16xi32>], vector<16xf32>,
        %parallel_loop3A_267 = tpu.vector_load_idx %arg5[%parallel_loop3A_257] : memref<65536xf32, #tpu.memory_space<vmem>>[vector<16xi32>], vector<16xf32>,
        %parallel_loop3A_268 = tpu.vector_load_idx %arg5[%parallel_loop3A_261] : memref<65536xf32, #tpu.memory_space<vmem>>[vector<16xi32>], vector<16xf32>,
        %parallel_loop3A_269 = tpu.vector_load_idx %arg5[%parallel_loop3A_265] : memref<65536xf32, #tpu.memory_space<vmem>>[vector<16xi32>], vector<16xf32>,
        %parallel_loop3A_270 = arith.addi %parallel_loop3A_253, %parallel_loop3A_253 : vector<16xi32>
        %parallel_loop3A_271 = arith.cmpf ole, %parallel_loop3A_266, %parallel_loop3A_85 : vector<16xf32>
        %parallel_loop3A_272 = arith.select %parallel_loop3A_271, %sub3A_4, %neg3A_6 : vector<16xi1>, vector<16xi32>
        %parallel_loop3A_273 = arith.addi %parallel_loop3A_270, %parallel_loop3A_272 : vector<16xi32>
        %parallel_loop3A_274 = arith.addi %parallel_loop3A_257, %parallel_loop3A_257 : vector<16xi32>
        %parallel_loop3A_275 = arith.cmpf ole, %parallel_loop3A_267, %parallel_loop3A_89 : vector<16xf32>
        %parallel_loop3A_276 = arith.select %parallel_loop3A_275, %sub3A_4, %neg3A_6 : vector<16xi1>, vector<16xi32>
        %parallel_loop3A_277 = arith.addi %parallel_loop3A_274, %parallel_loop3A_276 : vector<16xi32>
        %parallel_loop3A_278 = arith.addi %parallel_loop3A_261, %parallel_loop3A_261 : vector<16xi32>
        %parallel_loop3A_279 = arith.cmpf ole, %parallel_loop3A_268, %parallel_loop3A_93 : vector<16xf32>
        %parallel_loop3A_280 = arith.select %parallel_loop3A_279, %sub3A_4, %neg3A_6 : vector<16xi1>, vector<16xi32>
        %parallel_loop3A_281 = arith.addi %parallel_loop3A_278, %parallel_loop3A_280 : vector<16xi32>
        %parallel_loop3A_282 = arith.addi %parallel_loop3A_265, %parallel_loop3A_265 : vector<16xi32>
        %parallel_loop3A_283 = arith.cmpf ole, %parallel_loop3A_269, %parallel_loop3A_97 : vector<16xf32>
        %parallel_loop3A_284 = arith.select %parallel_loop3A_283, %sub3A_4, %neg3A_6 : vector<16xi1>, vector<16xi32>
        %parallel_loop3A_285 = arith.addi %parallel_loop3A_282, %parallel_loop3A_284 : vector<16xi32>
        %parallel_loop3A_286 = tpu.vector_load_idx %arg5[%parallel_loop3A_273] : memref<65536xf32, #tpu.memory_space<vmem>>[vector<16xi32>], vector<16xf32>,
        %parallel_loop3A_287 = tpu.vector_load_idx %arg5[%parallel_loop3A_277] : memref<65536xf32, #tpu.memory_space<vmem>>[vector<16xi32>], vector<16xf32>,
        %parallel_loop3A_288 = tpu.vector_load_idx %arg5[%parallel_loop3A_281] : memref<65536xf32, #tpu.memory_space<vmem>>[vector<16xi32>], vector<16xf32>,
        %parallel_loop3A_289 = tpu.vector_load_idx %arg5[%parallel_loop3A_285] : memref<65536xf32, #tpu.memory_space<vmem>>[vector<16xi32>], vector<16xf32>,
        %parallel_loop3A_290 = arith.addi %parallel_loop3A_273, %parallel_loop3A_273 : vector<16xi32>
        %parallel_loop3A_291 = arith.cmpf ole, %parallel_loop3A_286, %parallel_loop3A_85 : vector<16xf32>
        %parallel_loop3A_292 = arith.select %parallel_loop3A_291, %sub3A_4, %neg3A_6 : vector<16xi1>, vector<16xi32>
        %parallel_loop3A_293 = arith.addi %parallel_loop3A_290, %parallel_loop3A_292 : vector<16xi32>
        %parallel_loop3A_294 = arith.addi %parallel_loop3A_277, %parallel_loop3A_277 : vector<16xi32>
        %parallel_loop3A_295 = arith.cmpf ole, %parallel_loop3A_287, %parallel_loop3A_89 : vector<16xf32>
        %parallel_loop3A_296 = arith.select %parallel_loop3A_295, %sub3A_4, %neg3A_6 : vector<16xi1>, vector<16xi32>
        %parallel_loop3A_297 = arith.addi %parallel_loop3A_294, %parallel_loop3A_296 : vector<16xi32>
        %parallel_loop3A_298 = arith.addi %parallel_loop3A_281, %parallel_loop3A_281 : vector<16xi32>
        %parallel_loop3A_299 = arith.cmpf ole, %parallel_loop3A_288, %parallel_loop3A_93 : vector<16xf32>
        %parallel_loop3A_300 = arith.select %parallel_loop3A_299, %sub3A_4, %neg3A_6 : vector<16xi1>, vector<16xi32>
        %parallel_loop3A_301 = arith.addi %parallel_loop3A_298, %parallel_loop3A_300 : vector<16xi32>
        %parallel_loop3A_302 = arith.addi %parallel_loop3A_285, %parallel_loop3A_285 : vector<16xi32>
        %parallel_loop3A_303 = arith.cmpf ole, %parallel_loop3A_289, %parallel_loop3A_97 : vector<16xf32>
        %parallel_loop3A_304 = arith.select %parallel_loop3A_303, %sub3A_4, %neg3A_6 : vector<16xi1>, vector<16xi32>
        %parallel_loop3A_305 = arith.addi %parallel_loop3A_302, %parallel_loop3A_304 : vector<16xi32>
        %parallel_loop3A_306 = tpu.vector_load_idx %arg5[%parallel_loop3A_293] : memref<65536xf32, #tpu.memory_space<vmem>>[vector<16xi32>], vector<16xf32>,
        %parallel_loop3A_307 = tpu.vector_load_idx %arg5[%parallel_loop3A_297] : memref<65536xf32, #tpu.memory_space<vmem>>[vector<16xi32>], vector<16xf32>,
        %parallel_loop3A_308 = tpu.vector_load_idx %arg5[%parallel_loop3A_301] : memref<65536xf32, #tpu.memory_space<vmem>>[vector<16xi32>], vector<16xf32>,
        %parallel_loop3A_309 = tpu.vector_load_idx %arg5[%parallel_loop3A_305] : memref<65536xf32, #tpu.memory_space<vmem>>[vector<16xi32>], vector<16xf32>,
        %parallel_loop3A_310 = arith.addi %parallel_loop3A_293, %parallel_loop3A_293 : vector<16xi32>
        %parallel_loop3A_311 = arith.cmpf ole, %parallel_loop3A_306, %parallel_loop3A_85 : vector<16xf32>
        %parallel_loop3A_312 = arith.select %parallel_loop3A_311, %sub3A_4, %neg3A_6 : vector<16xi1>, vector<16xi32>
        %parallel_loop3A_313 = arith.addi %parallel_loop3A_310, %parallel_loop3A_312 : vector<16xi32>
        %parallel_loop3A_314 = arith.addi %parallel_loop3A_297, %parallel_loop3A_297 : vector<16xi32>
        %parallel_loop3A_315 = arith.cmpf ole, %parallel_loop3A_307, %parallel_loop3A_89 : vector<16xf32>
        %parallel_loop3A_316 = arith.select %parallel_loop3A_315, %sub3A_4, %neg3A_6 : vector<16xi1>, vector<16xi32>
        %parallel_loop3A_317 = arith.addi %parallel_loop3A_314, %parallel_loop3A_316 : vector<16xi32>
        %parallel_loop3A_318 = arith.addi %parallel_loop3A_301, %parallel_loop3A_301 : vector<16xi32>
        %parallel_loop3A_319 = arith.cmpf ole, %parallel_loop3A_308, %parallel_loop3A_93 : vector<16xf32>
        %parallel_loop3A_320 = arith.select %parallel_loop3A_319, %sub3A_4, %neg3A_6 : vector<16xi1>, vector<16xi32>
        %parallel_loop3A_321 = arith.addi %parallel_loop3A_318, %parallel_loop3A_320 : vector<16xi32>
        %parallel_loop3A_322 = arith.addi %parallel_loop3A_305, %parallel_loop3A_305 : vector<16xi32>
        %parallel_loop3A_323 = arith.cmpf ole, %parallel_loop3A_309, %parallel_loop3A_97 : vector<16xf32>
        %parallel_loop3A_324 = arith.select %parallel_loop3A_323, %sub3A_4, %neg3A_6 : vector<16xi1>, vector<16xi32>
        %parallel_loop3A_325 = arith.addi %parallel_loop3A_322, %parallel_loop3A_324 : vector<16xi32>
        %parallel_loop3A_326 = arith.constant 4 : i32
        %parallel_loop3A_327 = vector.broadcast %parallel_loop3A_326 : i32 to vector<16xi32>
        %parallel_loop3A_328 = arith.shrsi %parallel_loop3A_313, %parallel_loop3A_327 : vector<16xi32>
        %parallel_loop3A_329 = arith.constant 4096 : i32
        %parallel_loop3A_330 = vector.broadcast %parallel_loop3A_329 : i32 to vector<16xi32>
        %parallel_loop3A_331 = arith.subi %parallel_loop3A_328, %parallel_loop3A_330 : vector<16xi32>
        %parallel_loop3A_332 = arith.constant 0 : i32
        %parallel_loop3A_333 = arith.addi %parallel_loop3A_81, %parallel_loop3A_332 : i32
        %parallel_loop3A_334 = arith.index_cast %parallel_loop3A_333 : i32 to index
        %parallel_loop3A_335 = tpu.vector_load %arg8[%parallel_loop3A_334] {strides = array<i32>} : memref<8192xi32, #tpu.memory_space<vmem>>, vector<16xi32>,
        tpu.vector_store %arg8[%parallel_loop3A_334], %parallel_loop3A_331 {strides = array<i32>} : memref<8192xi32, #tpu.memory_space<vmem>>, vector<16xi32>,
        %parallel_loop3A_336 = arith.constant 4 : i32
        %parallel_loop3A_337 = vector.broadcast %parallel_loop3A_336 : i32 to vector<16xi32>
        %parallel_loop3A_338 = arith.shrsi %parallel_loop3A_317, %parallel_loop3A_337 : vector<16xi32>
        %parallel_loop3A_339 = arith.constant 4096 : i32
        %parallel_loop3A_340 = vector.broadcast %parallel_loop3A_339 : i32 to vector<16xi32>
        %parallel_loop3A_341 = arith.subi %parallel_loop3A_338, %parallel_loop3A_340 : vector<16xi32>
        %parallel_loop3A_342 = arith.constant 16 : i32
        %parallel_loop3A_343 = arith.addi %parallel_loop3A_81, %parallel_loop3A_342 : i32
        %parallel_loop3A_344 = arith.index_cast %parallel_loop3A_343 : i32 to index
        %parallel_loop3A_345 = tpu.vector_load %arg8[%parallel_loop3A_344] {strides = array<i32>} : memref<8192xi32, #tpu.memory_space<vmem>>, vector<16xi32>,
        tpu.vector_store %arg8[%parallel_loop3A_344], %parallel_loop3A_341 {strides = array<i32>} : memref<8192xi32, #tpu.memory_space<vmem>>, vector<16xi32>,
        %parallel_loop3A_346 = arith.constant 4 : i32
        %parallel_loop3A_347 = vector.broadcast %parallel_loop3A_346 : i32 to vector<16xi32>
        %parallel_loop3A_348 = arith.shrsi %parallel_loop3A_321, %parallel_loop3A_347 : vector<16xi32>
        %parallel_loop3A_349 = arith.constant 4096 : i32
        %parallel_loop3A_350 = vector.broadcast %parallel_loop3A_349 : i32 to vector<16xi32>
        %parallel_loop3A_351 = arith.subi %parallel_loop3A_348, %parallel_loop3A_350 : vector<16xi32>
        %parallel_loop3A_352 = arith.constant 32 : i32
        %parallel_loop3A_353 = arith.addi %parallel_loop3A_81, %parallel_loop3A_352 : i32
        %parallel_loop3A_354 = arith.index_cast %parallel_loop3A_353 : i32 to index
        %parallel_loop3A_355 = tpu.vector_load %arg8[%parallel_loop3A_354] {strides = array<i32>} : memref<8192xi32, #tpu.memory_space<vmem>>, vector<16xi32>,
        tpu.vector_store %arg8[%parallel_loop3A_354], %parallel_loop3A_351 {strides = array<i32>} : memref<8192xi32, #tpu.memory_space<vmem>>, vector<16xi32>,
        %parallel_loop3A_356 = arith.constant 4 : i32
        %parallel_loop3A_357 = vector.broadcast %parallel_loop3A_356 : i32 to vector<16xi32>
        %parallel_loop3A_358 = arith.shrsi %parallel_loop3A_325, %parallel_loop3A_357 : vector<16xi32>
        %parallel_loop3A_359 = arith.constant 4096 : i32
        %parallel_loop3A_360 = vector.broadcast %parallel_loop3A_359 : i32 to vector<16xi32>
        %parallel_loop3A_361 = arith.subi %parallel_loop3A_358, %parallel_loop3A_360 : vector<16xi32>
        %parallel_loop3A_362 = arith.constant 48 : i32
        %parallel_loop3A_363 = arith.addi %parallel_loop3A_81, %parallel_loop3A_362 : i32
        %parallel_loop3A_364 = arith.index_cast %parallel_loop3A_363 : i32 to index
        %parallel_loop3A_365 = tpu.vector_load %arg8[%parallel_loop3A_364] {strides = array<i32>} : memref<8192xi32, #tpu.memory_space<vmem>>, vector<16xi32>,
        tpu.vector_store %arg8[%parallel_loop3A_364], %parallel_loop3A_361 {strides = array<i32>} : memref<8192xi32, #tpu.memory_space<vmem>>, vector<16xi32>,
      } {sc.loop_unroll_factor = 4 : i64, sc.parallel_access}
      %dma_start3A_49 = tpu.memref_slice %arg4[%add3A_34] : memref<16777216xi32, #tpu.memory_space<hbm>> -> memref<8192xi32, #tpu.memory_space<hbm>>
      %dma_start3A_50 = tpu.memref_slice %arg4[%add3A_34] : memref<16777216xi32, #tpu.memory_space<hbm>> -> memref<8192xi32, #tpu.memory_space<hbm>>
      tpu.enqueue_dma source(%arg8 : memref<8192xi32, #tpu.memory_space<vmem>>) target(%dma_start3A_50 : memref<8192xi32, #tpu.memory_space<hbm>>) target_semaphore(%arg12 : memref<!tpu.dma_semaphore, #tpu.memory_space<semaphore_mem>>)
      %mul3A_51 = arith.constant 2 : i32
      %mul3A_52 = arith.muli %mul3A_51, %scan3A_27 : i32
      %add3A_53 = arith.constant 1 : i32
      %add3A_54 = arith.addi %mul3A_52, %add3A_53 : i32
      %mul3A_55 = arith.constant 8192 : i32
      %mul3A_56 = arith.muli %add3A_54, %mul3A_55 : i32
      %add3A_57 = arith.addi %mul3A_2, %mul3A_56 : i32
      %add3A_58 = arith.constant 8192 : i32
      %add3A_59 = arith.addi %add3A_57, %add3A_58 : i32
      %add3A_60 = arith.constant 1 : i32
      %add3A_61 = arith.addi %add3A_54, %add3A_60 : i32
      %lt3A_62 = arith.constant 64 : i32
      %lt3A_63 = arith.cmpi slt, %add3A_61, %lt3A_62 : i32
      %convert_element_type3A_64 = arith.extui %lt3A_63 : i1 to i32
      %cond3A_65 = arith.constant 0 : i32
      %cond3A_66 = arith.cmpi ne, %convert_element_type3A_64, %cond3A_65 : i32
      scf.if %cond3A_66 {
        %dma_start3A_79 = tpu.memref_slice %arg2[%add3A_59] : memref<16777216xf32, #tpu.memory_space<hbm>> -> memref<8192xf32, #tpu.memory_space<hbm>>
        %dma_start3A_80 = tpu.memref_slice %arg2[%add3A_59] : memref<16777216xf32, #tpu.memory_space<hbm>> -> memref<8192xf32, #tpu.memory_space<hbm>>
        tpu.enqueue_dma source(%dma_start3A_80 : memref<8192xf32, #tpu.memory_space<hbm>>) target(%arg6 : memref<8192xf32, #tpu.memory_space<vmem>>) target_semaphore(%arg10 : memref<!tpu.dma_semaphore, #tpu.memory_space<semaphore_mem>>)
      } else {
      }
      %ge3A_67 = arith.constant 2 : i32
      %ge3A_68 = arith.cmpi sge, %add3A_54, %ge3A_67 : i32
      %convert_element_type3A_69 = arith.extui %ge3A_68 : i1 to i32
      %cond3A_70 = arith.constant 0 : i32
      %cond3A_71 = arith.cmpi ne, %convert_element_type3A_69, %cond3A_70 : i32
      scf.if %cond3A_71 {
        %dma_wait3A_79 = tpu.memref_slice %arg4[%add3A_57] : memref<16777216xi32, #tpu.memory_space<hbm>> -> memref<8192xi32, #tpu.memory_space<hbm>>
        %dma_wait3A_80 = tpu.memref_slice %arg4[%add3A_57] : memref<16777216xi32, #tpu.memory_space<hbm>> -> memref<8192xi32, #tpu.memory_space<hbm>>
        tpu.wait_dma2 semaphore(%arg13 : memref<!tpu.dma_semaphore, #tpu.memory_space<semaphore_mem>>) src(%arg9 : memref<8192xi32, #tpu.memory_space<vmem>>) dst(%dma_wait3A_80 : memref<8192xi32, #tpu.memory_space<hbm>>)
      } else {
      }
      %dma_wait3A_72 = tpu.memref_slice %arg2[%add3A_57] : memref<16777216xf32, #tpu.memory_space<hbm>> -> memref<8192xf32, #tpu.memory_space<hbm>>
      %dma_wait3A_73 = tpu.memref_slice %arg2[%add3A_57] : memref<16777216xf32, #tpu.memory_space<hbm>> -> memref<8192xf32, #tpu.memory_space<hbm>>
      tpu.wait_dma2 semaphore(%arg11 : memref<!tpu.dma_semaphore, #tpu.memory_space<semaphore_mem>>) src(%dma_wait3A_73 : memref<8192xf32, #tpu.memory_space<hbm>>) dst(%arg7 : memref<8192xf32, #tpu.memory_space<vmem>>)
      %parallel_loop3A_74 = arith.constant 0 : i32
      %parallel_loop3A_75 = arith.constant 128 : i32
      %parallel_loop3A_76 = arith.constant 1 : i32
      scf.for %parallel_loop3A_79 = %parallel_loop3A_74 to %parallel_loop3A_75 step %parallel_loop3A_76  : i32 {
        %parallel_loop3A_80 = arith.constant 64 : i32
        %parallel_loop3A_81 = arith.muli %parallel_loop3A_79, %parallel_loop3A_80 : i32
        %parallel_loop3A_82 = arith.constant 0 : i32
        %parallel_loop3A_83 = arith.addi %parallel_loop3A_81, %parallel_loop3A_82 : i32
        %parallel_loop3A_84 = arith.index_cast %parallel_loop3A_83 : i32 to index
        %parallel_loop3A_85 = tpu.vector_load %arg7[%parallel_loop3A_84] {strides = array<i32>} : memref<8192xf32, #tpu.memory_space<vmem>>, vector<16xf32>,
        %parallel_loop3A_86 = arith.constant 16 : i32
        %parallel_loop3A_87 = arith.addi %parallel_loop3A_81, %parallel_loop3A_86 : i32
        %parallel_loop3A_88 = arith.index_cast %parallel_loop3A_87 : i32 to index
        %parallel_loop3A_89 = tpu.vector_load %arg7[%parallel_loop3A_88] {strides = array<i32>} : memref<8192xf32, #tpu.memory_space<vmem>>, vector<16xf32>,
        %parallel_loop3A_90 = arith.constant 32 : i32
        %parallel_loop3A_91 = arith.addi %parallel_loop3A_81, %parallel_loop3A_90 : i32
        %parallel_loop3A_92 = arith.index_cast %parallel_loop3A_91 : i32 to index
        %parallel_loop3A_93 = tpu.vector_load %arg7[%parallel_loop3A_92] {strides = array<i32>} : memref<8192xf32, #tpu.memory_space<vmem>>, vector<16xf32>,
        %parallel_loop3A_94 = arith.constant 48 : i32
        %parallel_loop3A_95 = arith.addi %parallel_loop3A_81, %parallel_loop3A_94 : i32
        %parallel_loop3A_96 = arith.index_cast %parallel_loop3A_95 : i32 to index
        %parallel_loop3A_97 = tpu.vector_load %arg7[%parallel_loop3A_96] {strides = array<i32>} : memref<8192xf32, #tpu.memory_space<vmem>>, vector<16xf32>,
        %parallel_loop3A_98 = arith.cmpf ole, %get3A_13, %parallel_loop3A_85 : vector<16xf32>
        %parallel_loop3A_99 = arith.select %parallel_loop3A_98, %add3A_9, %add3A_12 : vector<16xi1>, vector<16xi32>
        %parallel_loop3A_100 = arith.cmpf ole, %get3A_13, %parallel_loop3A_89 : vector<16xf32>
        %parallel_loop3A_101 = arith.select %parallel_loop3A_100, %add3A_9, %add3A_12 : vector<16xi1>, vector<16xi32>
        %parallel_loop3A_102 = arith.cmpf ole, %get3A_13, %parallel_loop3A_93 : vector<16xf32>
        %parallel_loop3A_103 = arith.select %parallel_loop3A_102, %add3A_9, %add3A_12 : vector<16xi1>, vector<16xi32>
        %parallel_loop3A_104 = arith.cmpf ole, %get3A_13, %parallel_loop3A_97 : vector<16xf32>
        %parallel_loop3A_105 = arith.select %parallel_loop3A_104, %add3A_9, %add3A_12 : vector<16xi1>, vector<16xi32>
        %parallel_loop3A_106 = tpu.vector_load_idx %arg5[%parallel_loop3A_99] : memref<65536xf32, #tpu.memory_space<vmem>>[vector<16xi32>], vector<16xf32>,
        %parallel_loop3A_107 = tpu.vector_load_idx %arg5[%parallel_loop3A_101] : memref<65536xf32, #tpu.memory_space<vmem>>[vector<16xi32>], vector<16xf32>,
        %parallel_loop3A_108 = tpu.vector_load_idx %arg5[%parallel_loop3A_103] : memref<65536xf32, #tpu.memory_space<vmem>>[vector<16xi32>], vector<16xf32>,
        %parallel_loop3A_109 = tpu.vector_load_idx %arg5[%parallel_loop3A_105] : memref<65536xf32, #tpu.memory_space<vmem>>[vector<16xi32>], vector<16xf32>,
        %parallel_loop3A_110 = arith.addi %parallel_loop3A_99, %parallel_loop3A_99 : vector<16xi32>
        %parallel_loop3A_111 = arith.cmpf ole, %parallel_loop3A_106, %parallel_loop3A_85 : vector<16xf32>
        %parallel_loop3A_112 = arith.select %parallel_loop3A_111, %sub3A_4, %neg3A_6 : vector<16xi1>, vector<16xi32>
        %parallel_loop3A_113 = arith.addi %parallel_loop3A_110, %parallel_loop3A_112 : vector<16xi32>
        %parallel_loop3A_114 = arith.addi %parallel_loop3A_101, %parallel_loop3A_101 : vector<16xi32>
        %parallel_loop3A_115 = arith.cmpf ole, %parallel_loop3A_107, %parallel_loop3A_89 : vector<16xf32>
        %parallel_loop3A_116 = arith.select %parallel_loop3A_115, %sub3A_4, %neg3A_6 : vector<16xi1>, vector<16xi32>
        %parallel_loop3A_117 = arith.addi %parallel_loop3A_114, %parallel_loop3A_116 : vector<16xi32>
        %parallel_loop3A_118 = arith.addi %parallel_loop3A_103, %parallel_loop3A_103 : vector<16xi32>
        %parallel_loop3A_119 = arith.cmpf ole, %parallel_loop3A_108, %parallel_loop3A_93 : vector<16xf32>
        %parallel_loop3A_120 = arith.select %parallel_loop3A_119, %sub3A_4, %neg3A_6 : vector<16xi1>, vector<16xi32>
        %parallel_loop3A_121 = arith.addi %parallel_loop3A_118, %parallel_loop3A_120 : vector<16xi32>
        %parallel_loop3A_122 = arith.addi %parallel_loop3A_105, %parallel_loop3A_105 : vector<16xi32>
        %parallel_loop3A_123 = arith.cmpf ole, %parallel_loop3A_109, %parallel_loop3A_97 : vector<16xf32>
        %parallel_loop3A_124 = arith.select %parallel_loop3A_123, %sub3A_4, %neg3A_6 : vector<16xi1>, vector<16xi32>
        %parallel_loop3A_125 = arith.addi %parallel_loop3A_122, %parallel_loop3A_124 : vector<16xi32>
        %parallel_loop3A_126 = tpu.vector_load_idx %arg5[%parallel_loop3A_113] : memref<65536xf32, #tpu.memory_space<vmem>>[vector<16xi32>], vector<16xf32>,
        %parallel_loop3A_127 = tpu.vector_load_idx %arg5[%parallel_loop3A_117] : memref<65536xf32, #tpu.memory_space<vmem>>[vector<16xi32>], vector<16xf32>,
        %parallel_loop3A_128 = tpu.vector_load_idx %arg5[%parallel_loop3A_121] : memref<65536xf32, #tpu.memory_space<vmem>>[vector<16xi32>], vector<16xf32>,
        %parallel_loop3A_129 = tpu.vector_load_idx %arg5[%parallel_loop3A_125] : memref<65536xf32, #tpu.memory_space<vmem>>[vector<16xi32>], vector<16xf32>,
        %parallel_loop3A_130 = arith.addi %parallel_loop3A_113, %parallel_loop3A_113 : vector<16xi32>
        %parallel_loop3A_131 = arith.cmpf ole, %parallel_loop3A_126, %parallel_loop3A_85 : vector<16xf32>
        %parallel_loop3A_132 = arith.select %parallel_loop3A_131, %sub3A_4, %neg3A_6 : vector<16xi1>, vector<16xi32>
        %parallel_loop3A_133 = arith.addi %parallel_loop3A_130, %parallel_loop3A_132 : vector<16xi32>
        %parallel_loop3A_134 = arith.addi %parallel_loop3A_117, %parallel_loop3A_117 : vector<16xi32>
        %parallel_loop3A_135 = arith.cmpf ole, %parallel_loop3A_127, %parallel_loop3A_89 : vector<16xf32>
        %parallel_loop3A_136 = arith.select %parallel_loop3A_135, %sub3A_4, %neg3A_6 : vector<16xi1>, vector<16xi32>
        %parallel_loop3A_137 = arith.addi %parallel_loop3A_134, %parallel_loop3A_136 : vector<16xi32>
        %parallel_loop3A_138 = arith.addi %parallel_loop3A_121, %parallel_loop3A_121 : vector<16xi32>
        %parallel_loop3A_139 = arith.cmpf ole, %parallel_loop3A_128, %parallel_loop3A_93 : vector<16xf32>
        %parallel_loop3A_140 = arith.select %parallel_loop3A_139, %sub3A_4, %neg3A_6 : vector<16xi1>, vector<16xi32>
        %parallel_loop3A_141 = arith.addi %parallel_loop3A_138, %parallel_loop3A_140 : vector<16xi32>
        %parallel_loop3A_142 = arith.addi %parallel_loop3A_125, %parallel_loop3A_125 : vector<16xi32>
        %parallel_loop3A_143 = arith.cmpf ole, %parallel_loop3A_129, %parallel_loop3A_97 : vector<16xf32>
        %parallel_loop3A_144 = arith.select %parallel_loop3A_143, %sub3A_4, %neg3A_6 : vector<16xi1>, vector<16xi32>
        %parallel_loop3A_145 = arith.addi %parallel_loop3A_142, %parallel_loop3A_144 : vector<16xi32>
        %parallel_loop3A_146 = tpu.vector_load_idx %arg5[%parallel_loop3A_133] : memref<65536xf32, #tpu.memory_space<vmem>>[vector<16xi32>], vector<16xf32>,
        %parallel_loop3A_147 = tpu.vector_load_idx %arg5[%parallel_loop3A_137] : memref<65536xf32, #tpu.memory_space<vmem>>[vector<16xi32>], vector<16xf32>,
        %parallel_loop3A_148 = tpu.vector_load_idx %arg5[%parallel_loop3A_141] : memref<65536xf32, #tpu.memory_space<vmem>>[vector<16xi32>], vector<16xf32>,
        %parallel_loop3A_149 = tpu.vector_load_idx %arg5[%parallel_loop3A_145] : memref<65536xf32, #tpu.memory_space<vmem>>[vector<16xi32>], vector<16xf32>,
        %parallel_loop3A_150 = arith.addi %parallel_loop3A_133, %parallel_loop3A_133 : vector<16xi32>
        %parallel_loop3A_151 = arith.cmpf ole, %parallel_loop3A_146, %parallel_loop3A_85 : vector<16xf32>
        %parallel_loop3A_152 = arith.select %parallel_loop3A_151, %sub3A_4, %neg3A_6 : vector<16xi1>, vector<16xi32>
        %parallel_loop3A_153 = arith.addi %parallel_loop3A_150, %parallel_loop3A_152 : vector<16xi32>
        %parallel_loop3A_154 = arith.addi %parallel_loop3A_137, %parallel_loop3A_137 : vector<16xi32>
        %parallel_loop3A_155 = arith.cmpf ole, %parallel_loop3A_147, %parallel_loop3A_89 : vector<16xf32>
        %parallel_loop3A_156 = arith.select %parallel_loop3A_155, %sub3A_4, %neg3A_6 : vector<16xi1>, vector<16xi32>
        %parallel_loop3A_157 = arith.addi %parallel_loop3A_154, %parallel_loop3A_156 : vector<16xi32>
        %parallel_loop3A_158 = arith.addi %parallel_loop3A_141, %parallel_loop3A_141 : vector<16xi32>
        %parallel_loop3A_159 = arith.cmpf ole, %parallel_loop3A_148, %parallel_loop3A_93 : vector<16xf32>
        %parallel_loop3A_160 = arith.select %parallel_loop3A_159, %sub3A_4, %neg3A_6 : vector<16xi1>, vector<16xi32>
        %parallel_loop3A_161 = arith.addi %parallel_loop3A_158, %parallel_loop3A_160 : vector<16xi32>
        %parallel_loop3A_162 = arith.addi %parallel_loop3A_145, %parallel_loop3A_145 : vector<16xi32>
        %parallel_loop3A_163 = arith.cmpf ole, %parallel_loop3A_149, %parallel_loop3A_97 : vector<16xf32>
        %parallel_loop3A_164 = arith.select %parallel_loop3A_163, %sub3A_4, %neg3A_6 : vector<16xi1>, vector<16xi32>
        %parallel_loop3A_165 = arith.addi %parallel_loop3A_162, %parallel_loop3A_164 : vector<16xi32>
        %parallel_loop3A_166 = tpu.vector_load_idx %arg5[%parallel_loop3A_153] : memref<65536xf32, #tpu.memory_space<vmem>>[vector<16xi32>], vector<16xf32>,
        %parallel_loop3A_167 = tpu.vector_load_idx %arg5[%parallel_loop3A_157] : memref<65536xf32, #tpu.memory_space<vmem>>[vector<16xi32>], vector<16xf32>,
        %parallel_loop3A_168 = tpu.vector_load_idx %arg5[%parallel_loop3A_161] : memref<65536xf32, #tpu.memory_space<vmem>>[vector<16xi32>], vector<16xf32>,
        %parallel_loop3A_169 = tpu.vector_load_idx %arg5[%parallel_loop3A_165] : memref<65536xf32, #tpu.memory_space<vmem>>[vector<16xi32>], vector<16xf32>,
        %parallel_loop3A_170 = arith.addi %parallel_loop3A_153, %parallel_loop3A_153 : vector<16xi32>
        %parallel_loop3A_171 = arith.cmpf ole, %parallel_loop3A_166, %parallel_loop3A_85 : vector<16xf32>
        %parallel_loop3A_172 = arith.select %parallel_loop3A_171, %sub3A_4, %neg3A_6 : vector<16xi1>, vector<16xi32>
        %parallel_loop3A_173 = arith.addi %parallel_loop3A_170, %parallel_loop3A_172 : vector<16xi32>
        %parallel_loop3A_174 = arith.addi %parallel_loop3A_157, %parallel_loop3A_157 : vector<16xi32>
        %parallel_loop3A_175 = arith.cmpf ole, %parallel_loop3A_167, %parallel_loop3A_89 : vector<16xf32>
        %parallel_loop3A_176 = arith.select %parallel_loop3A_175, %sub3A_4, %neg3A_6 : vector<16xi1>, vector<16xi32>
        %parallel_loop3A_177 = arith.addi %parallel_loop3A_174, %parallel_loop3A_176 : vector<16xi32>
        %parallel_loop3A_178 = arith.addi %parallel_loop3A_161, %parallel_loop3A_161 : vector<16xi32>
        %parallel_loop3A_179 = arith.cmpf ole, %parallel_loop3A_168, %parallel_loop3A_93 : vector<16xf32>
        %parallel_loop3A_180 = arith.select %parallel_loop3A_179, %sub3A_4, %neg3A_6 : vector<16xi1>, vector<16xi32>
        %parallel_loop3A_181 = arith.addi %parallel_loop3A_178, %parallel_loop3A_180 : vector<16xi32>
        %parallel_loop3A_182 = arith.addi %parallel_loop3A_165, %parallel_loop3A_165 : vector<16xi32>
        %parallel_loop3A_183 = arith.cmpf ole, %parallel_loop3A_169, %parallel_loop3A_97 : vector<16xf32>
        %parallel_loop3A_184 = arith.select %parallel_loop3A_183, %sub3A_4, %neg3A_6 : vector<16xi1>, vector<16xi32>
        %parallel_loop3A_185 = arith.addi %parallel_loop3A_182, %parallel_loop3A_184 : vector<16xi32>
        %parallel_loop3A_186 = tpu.vector_load_idx %arg5[%parallel_loop3A_173] : memref<65536xf32, #tpu.memory_space<vmem>>[vector<16xi32>], vector<16xf32>,
        %parallel_loop3A_187 = tpu.vector_load_idx %arg5[%parallel_loop3A_177] : memref<65536xf32, #tpu.memory_space<vmem>>[vector<16xi32>], vector<16xf32>,
        %parallel_loop3A_188 = tpu.vector_load_idx %arg5[%parallel_loop3A_181] : memref<65536xf32, #tpu.memory_space<vmem>>[vector<16xi32>], vector<16xf32>,
        %parallel_loop3A_189 = tpu.vector_load_idx %arg5[%parallel_loop3A_185] : memref<65536xf32, #tpu.memory_space<vmem>>[vector<16xi32>], vector<16xf32>,
        %parallel_loop3A_190 = arith.addi %parallel_loop3A_173, %parallel_loop3A_173 : vector<16xi32>
        %parallel_loop3A_191 = arith.cmpf ole, %parallel_loop3A_186, %parallel_loop3A_85 : vector<16xf32>
        %parallel_loop3A_192 = arith.select %parallel_loop3A_191, %sub3A_4, %neg3A_6 : vector<16xi1>, vector<16xi32>
        %parallel_loop3A_193 = arith.addi %parallel_loop3A_190, %parallel_loop3A_192 : vector<16xi32>
        %parallel_loop3A_194 = arith.addi %parallel_loop3A_177, %parallel_loop3A_177 : vector<16xi32>
        %parallel_loop3A_195 = arith.cmpf ole, %parallel_loop3A_187, %parallel_loop3A_89 : vector<16xf32>
        %parallel_loop3A_196 = arith.select %parallel_loop3A_195, %sub3A_4, %neg3A_6 : vector<16xi1>, vector<16xi32>
        %parallel_loop3A_197 = arith.addi %parallel_loop3A_194, %parallel_loop3A_196 : vector<16xi32>
        %parallel_loop3A_198 = arith.addi %parallel_loop3A_181, %parallel_loop3A_181 : vector<16xi32>
        %parallel_loop3A_199 = arith.cmpf ole, %parallel_loop3A_188, %parallel_loop3A_93 : vector<16xf32>
        %parallel_loop3A_200 = arith.select %parallel_loop3A_199, %sub3A_4, %neg3A_6 : vector<16xi1>, vector<16xi32>
        %parallel_loop3A_201 = arith.addi %parallel_loop3A_198, %parallel_loop3A_200 : vector<16xi32>
        %parallel_loop3A_202 = arith.addi %parallel_loop3A_185, %parallel_loop3A_185 : vector<16xi32>
        %parallel_loop3A_203 = arith.cmpf ole, %parallel_loop3A_189, %parallel_loop3A_97 : vector<16xf32>
        %parallel_loop3A_204 = arith.select %parallel_loop3A_203, %sub3A_4, %neg3A_6 : vector<16xi1>, vector<16xi32>
        %parallel_loop3A_205 = arith.addi %parallel_loop3A_202, %parallel_loop3A_204 : vector<16xi32>
        %parallel_loop3A_206 = tpu.vector_load_idx %arg5[%parallel_loop3A_193] : memref<65536xf32, #tpu.memory_space<vmem>>[vector<16xi32>], vector<16xf32>,
        %parallel_loop3A_207 = tpu.vector_load_idx %arg5[%parallel_loop3A_197] : memref<65536xf32, #tpu.memory_space<vmem>>[vector<16xi32>], vector<16xf32>,
        %parallel_loop3A_208 = tpu.vector_load_idx %arg5[%parallel_loop3A_201] : memref<65536xf32, #tpu.memory_space<vmem>>[vector<16xi32>], vector<16xf32>,
        %parallel_loop3A_209 = tpu.vector_load_idx %arg5[%parallel_loop3A_205] : memref<65536xf32, #tpu.memory_space<vmem>>[vector<16xi32>], vector<16xf32>,
        %parallel_loop3A_210 = arith.addi %parallel_loop3A_193, %parallel_loop3A_193 : vector<16xi32>
        %parallel_loop3A_211 = arith.cmpf ole, %parallel_loop3A_206, %parallel_loop3A_85 : vector<16xf32>
        %parallel_loop3A_212 = arith.select %parallel_loop3A_211, %sub3A_4, %neg3A_6 : vector<16xi1>, vector<16xi32>
        %parallel_loop3A_213 = arith.addi %parallel_loop3A_210, %parallel_loop3A_212 : vector<16xi32>
        %parallel_loop3A_214 = arith.addi %parallel_loop3A_197, %parallel_loop3A_197 : vector<16xi32>
        %parallel_loop3A_215 = arith.cmpf ole, %parallel_loop3A_207, %parallel_loop3A_89 : vector<16xf32>
        %parallel_loop3A_216 = arith.select %parallel_loop3A_215, %sub3A_4, %neg3A_6 : vector<16xi1>, vector<16xi32>
        %parallel_loop3A_217 = arith.addi %parallel_loop3A_214, %parallel_loop3A_216 : vector<16xi32>
        %parallel_loop3A_218 = arith.addi %parallel_loop3A_201, %parallel_loop3A_201 : vector<16xi32>
        %parallel_loop3A_219 = arith.cmpf ole, %parallel_loop3A_208, %parallel_loop3A_93 : vector<16xf32>
        %parallel_loop3A_220 = arith.select %parallel_loop3A_219, %sub3A_4, %neg3A_6 : vector<16xi1>, vector<16xi32>
        %parallel_loop3A_221 = arith.addi %parallel_loop3A_218, %parallel_loop3A_220 : vector<16xi32>
        %parallel_loop3A_222 = arith.addi %parallel_loop3A_205, %parallel_loop3A_205 : vector<16xi32>
        %parallel_loop3A_223 = arith.cmpf ole, %parallel_loop3A_209, %parallel_loop3A_97 : vector<16xf32>
        %parallel_loop3A_224 = arith.select %parallel_loop3A_223, %sub3A_4, %neg3A_6 : vector<16xi1>, vector<16xi32>
        %parallel_loop3A_225 = arith.addi %parallel_loop3A_222, %parallel_loop3A_224 : vector<16xi32>
        %parallel_loop3A_226 = tpu.vector_load_idx %arg5[%parallel_loop3A_213] : memref<65536xf32, #tpu.memory_space<vmem>>[vector<16xi32>], vector<16xf32>,
        %parallel_loop3A_227 = tpu.vector_load_idx %arg5[%parallel_loop3A_217] : memref<65536xf32, #tpu.memory_space<vmem>>[vector<16xi32>], vector<16xf32>,
        %parallel_loop3A_228 = tpu.vector_load_idx %arg5[%parallel_loop3A_221] : memref<65536xf32, #tpu.memory_space<vmem>>[vector<16xi32>], vector<16xf32>,
        %parallel_loop3A_229 = tpu.vector_load_idx %arg5[%parallel_loop3A_225] : memref<65536xf32, #tpu.memory_space<vmem>>[vector<16xi32>], vector<16xf32>,
        %parallel_loop3A_230 = arith.addi %parallel_loop3A_213, %parallel_loop3A_213 : vector<16xi32>
        %parallel_loop3A_231 = arith.cmpf ole, %parallel_loop3A_226, %parallel_loop3A_85 : vector<16xf32>
        %parallel_loop3A_232 = arith.select %parallel_loop3A_231, %sub3A_4, %neg3A_6 : vector<16xi1>, vector<16xi32>
        %parallel_loop3A_233 = arith.addi %parallel_loop3A_230, %parallel_loop3A_232 : vector<16xi32>
        %parallel_loop3A_234 = arith.addi %parallel_loop3A_217, %parallel_loop3A_217 : vector<16xi32>
        %parallel_loop3A_235 = arith.cmpf ole, %parallel_loop3A_227, %parallel_loop3A_89 : vector<16xf32>
        %parallel_loop3A_236 = arith.select %parallel_loop3A_235, %sub3A_4, %neg3A_6 : vector<16xi1>, vector<16xi32>
        %parallel_loop3A_237 = arith.addi %parallel_loop3A_234, %parallel_loop3A_236 : vector<16xi32>
        %parallel_loop3A_238 = arith.addi %parallel_loop3A_221, %parallel_loop3A_221 : vector<16xi32>
        %parallel_loop3A_239 = arith.cmpf ole, %parallel_loop3A_228, %parallel_loop3A_93 : vector<16xf32>
        %parallel_loop3A_240 = arith.select %parallel_loop3A_239, %sub3A_4, %neg3A_6 : vector<16xi1>, vector<16xi32>
        %parallel_loop3A_241 = arith.addi %parallel_loop3A_238, %parallel_loop3A_240 : vector<16xi32>
        %parallel_loop3A_242 = arith.addi %parallel_loop3A_225, %parallel_loop3A_225 : vector<16xi32>
        %parallel_loop3A_243 = arith.cmpf ole, %parallel_loop3A_229, %parallel_loop3A_97 : vector<16xf32>
        %parallel_loop3A_244 = arith.select %parallel_loop3A_243, %sub3A_4, %neg3A_6 : vector<16xi1>, vector<16xi32>
        %parallel_loop3A_245 = arith.addi %parallel_loop3A_242, %parallel_loop3A_244 : vector<16xi32>
        %parallel_loop3A_246 = tpu.vector_load_idx %arg5[%parallel_loop3A_233] : memref<65536xf32, #tpu.memory_space<vmem>>[vector<16xi32>], vector<16xf32>,
        %parallel_loop3A_247 = tpu.vector_load_idx %arg5[%parallel_loop3A_237] : memref<65536xf32, #tpu.memory_space<vmem>>[vector<16xi32>], vector<16xf32>,
        %parallel_loop3A_248 = tpu.vector_load_idx %arg5[%parallel_loop3A_241] : memref<65536xf32, #tpu.memory_space<vmem>>[vector<16xi32>], vector<16xf32>,
        %parallel_loop3A_249 = tpu.vector_load_idx %arg5[%parallel_loop3A_245] : memref<65536xf32, #tpu.memory_space<vmem>>[vector<16xi32>], vector<16xf32>,
        %parallel_loop3A_250 = arith.addi %parallel_loop3A_233, %parallel_loop3A_233 : vector<16xi32>
        %parallel_loop3A_251 = arith.cmpf ole, %parallel_loop3A_246, %parallel_loop3A_85 : vector<16xf32>
        %parallel_loop3A_252 = arith.select %parallel_loop3A_251, %sub3A_4, %neg3A_6 : vector<16xi1>, vector<16xi32>
        %parallel_loop3A_253 = arith.addi %parallel_loop3A_250, %parallel_loop3A_252 : vector<16xi32>
        %parallel_loop3A_254 = arith.addi %parallel_loop3A_237, %parallel_loop3A_237 : vector<16xi32>
        %parallel_loop3A_255 = arith.cmpf ole, %parallel_loop3A_247, %parallel_loop3A_89 : vector<16xf32>
        %parallel_loop3A_256 = arith.select %parallel_loop3A_255, %sub3A_4, %neg3A_6 : vector<16xi1>, vector<16xi32>
        %parallel_loop3A_257 = arith.addi %parallel_loop3A_254, %parallel_loop3A_256 : vector<16xi32>
        %parallel_loop3A_258 = arith.addi %parallel_loop3A_241, %parallel_loop3A_241 : vector<16xi32>
        %parallel_loop3A_259 = arith.cmpf ole, %parallel_loop3A_248, %parallel_loop3A_93 : vector<16xf32>
        %parallel_loop3A_260 = arith.select %parallel_loop3A_259, %sub3A_4, %neg3A_6 : vector<16xi1>, vector<16xi32>
        %parallel_loop3A_261 = arith.addi %parallel_loop3A_258, %parallel_loop3A_260 : vector<16xi32>
        %parallel_loop3A_262 = arith.addi %parallel_loop3A_245, %parallel_loop3A_245 : vector<16xi32>
        %parallel_loop3A_263 = arith.cmpf ole, %parallel_loop3A_249, %parallel_loop3A_97 : vector<16xf32>
        %parallel_loop3A_264 = arith.select %parallel_loop3A_263, %sub3A_4, %neg3A_6 : vector<16xi1>, vector<16xi32>
        %parallel_loop3A_265 = arith.addi %parallel_loop3A_262, %parallel_loop3A_264 : vector<16xi32>
        %parallel_loop3A_266 = tpu.vector_load_idx %arg5[%parallel_loop3A_253] : memref<65536xf32, #tpu.memory_space<vmem>>[vector<16xi32>], vector<16xf32>,
        %parallel_loop3A_267 = tpu.vector_load_idx %arg5[%parallel_loop3A_257] : memref<65536xf32, #tpu.memory_space<vmem>>[vector<16xi32>], vector<16xf32>,
        %parallel_loop3A_268 = tpu.vector_load_idx %arg5[%parallel_loop3A_261] : memref<65536xf32, #tpu.memory_space<vmem>>[vector<16xi32>], vector<16xf32>,
        %parallel_loop3A_269 = tpu.vector_load_idx %arg5[%parallel_loop3A_265] : memref<65536xf32, #tpu.memory_space<vmem>>[vector<16xi32>], vector<16xf32>,
        %parallel_loop3A_270 = arith.addi %parallel_loop3A_253, %parallel_loop3A_253 : vector<16xi32>
        %parallel_loop3A_271 = arith.cmpf ole, %parallel_loop3A_266, %parallel_loop3A_85 : vector<16xf32>
        %parallel_loop3A_272 = arith.select %parallel_loop3A_271, %sub3A_4, %neg3A_6 : vector<16xi1>, vector<16xi32>
        %parallel_loop3A_273 = arith.addi %parallel_loop3A_270, %parallel_loop3A_272 : vector<16xi32>
        %parallel_loop3A_274 = arith.addi %parallel_loop3A_257, %parallel_loop3A_257 : vector<16xi32>
        %parallel_loop3A_275 = arith.cmpf ole, %parallel_loop3A_267, %parallel_loop3A_89 : vector<16xf32>
        %parallel_loop3A_276 = arith.select %parallel_loop3A_275, %sub3A_4, %neg3A_6 : vector<16xi1>, vector<16xi32>
        %parallel_loop3A_277 = arith.addi %parallel_loop3A_274, %parallel_loop3A_276 : vector<16xi32>
        %parallel_loop3A_278 = arith.addi %parallel_loop3A_261, %parallel_loop3A_261 : vector<16xi32>
        %parallel_loop3A_279 = arith.cmpf ole, %parallel_loop3A_268, %parallel_loop3A_93 : vector<16xf32>
        %parallel_loop3A_280 = arith.select %parallel_loop3A_279, %sub3A_4, %neg3A_6 : vector<16xi1>, vector<16xi32>
        %parallel_loop3A_281 = arith.addi %parallel_loop3A_278, %parallel_loop3A_280 : vector<16xi32>
        %parallel_loop3A_282 = arith.addi %parallel_loop3A_265, %parallel_loop3A_265 : vector<16xi32>
        %parallel_loop3A_283 = arith.cmpf ole, %parallel_loop3A_269, %parallel_loop3A_97 : vector<16xf32>
        %parallel_loop3A_284 = arith.select %parallel_loop3A_283, %sub3A_4, %neg3A_6 : vector<16xi1>, vector<16xi32>
        %parallel_loop3A_285 = arith.addi %parallel_loop3A_282, %parallel_loop3A_284 : vector<16xi32>
        %parallel_loop3A_286 = tpu.vector_load_idx %arg5[%parallel_loop3A_273] : memref<65536xf32, #tpu.memory_space<vmem>>[vector<16xi32>], vector<16xf32>,
        %parallel_loop3A_287 = tpu.vector_load_idx %arg5[%parallel_loop3A_277] : memref<65536xf32, #tpu.memory_space<vmem>>[vector<16xi32>], vector<16xf32>,
        %parallel_loop3A_288 = tpu.vector_load_idx %arg5[%parallel_loop3A_281] : memref<65536xf32, #tpu.memory_space<vmem>>[vector<16xi32>], vector<16xf32>,
        %parallel_loop3A_289 = tpu.vector_load_idx %arg5[%parallel_loop3A_285] : memref<65536xf32, #tpu.memory_space<vmem>>[vector<16xi32>], vector<16xf32>,
        %parallel_loop3A_290 = arith.addi %parallel_loop3A_273, %parallel_loop3A_273 : vector<16xi32>
        %parallel_loop3A_291 = arith.cmpf ole, %parallel_loop3A_286, %parallel_loop3A_85 : vector<16xf32>
        %parallel_loop3A_292 = arith.select %parallel_loop3A_291, %sub3A_4, %neg3A_6 : vector<16xi1>, vector<16xi32>
        %parallel_loop3A_293 = arith.addi %parallel_loop3A_290, %parallel_loop3A_292 : vector<16xi32>
        %parallel_loop3A_294 = arith.addi %parallel_loop3A_277, %parallel_loop3A_277 : vector<16xi32>
        %parallel_loop3A_295 = arith.cmpf ole, %parallel_loop3A_287, %parallel_loop3A_89 : vector<16xf32>
        %parallel_loop3A_296 = arith.select %parallel_loop3A_295, %sub3A_4, %neg3A_6 : vector<16xi1>, vector<16xi32>
        %parallel_loop3A_297 = arith.addi %parallel_loop3A_294, %parallel_loop3A_296 : vector<16xi32>
        %parallel_loop3A_298 = arith.addi %parallel_loop3A_281, %parallel_loop3A_281 : vector<16xi32>
        %parallel_loop3A_299 = arith.cmpf ole, %parallel_loop3A_288, %parallel_loop3A_93 : vector<16xf32>
        %parallel_loop3A_300 = arith.select %parallel_loop3A_299, %sub3A_4, %neg3A_6 : vector<16xi1>, vector<16xi32>
        %parallel_loop3A_301 = arith.addi %parallel_loop3A_298, %parallel_loop3A_300 : vector<16xi32>
        %parallel_loop3A_302 = arith.addi %parallel_loop3A_285, %parallel_loop3A_285 : vector<16xi32>
        %parallel_loop3A_303 = arith.cmpf ole, %parallel_loop3A_289, %parallel_loop3A_97 : vector<16xf32>
        %parallel_loop3A_304 = arith.select %parallel_loop3A_303, %sub3A_4, %neg3A_6 : vector<16xi1>, vector<16xi32>
        %parallel_loop3A_305 = arith.addi %parallel_loop3A_302, %parallel_loop3A_304 : vector<16xi32>
        %parallel_loop3A_306 = tpu.vector_load_idx %arg5[%parallel_loop3A_293] : memref<65536xf32, #tpu.memory_space<vmem>>[vector<16xi32>], vector<16xf32>,
        %parallel_loop3A_307 = tpu.vector_load_idx %arg5[%parallel_loop3A_297] : memref<65536xf32, #tpu.memory_space<vmem>>[vector<16xi32>], vector<16xf32>,
        %parallel_loop3A_308 = tpu.vector_load_idx %arg5[%parallel_loop3A_301] : memref<65536xf32, #tpu.memory_space<vmem>>[vector<16xi32>], vector<16xf32>,
        %parallel_loop3A_309 = tpu.vector_load_idx %arg5[%parallel_loop3A_305] : memref<65536xf32, #tpu.memory_space<vmem>>[vector<16xi32>], vector<16xf32>,
        %parallel_loop3A_310 = arith.addi %parallel_loop3A_293, %parallel_loop3A_293 : vector<16xi32>
        %parallel_loop3A_311 = arith.cmpf ole, %parallel_loop3A_306, %parallel_loop3A_85 : vector<16xf32>
        %parallel_loop3A_312 = arith.select %parallel_loop3A_311, %sub3A_4, %neg3A_6 : vector<16xi1>, vector<16xi32>
        %parallel_loop3A_313 = arith.addi %parallel_loop3A_310, %parallel_loop3A_312 : vector<16xi32>
        %parallel_loop3A_314 = arith.addi %parallel_loop3A_297, %parallel_loop3A_297 : vector<16xi32>
        %parallel_loop3A_315 = arith.cmpf ole, %parallel_loop3A_307, %parallel_loop3A_89 : vector<16xf32>
        %parallel_loop3A_316 = arith.select %parallel_loop3A_315, %sub3A_4, %neg3A_6 : vector<16xi1>, vector<16xi32>
        %parallel_loop3A_317 = arith.addi %parallel_loop3A_314, %parallel_loop3A_316 : vector<16xi32>
        %parallel_loop3A_318 = arith.addi %parallel_loop3A_301, %parallel_loop3A_301 : vector<16xi32>
        %parallel_loop3A_319 = arith.cmpf ole, %parallel_loop3A_308, %parallel_loop3A_93 : vector<16xf32>
        %parallel_loop3A_320 = arith.select %parallel_loop3A_319, %sub3A_4, %neg3A_6 : vector<16xi1>, vector<16xi32>
        %parallel_loop3A_321 = arith.addi %parallel_loop3A_318, %parallel_loop3A_320 : vector<16xi32>
        %parallel_loop3A_322 = arith.addi %parallel_loop3A_305, %parallel_loop3A_305 : vector<16xi32>
        %parallel_loop3A_323 = arith.cmpf ole, %parallel_loop3A_309, %parallel_loop3A_97 : vector<16xf32>
        %parallel_loop3A_324 = arith.select %parallel_loop3A_323, %sub3A_4, %neg3A_6 : vector<16xi1>, vector<16xi32>
        %parallel_loop3A_325 = arith.addi %parallel_loop3A_322, %parallel_loop3A_324 : vector<16xi32>
        %parallel_loop3A_326 = arith.constant 4 : i32
        %parallel_loop3A_327 = vector.broadcast %parallel_loop3A_326 : i32 to vector<16xi32>
        %parallel_loop3A_328 = arith.shrsi %parallel_loop3A_313, %parallel_loop3A_327 : vector<16xi32>
        %parallel_loop3A_329 = arith.constant 4096 : i32
        %parallel_loop3A_330 = vector.broadcast %parallel_loop3A_329 : i32 to vector<16xi32>
        %parallel_loop3A_331 = arith.subi %parallel_loop3A_328, %parallel_loop3A_330 : vector<16xi32>
        %parallel_loop3A_332 = arith.constant 0 : i32
        %parallel_loop3A_333 = arith.addi %parallel_loop3A_81, %parallel_loop3A_332 : i32
        %parallel_loop3A_334 = arith.index_cast %parallel_loop3A_333 : i32 to index
        %parallel_loop3A_335 = tpu.vector_load %arg9[%parallel_loop3A_334] {strides = array<i32>} : memref<8192xi32, #tpu.memory_space<vmem>>, vector<16xi32>,
        tpu.vector_store %arg9[%parallel_loop3A_334], %parallel_loop3A_331 {strides = array<i32>} : memref<8192xi32, #tpu.memory_space<vmem>>, vector<16xi32>,
        %parallel_loop3A_336 = arith.constant 4 : i32
        %parallel_loop3A_337 = vector.broadcast %parallel_loop3A_336 : i32 to vector<16xi32>
        %parallel_loop3A_338 = arith.shrsi %parallel_loop3A_317, %parallel_loop3A_337 : vector<16xi32>
        %parallel_loop3A_339 = arith.constant 4096 : i32
        %parallel_loop3A_340 = vector.broadcast %parallel_loop3A_339 : i32 to vector<16xi32>
        %parallel_loop3A_341 = arith.subi %parallel_loop3A_338, %parallel_loop3A_340 : vector<16xi32>
        %parallel_loop3A_342 = arith.constant 16 : i32
        %parallel_loop3A_343 = arith.addi %parallel_loop3A_81, %parallel_loop3A_342 : i32
        %parallel_loop3A_344 = arith.index_cast %parallel_loop3A_343 : i32 to index
        %parallel_loop3A_345 = tpu.vector_load %arg9[%parallel_loop3A_344] {strides = array<i32>} : memref<8192xi32, #tpu.memory_space<vmem>>, vector<16xi32>,
        tpu.vector_store %arg9[%parallel_loop3A_344], %parallel_loop3A_341 {strides = array<i32>} : memref<8192xi32, #tpu.memory_space<vmem>>, vector<16xi32>,
        %parallel_loop3A_346 = arith.constant 4 : i32
        %parallel_loop3A_347 = vector.broadcast %parallel_loop3A_346 : i32 to vector<16xi32>
        %parallel_loop3A_348 = arith.shrsi %parallel_loop3A_321, %parallel_loop3A_347 : vector<16xi32>
        %parallel_loop3A_349 = arith.constant 4096 : i32
        %parallel_loop3A_350 = vector.broadcast %parallel_loop3A_349 : i32 to vector<16xi32>
        %parallel_loop3A_351 = arith.subi %parallel_loop3A_348, %parallel_loop3A_350 : vector<16xi32>
        %parallel_loop3A_352 = arith.constant 32 : i32
        %parallel_loop3A_353 = arith.addi %parallel_loop3A_81, %parallel_loop3A_352 : i32
        %parallel_loop3A_354 = arith.index_cast %parallel_loop3A_353 : i32 to index
        %parallel_loop3A_355 = tpu.vector_load %arg9[%parallel_loop3A_354] {strides = array<i32>} : memref<8192xi32, #tpu.memory_space<vmem>>, vector<16xi32>,
        tpu.vector_store %arg9[%parallel_loop3A_354], %parallel_loop3A_351 {strides = array<i32>} : memref<8192xi32, #tpu.memory_space<vmem>>, vector<16xi32>,
        %parallel_loop3A_356 = arith.constant 4 : i32
        %parallel_loop3A_357 = vector.broadcast %parallel_loop3A_356 : i32 to vector<16xi32>
        %parallel_loop3A_358 = arith.shrsi %parallel_loop3A_325, %parallel_loop3A_357 : vector<16xi32>
        %parallel_loop3A_359 = arith.constant 4096 : i32
        %parallel_loop3A_360 = vector.broadcast %parallel_loop3A_359 : i32 to vector<16xi32>
        %parallel_loop3A_361 = arith.subi %parallel_loop3A_358, %parallel_loop3A_360 : vector<16xi32>
        %parallel_loop3A_362 = arith.constant 48 : i32
        %parallel_loop3A_363 = arith.addi %parallel_loop3A_81, %parallel_loop3A_362 : i32
        %parallel_loop3A_364 = arith.index_cast %parallel_loop3A_363 : i32 to index
        %parallel_loop3A_365 = tpu.vector_load %arg9[%parallel_loop3A_364] {strides = array<i32>} : memref<8192xi32, #tpu.memory_space<vmem>>, vector<16xi32>,
        tpu.vector_store %arg9[%parallel_loop3A_364], %parallel_loop3A_361 {strides = array<i32>} : memref<8192xi32, #tpu.memory_space<vmem>>, vector<16xi32>,
      } {sc.loop_unroll_factor = 4 : i64, sc.parallel_access}
      %dma_start3A_77 = tpu.memref_slice %arg4[%add3A_57] : memref<16777216xi32, #tpu.memory_space<hbm>> -> memref<8192xi32, #tpu.memory_space<hbm>>
      %dma_start3A_78 = tpu.memref_slice %arg4[%add3A_57] : memref<16777216xi32, #tpu.memory_space<hbm>> -> memref<8192xi32, #tpu.memory_space<hbm>>
      tpu.enqueue_dma source(%arg9 : memref<8192xi32, #tpu.memory_space<vmem>>) target(%dma_start3A_78 : memref<8192xi32, #tpu.memory_space<hbm>>) target_semaphore(%arg13 : memref<!tpu.dma_semaphore, #tpu.memory_space<semaphore_mem>>)
    }
    %scan3A_19 = arith.constant 32 : i32
    %add3A_20 = arith.constant 507904 : i32
    %add3A_21 = arith.addi %mul3A_2, %add3A_20 : i32
    %dma_wait3A = tpu.memref_slice %arg4[%add3A_21] : memref<16777216xi32, #tpu.memory_space<hbm>> -> memref<8192xi32, #tpu.memory_space<hbm>>
    %dma_wait3A_22 = tpu.memref_slice %arg4[%add3A_21] : memref<16777216xi32, #tpu.memory_space<hbm>> -> memref<8192xi32, #tpu.memory_space<hbm>>
    tpu.wait_dma2 semaphore(%arg12 : memref<!tpu.dma_semaphore, #tpu.memory_space<semaphore_mem>>) src(%arg8 : memref<8192xi32, #tpu.memory_space<vmem>>) dst(%dma_wait3A_22 : memref<8192xi32, #tpu.memory_space<hbm>>)
    %add3A_23 = arith.constant 516096 : i32
    %add3A_24 = arith.addi %mul3A_2, %add3A_23 : i32
    %dma_wait3A_25 = tpu.memref_slice %arg4[%add3A_24] : memref<16777216xi32, #tpu.memory_space<hbm>> -> memref<8192xi32, #tpu.memory_space<hbm>>
    %dma_wait3A_26 = tpu.memref_slice %arg4[%add3A_24] : memref<16777216xi32, #tpu.memory_space<hbm>> -> memref<8192xi32, #tpu.memory_space<hbm>>
    tpu.wait_dma2 semaphore(%arg13 : memref<!tpu.dma_semaphore, #tpu.memory_space<semaphore_mem>>) src(%arg9 : memref<8192xi32, #tpu.memory_space<vmem>>) dst(%dma_wait3A_26 : memref<8192xi32, #tpu.memory_space<hbm>>)
    return
  }
}

</mosaic_0001>

<sc_bundles>
// kernel: gather_offload_async_start
scs
__scs_entry_jumppad:
0x0: {  	(pc) =	sbr.rel $0x88, $3  }
0x1: {  	(tag) =	ssettag $0x0;
	lr =	simm.s32 $0x1  }
0x2: {  	[smem:$0x3F9F] =	sst lr;
	_ =	strace $0xD0000000  }
0x3: {  	_ = 	snop  }
0x4: {  	_ = 	snop  }
0x5: {  	_ = 	snop  }
0x6: {  	_ = 	snop  }
0x7: {  	_ = 	snop  }
__scs_overlays_trampoline_lowered:
0x8: {  	[smem:$0x3FAE] =	sst s0  }
0x9: {  	[smem:$0x3FAF] =	sst s1  }
0xa: {  	[smem:$0x3FB0] =	sst s2  }
0xb: {  	[smem:$0x3FB1] =	sst s3  }
0xc: {  	[smem:$0x3FB2] =	sst s4  }
0xd: {  	[smem:$0x3FB3] =	sst s5  }
0xe: {  	[smem:$0x3FB4] =	sst s6  }
0xf: {  	[smem:$0x3FB5] =	sst s7  }
0x10: {  	[smem:$0x3FB6] =	sst s8  }
0x11: {  	[smem:$0x3FB7] =	sst s9;
	s0 =	simm.s32 @!p0 $0x0  }
0x12: {  	s1 =	sld [smem:$0x3F9D];
	s0 =	simm.s32 @p0 $0x1  }
0x13: {  	[smem:$0x3FB8] =	sst s0;
	s0 =	simm.s32 @!p1 $0x0  }
0x14: {  	s2 =	sld [smem:$0x3F9C];
	s0 =	simm.s32 @p1 $0x1  }
0x15: {  	[smem:$0x3FB9] =	sst s0;
	s0 =	simm.s32 @!p2 $0x0  }
0x16: {  	s3 =	sld [smem:$0x3FDB];
	s0 =	simm.s32 @p2 $0x1  }
0x17: {  	s4 =	simm.s32 $0x1BF5;
	[smem:$0x3FBB] =	sst s0  }
0x18: {  	s0 =	sld [smem:$0x3F9E];
	_ =	swait.ge [sflag:s4], $0x0  }
0x19: {  	s7 =	sld [smem:$0x3F9F]  }
0x1a: {  	s8 =	sadd.s32 $0xFFFFE003, lr  }
0x1b: {  	s9 =	sadd.s32 $0xFFFFFEF7, lr;
	s5 =	simm.s32 $0xFFFFFFFF;
	p2 =	slt.u32 s8, $0xFFFFF086  }
0x1c: {  	p1 =	slt.u32 s9, $0xF7A;
	s5 =	simm.s32 @!p2 $0x0  }
0x1d: {  	s5 =	simm.s32 @p1 $0x1;
	p0 =	seq.s32 s7, s2  }
0x1e: {  	s7 =	smul.u32 @!p0 $0xF7A, s2;
	p2 =	seq.s32 @!p0 s5, $0x0  }
0x1f: {  	s9 =	smul.u32 $0xF7A, s1;
	s8 =	simm.s32 @!p0 $0x1BF5;
	p2 =	por !p2, p0  }
0x20: {  	[sflag:s8] =	ssyncset.s32 @!p0 $0xFFFFF086;
	s6 =	sadd.s32 @!p0 s3, s7;
	s7 =	simm.s32 @!p0 $0x108  }
0x21: {  	s3 =	sadd.s32 s3, s9;
	s6 =	sadd.s32 @!p0 $0x88, s6;
	s7 =	simm.s32 @p2 $0x1082  }
0x22: {  	[simem:s7], [sflag:s8] =	dma.local @!p0 [hbm:s6], $0xF7A  }
0x23: {  	s9 =	sor.u32 $0xD0000000, s2;
	s6 =	simm.s32 $0x108;
	_ =	swait.ge @!p0 [sflag:s8], $0x0  }
0x24: {  	s3 =	sadd.s32 $0x88, s3;
	s6 =	simm.s32 @!p1 $0x1082;
	[sflag:s4] =	ssyncset.s32 $0xFFFFF086  }
0x25: {  	[simem:s6], [sflag:s4] =	dma.local [hbm:s3], $0xF7A  }
0x26: {  	[smem:$0x3F9F] =	sst s1;
	(tag) =	ssettag s2;
	_ =	strace s9  }
0x27: {  	s1 =	sld [smem:$0x3FAF]  }
0x28: {  	s2 =	sld [smem:$0x3FB0]  }
0x29: {  	s4 =	sld [smem:$0x3FB2]  }
0x2a: {  	p0 =	seq.s32 s5, $0x0;
	s5 =	sld [smem:$0x3FB3]  }
0x2b: {  	s6 =	sld [smem:$0x3FB4]  }
0x2c: {  	s7 =	sld [smem:$0x3FB5]  }
0x2d: {  	s3 =	simm.s32 $0x108;
	s8 =	sld [smem:$0x3FB6]  }
0x2e: {  	s3 =	simm.s32 @!p0 $0x1082;
	s9 =	sld [smem:$0x3FB7]  }
0x2f: {  	lr =	sadd.s32 s0, s3;
	s0 =	sld [smem:$0x3FAE]  }
0x30: {  	s3 =	sld [smem:$0x3FB1]  }
0x31: {  	[smem:$0x3FBA] =	sst s10  }
0x32: {  	s10 =	sld [smem:$0x3FB8];
	_ =	sdelay $0x3  }
0x33: {  	p0 =	seq.s32 s10, $0x1;
	s10 =	sld [smem:$0x3FBA];
	_ =	sdelay $0x3  }
0x34: {  	[smem:$0x3FBA] =	sst s10  }
0x35: {  	s10 =	sld [smem:$0x3FB9];
	_ =	sdelay $0x3  }
0x36: {  	p1 =	seq.s32 s10, $0x1;
	s10 =	sld [smem:$0x3FBA];
	_ =	sdelay $0x3  }
0x37: {  	[smem:$0x3FBA] =	sst s10  }
0x38: {  	s10 =	sld [smem:$0x3FBB]  }
0x39: {  	_ = 	snop;
	(pc) =	sbr.ind lr, $3  }
0x3a: {  	_ = 	snop  }
0x3b: {  	_ = 	snop  }
0x3c: {  	p2 =	seq.s32 s10, $0x1;
	s10 =	sld [smem:$0x3FBA]  }
0x3d: {  	_ =	shalt  }
0x3e: {  	_ =	shalt  }
0x3f: {  	_ =	shalt  }
0x40: {  	_ =	shalt  }
0x41: {  	_ =	shalt  }
0x42: {  	_ =	shalt  }
0x43: {  	_ =	shalt  }
0x44: {  	_ =	shalt  }
0x45: {  	_ =	shalt  }
0x46: {  	_ =	shalt  }
0x47: {  	_ =	shalt  }
0x48: {  	_ =	shalt  }
0x49: {  	_ =	shalt  }
0x4a: {  	_ =	shalt  }
0x4b: {  	_ =	shalt  }
0x4c: {  	_ =	shalt  }
0x4d: {  	_ =	shalt  }
0x4e: {  	_ =	shalt  }
0x4f: {  	_ =	shalt  }
0x50: {  	_ =	shalt  }
0x51: {  	_ =	shalt  }
0x52: {  	_ =	shalt  }
0x53: {  	_ =	shalt  }
0x54: {  	_ =	shalt  }
0x55: {  	_ =	shalt  }
0x56: {  	_ =	shalt  }
0x57: {  	_ =	shalt  }
0x58: {  	_ =	shalt  }
0x59: {  	_ =	shalt  }
0x5a: {  	_ =	shalt  }
0x5b: {  	_ =	shalt  }
0x5c: {  	_ =	shalt  }
0x5d: {  	_ =	shalt  }
0x5e: {  	_ =	shalt  }
0x5f: {  	_ =	shalt  }
0x60: {  	_ =	shalt  }
0x61: {  	_ =	shalt  }
0x62: {  	_ =	shalt  }
0x63: {  	_ =	shalt  }
0x64: {  	_ =	shalt  }
0x65: {  	_ =	shalt  }
0x66: {  	_ =	shalt  }
0x67: {  	_ =	shalt  }
0x68: {  	_ =	shalt  }
0x69: {  	_ =	shalt  }
0x6a: {  	_ =	shalt  }
0x6b: {  	_ =	shalt  }
0x6c: {  	_ =	shalt  }
0x6d: {  	_ =	shalt  }
0x6e: {  	_ =	shalt  }
0x6f: {  	_ =	shalt  }
0x70: {  	_ =	shalt  }
0x71: {  	_ =	shalt  }
0x72: {  	_ =	shalt  }
0x73: {  	_ =	shalt  }
0x74: {  	_ =	shalt  }
0x75: {  	_ =	shalt  }
0x76: {  	_ =	shalt  }
0x77: {  	_ =	shalt  }
0x78: {  	_ =	shalt  }
0x79: {  	_ =	shalt  }
0x7a: {  	_ =	shalt  }
0x7b: {  	_ =	shalt  }
0x7c: {  	_ =	shalt  }
0x7d: {  	_ =	shalt  }
0x7e: {  	_ =	shalt  }
0x7f: {  	_ =	shalt  }
0x80: {  	_ =	shalt  }
0x81: {  	_ =	shalt  }
0x82: {  	_ =	shalt  }
0x83: {  	_ =	shalt  }
0x84: {  	_ =	shalt  }
0x85: {  	_ =	shalt  }
0x86: {  	_ =	shalt  }
0x87: {  	_ =	shalt  }
.Lfunc_end0:
.L_simem_size_0:
called_computation_lowered:
.L_overlay_start_0:
0x88: {  	s2 =	sld [smem:$0x3FD9]  }
0x89: {  	s3 =	sld [smem:$0x3FFE];
	_ =	sdelay $0x1  }
0x8a: {  	s1 =	srdreg.scid  }
0x8b: {  	s0 =	sand.u32 $0x1, s1  }
0x8c: {  	s17 =	sshll.u32 s0, $0xA;
	s2 =	sadd.s32 s3, s2  }
0x8d: {  	s2 =	sadd.s32 s2, s17  }
0x8e: {  	[smem:$0x3FC6] =	sst s2  }
0x8f: {  	_ = 	snop  }
0x90: {  	s2 =	sld [smem:$0x3FD0];
	(tm) =	ssettm $0x1  }
0x91: {  	s18 =	sld [smem:$0x3FFB];
	_ =	sdelay $0x3  }
0x92: {  	_ =	strace s18  }
0x93: {  	s3 =	sld [smem:$0x3FFC];
	_ =	sdelay $0x3  }
0x94: {  	_ =	strace s3  }
0x95: {  	s3 =	sld [smem:$0x3FFD];
	_ =	sdelay $0x3  }
0x96: {  	_ =	strace s3  }
0x97: {  	_ =	strace $0x8FFFFFFF  }
0x98: {  	s19 =	sld [smem:$0x3FDB];
	_ =	sdelay $0x1  }
0x99: {  	s4 =	simm.s32 $_scs_section_size  }
0x9a: {  	s5 =	simm.s32 $_size__tile_overlayer_lowered;
	s6 =	simm.s32 $_tile_overlayer_lowered  }
0x9b: {  	s22 =	simm.s32 $0x1BFF;
	s21 =	sshll.u32 s6, $0x1;
	s3 =	sadd.s32 s4, s19  }
0x9c: {  	s7 =	simm.s32 $0x0;
	s20 =	sshll.u32 s5, $0x1;
	s5 =	sadd.s32 s21, s3  }
0x9d: {  	[timem:s7], [sflag:s22] =	dma.local [hbm:s5], s20  }
0x9e: {  	_ =	swait.ge [sflag:s22], s20  }
0x9f: {  	s4 =	ssub.s32 $0x0, s20;
	[sflag:s22] =	ssyncset.done $0x0  }
0xa0: {  	[sflag:s22] =	ssyncadd.s32 s4;
	_ =	sdelay $0x1  }
0xa1: {  	s23 =	simm.s32 $0x1B8B  }
0xa2: {  	_ =	swait.ge [sflag:s23], $0x1  }
0xa3: {  	[sflag:s23] =	ssyncset.done $0x0  }
0xa4: {  	s25 =	simm.s32 $0x1B8E;
	s24 =	sld [smem:$0x3FFE];
	[sflag:s23] =	ssyncadd.s32 $0xFFFFFFFF  }
0xa5: {  	s26 =	simm.s32 $execute0_lowered;
	[smem:$0x3FD2] =	sst s25  }
0xa6: {  	s5 =	sshll.u32 s26, $0x1;
	_ =	strace $0x80000046;
	[dreg:$0x1] =	wrdreg $0xFFFFFFFF  }
0xa7: {  	s28 =	simm.s32 $_size_execute0_lowered;
	s3 =	sadd.s32 s3, s5;
	[dreg:$0x0] =	wrdreg $0x0  }
0xa8: {  	s5 =	sshll.u32 s28, $0x1;
	[dreg:$0x2] =	wrdreg s3  }
0xa9: {  	[dreg:$0x3] =	wrdreg s5  }
0xaa: {  	[dreg:$0x4] =	wrdreg $0xC0  }
0xab: {  	_ =	task [dreg:s7], $0x5FFFF  }
0xac: {  	[dreg:$0x1] =	wrdreg $0xFFFFFFFF  }
0xad: {  	[dreg:$0x0] =	wrdreg $0x60  }
0xae: {  	[dreg:$0x2] =	wrdreg s2  }
0xaf: {  	[dreg:$0x3] =	wrdreg s24  }
0xb0: {  	[dreg:$0x4] =	wrdreg $0x9  }
0xb1: {  	_ =	task.clear_ibuf [dreg:s7], $0x5FFFF;
	_ =	strace $0x90000046  }
0xb2: {  	s29 =	simm.s32 $0x9;
	_ =	strace $0x80000048  }
0xb3: {  	_ =	swait.ge [sflag:s29], $0x1  }
0xb4: {  	[sflag:s29] =	ssyncadd.s32 $0xFFFFFFFF  }
0xb5: {  	_ =	strace $0x90000048  }
0xb6: {  	_ =	sfence  }
0xb7: {  	s30 =	sld [smem:$0x0];
	_ =	sdelay $0x2  }
0xb8: {  	s31 =	sshll.u32 s1, $0xD;
	s1 =	sshrl.u32 s1, $0x2  }
0xb9: {  	s3 =	sand.u32 $0x4000, s31;
	s1 =	sadd.s32 s1, s30  }
0xba: {  	s0 =	sor.u32 s3, s0;
	s1 =	sshll.u32 s1, $0x11  }
0xbb: {  	s0 =	sor.u32 s1, s0  }
0xbc: {  	s0 =	sadd.s32 $0x8F2B, s0  }
0xbd: {  	[sflag:s0] =	ssyncadd.remote.s32 $0x1  }
0xbe: {  	_ =	sfence.sel $0xFFFF  }
0xbf: {  	[dreg:$0x0] =	wrdreg $0xFFFFFFFF;
	(pc) =	sbr.abs _section_cstart, $3  }
0xc0: {  	[dreg:$0x1] =	wrdreg $0xFFFFFFFF  }
0xc1: {  	_ =	task.clear_ibuf [dreg:s7], $0x2FFFF;
	_ =	strace $0x9FFFFFFF  }
0xc2: {  	(tm) =	ssettm $0x7FFFFFFF  }
0xc3: {  	_ =	shalt  }
tec
execute0_lowered:
.L_overlay_start_1:
0x0: {  	(tag) =	ssettag $0x1  }
0x1: {  	s1 =	srdreg.scid;
	s2 =	rddreg [dreg:$0x0]  }
0x2: {  	s0 =	stileid.u32;
	s5 =	rddreg [dreg:$0x1];
	s6 =	simm.s32 $0x1  }
0x3: {  	s9 =	simm.s32 $0x1;
	s10 =	simm.s32 $0x3;
	s1 =	sshll.u32 s1, $0x6  }
0x4: {  	s13 =	simm.s32 $0x0;
	s3 =	sshll.u32 s0, $0x7;
	s4 =	sand.u32 $0x40, s1  }
0x5: {  	s12 =	simm.s32 $0x0;
	s1 =	rddreg [dreg:$0x2];
	s3 =	sor.u32 s3, s4  }
0x6: {  	_ =	strace $0x80000047;
	s4 =	sadd.s32 $0x800, s5;
	s8 =	ssub.s32 $0x1000, s3  }
.Ltmp0:
0x7: {  	s5 =	sadd.s32 $0xA00, s5;
	s7 =	sand.u32 $0x7C0, s8;
	(pc) =	sbr.rel .LBB2_1-.Ltmp0, $4  }
0x8: {  	[sflag:s6] =	ssyncpa.u1 $0x0;
	s11 =	smov.u32 s3;
	p0 =	sne.s32 s7, $0x0  }
0x9: {  	s8 =	sshrl.u32 s8, $0xB;
	s7 =	simm.s32 $0x2;
	s9 =	simm.s32 @!p0 $0x0  }
0xa: {  	[sflag:s7] =	ssyncpa.u1 $0x0;
	p0 =	por $0x0, $0x0;
	s8 =	sadd.s32 s9, s8  }
0xb: {  	vm0 =	vmmov $0xffff;
	[sflag:s10] =	ssyncpa.u1 $0x0;
	s10 =	simm.s32 $0x0;
	s9 =	sadd.s32 $0x1, s8  }
.LBB2_4:
0xc: {  	v2 =	vnsel vm1, $0x0, v2  }
0xd: {  	vm1 =	vgt.s32 v0, $0x0;
	v2 =	vmin.u32 v2, $0xFFF  }
0xe: {  	v0 =	vnsel vm1, $0x0, v0  }
0xf: {  	v0 =	vmin.u32 v0, $0xFFF  }
0x10: {  	[tilespmem:s15], [sflag:$0x1] =	stream.indirect_vreg.gather [hbm4b:s2+s10], $0x1, v1, vm0, $0x4038;
	[tilespmem:$0x100] =	vst v63  }
0x11: {  	(ifvalue) =	ssetifvalue $0x7FFFFFFF  }
0x12: {  	[tilespmem:s16], [sflag:$0x1] =	stream.indirect_vreg.gather [hbm4b:s2+s10], $0x1, v2, vm0, $0x4038;
	[tilespmem:$0x100] =	vst v63  }
0x13: {  	s29 =	sadd.s32 $0x10, s16;
	(ifvalue) =	ssetifvalue $0x7FFFFFFF  }
0x14: {  	[tilespmem:s29], [sflag:$0x1] =	stream.indirect_vreg.gather [hbm4b:s2+s10], $0x1, v0, vm0, $0x4038;
	[tilespmem:$0x100] =	vst v63  }
0x15: {  	_ =	swait.ge [sflag:s6], $0x40  }
0x16: {  	s30 =	sshrl.u32 s13, $0x3;
	[sflag:s6] =	ssyncset.done $0x0  }
0x17: {  	s31 =	sand.u32 $0x7, s13;
	s15 =	sadd.s32 s5, s30;
	[sflag:s6] =	ssyncadd.s32 $0xFFFFFFC0  }
0x18: {  	[hbm4b:s15+s31] =	stream.linear.scatter [tilespmem:s14], [sflag:$0x3], $0x40, $0x38;
	[tilespmem:$0x100] =	vst v63  }
.LBB2_5:
0x19: {  	s15 =	sadd.s32 $0x800, s11  }
0x1a: {  	p2 =	sgt.s32 s15, $0xFFF  }
0x1b: {  	s15 =	smov.u32 @p2 s3;
	p2 =	sne.s32 s12, s9  }
.Ltmp1:
0x1c: {  	p1 =	slt.u32 s12, $0x2;
	(pc) =	sbr.rel @!p2 .LBB2_6-.Ltmp1, $4  }
0x1d: {  	s14 =	simm.s32 @!p1 $0x3  }
0x1e: {  	s16 =	sadd.s32 $0x1, s12;
	_ =	swait.ge @!p1 [sflag:s14], $0x40  }
0x1f: {  	s13 =	smov.u32 s11;
	p0 =	por !p0, !p0;
	[sflag:s14] =	ssyncset.done @!p1 $0x0  }
0x20: {  	s12 =	smov.u32 s16;
	s11 =	smov.u32 s15;
	[sflag:s14] =	ssyncadd.s32 @!p1 $0xFFFFFFC0  }
.LBB2_1:
0x21: {  	p1 =	sge.u32 s12, s8  }
0x22: {  	s14 =	sxor.u32 @!p1 $0xFFFFFFFF, s12  }
0x23: {  	s31 =	sadd.s32 $0xFFFFFFFF, s12;
	s15 =	sshrl.u32 @!p1 s11, $0x3;
	s14 =	sshll.u32 @!p1 s14, $0x6  }
0x24: {  	s16 =	sand.u32 @!p1 $0x7, s11;
	s15 =	sadd.s32 @!p1 s4, s15;
	s14 =	sand.u32 @!p1 $0x40, s14  }
0x25: {  	[tilespmem:s14], [sflag:$0x2] =	stream.linear.gather @!p1 [hbm4b:s15+s16], $0x40, $0x38;
	[tilespmem:$0x100] =	vst v63  }
0x26: {  	p1 =	sge.u32 s31, s8  }
.Ltmp2:
0x27: {  	_ = 	snop;
	(pc) =	sbr.rel @p1 .LBB2_5-.Ltmp2, $1  }
0x28: {  	_ =	sdelay $0x3  }
0x29: {  	s14 =	simm.s32 $0x1  }
0x2a: {  	_ =	swait.ge [sflag:s7], $0x40;
	s14 =	simm.s32 @!p0 $0x0  }
0x2b: {  	[sflag:s7] =	ssyncset.done $0x0;
	s14 =	sshll.u32 s14, $0x6  }
0x2c: {  	[sflag:s7] =	ssyncadd.s32 $0xFFFFFFC0;
	(ifvalue) =	ssetifvalue $0x7FFFFFFF;
	v0 =	vld.msk [tilespmem:s14+$0x0 ss:$0x1], $0xffff;
	_ =	sdelay $0x4  }
0x2d: {  	s15 =	sadd.s32 $0x10, s14;
	vm1 =	vgt.s32 v0, $0x0  }
0x2e: {  	v2 =	vld.msk [tilespmem:s15+$0x0 ss:$0x1], $0xffff;
	v1 =	vnsel vm1, $0x0, v0  }
0x2f: {  	v1 =	vmin.u32 v1, $0xFFF;
	_ =	sdelay $0x1  }
0x30: {  	s16 =	sshll.u32 s12, $0x6;
	s18 =	simm.s32 $0x20  }
0x31: {  	s16 =	sand.u32 $0x40, s16;
	s17 =	sadd.s32 $0x10, s15;
	s15 =	sor.u32 $0x80, s14  }
0x32: {  	s14 =	sor.u32 $0x80, s16;
	s16 =	sadd.s32 $0x10, s15;
	v0 =	vld.msk [tilespmem:s17+$0x0 ss:$0x1], $0xffff;
	vm1 =	vgt.s32 v2, $0x0;
	(ifvalue) =	ssetifvalue $0x7FFFFFFF  }
.LBB2_3:
0x33: {  	[tilespmem:s15], [sflag:$0x1] =	stream.indirect_vreg.gather [hbm4b:s2+s10], $0x1, v1, vm0, $0x4038;
	[tilespmem:$0x100] =	vst v63  }
0x34: {  	s18 =	sadd.s32 $0x10, s18  }
0x35: {  	v2 =	vnsel vm1, $0x0, v2;
	p1 =	slt.u32 s18, $0x30  }
.Ltmp3:
0x36: {  	s15 =	smov.u32 s16;
	v1 =	vmin.u32 v2, $0xFFF;
	(pc) =	sbr.rel @p1 .LBB2_3-.Ltmp3, $3  }
0x37: {  	_ =	sdelay $0x1  }
0x38: {  	s17 =	sadd.s32 $0x10, s17  }
0x39: {  	vm1 =	vgt.s32 v0, $0x0;
	s16 =	sadd.s32 $0x10, s16;
	v2 =	vmov v0;
	(ifvalue) =	ssetifvalue $0x7FFFFFFF;
	v0 =	vld.msk [tilespmem:s17+$0x0 ss:$0x1], $0xffff  }
.Ltmp4:
0x3a: {  	_ = 	snop;
	(pc) =	sbr.rel .LBB2_4-.Ltmp4, $1  }
0x3b: {  	_ =	sdelay $0x3  }
.LBB2_6:
0x3c: {  	_ =	sfence.sel $0x180000  }
0x3d: {  	s2 =	simm.s32 $0x2;
	[bflag:$0x0] =	sbarrier.arrive $0xFFFF  }
0x3e: {  	s30 =	simm.s32 $0x3;
	[sflag:s2] =	ssyncpa.u1 $0x1  }
0x3f: {  	s31 =	simm.s32 $0x1;
	[sflag:s30] =	ssyncpa.u1 $0x1  }
0x40: {  	[sflag:s31] =	ssyncpa.u1 $0x1  }
0x41: {  	p0 =	sne.s32 s0, $0x0;
	_ =	strace $0x90000047  }
0x42: {  	s0 =	sadd.s32 @!p0 $0x100000, s1;
	[bflag:$0x2] =	sbarrier.arrive $0xFFFF  }
0x43: {  	[sflag:s0] =	ssyncadd.tile.s32 @!p0 $0x1;
	_ =	shalt  }
.Lfunc_end2:
_tile_overlayer_lowered:
.L_overlay_start_2:
0x44: {  	(tag) =	ssettag $0x2  }
0x45: {  	s0 =	rddreg [dreg:$0x0];
	s2 =	stileid.u32  }
0x46: {  	s1 =	rddreg [dreg:$0x1];
	p0 =	sne.s32 s2, $0x0  }
0x47: {  	s3 =	rddreg [dreg:$0x2];
	[bflag:$0x3] =	sbarrier.arrive $0xFFFF;
	s2 =	simm.s32 @!p0 $0x1C01  }
0x48: {  	[timem:s3], [sflag:s2] =	dma.local @!p0 [hbm:s0], s1  }
0x49: {  	s0 =	simm.s32 @!p0 $0x1  }
0x4a: {  	_ =	swait.ge @!p0 [sflag:s0], s1  }
0x4b: {  	s1 =	ssub.s32 @!p0 $0x0, s1;
	[sflag:s0] =	ssyncset.done @!p0 $0x0  }
0x4c: {  	[sflag:s0] =	ssyncadd.s32 @!p0 s1  }
0x4d: {  	[bflag:$0x3] =	sbarrier.arrive $0xFFFF  }
0x4e: {  	_ =	shalt  }

// kernel: kernel.3.cloned.1.call-start
scs
__scs_entry_jumppad:
0x0: {  	(pc) =	sbr.rel $0x88, $3  }
0x1: {  	(tag) =	ssettag $0x0;
	lr =	simm.s32 $0x1  }
0x2: {  	[smem:$0x3F9F] =	sst lr;
	_ =	strace $0xD0000000  }
0x3: {  	_ = 	snop  }
0x4: {  	_ = 	snop  }
0x5: {  	_ = 	snop  }
0x6: {  	_ = 	snop  }
0x7: {  	_ = 	snop  }
__scs_overlays_trampoline_lowered:
0x8: {  	[smem:$0x3FAE] =	sst s0  }
0x9: {  	[smem:$0x3FAF] =	sst s1  }
0xa: {  	[smem:$0x3FB0] =	sst s2  }
0xb: {  	[smem:$0x3FB1] =	sst s3  }
0xc: {  	[smem:$0x3FB2] =	sst s4  }
0xd: {  	[smem:$0x3FB3] =	sst s5  }
0xe: {  	[smem:$0x3FB4] =	sst s6  }
0xf: {  	[smem:$0x3FB5] =	sst s7  }
0x10: {  	[smem:$0x3FB6] =	sst s8  }
0x11: {  	[smem:$0x3FB7] =	sst s9;
	s0 =	simm.s32 @!p0 $0x0  }
0x12: {  	s1 =	sld [smem:$0x3F9D];
	s0 =	simm.s32 @p0 $0x1  }
0x13: {  	[smem:$0x3FB8] =	sst s0;
	s0 =	simm.s32 @!p1 $0x0  }
0x14: {  	s2 =	sld [smem:$0x3F9C];
	s0 =	simm.s32 @p1 $0x1  }
0x15: {  	[smem:$0x3FB9] =	sst s0;
	s0 =	simm.s32 @!p2 $0x0  }
0x16: {  	s3 =	sld [smem:$0x3FDB];
	s0 =	simm.s32 @p2 $0x1  }
0x17: {  	s4 =	simm.s32 $0x1BF5;
	[smem:$0x3FBB] =	sst s0  }
0x18: {  	s0 =	sld [smem:$0x3F9E];
	_ =	swait.ge [sflag:s4], $0x0  }
0x19: {  	s7 =	sld [smem:$0x3F9F]  }
0x1a: {  	s8 =	sadd.s32 $0xFFFFE003, lr  }
0x1b: {  	s9 =	sadd.s32 $0xFFFFFEF7, lr;
	s5 =	simm.s32 $0xFFFFFFFF;
	p2 =	slt.u32 s8, $0xFFFFF086  }
0x1c: {  	p1 =	slt.u32 s9, $0xF7A;
	s5 =	simm.s32 @!p2 $0x0  }
0x1d: {  	s5 =	simm.s32 @p1 $0x1;
	p0 =	seq.s32 s7, s2  }
0x1e: {  	s7 =	smul.u32 @!p0 $0xF7A, s2;
	p2 =	seq.s32 @!p0 s5, $0x0  }
0x1f: {  	s9 =	smul.u32 $0xF7A, s1;
	s8 =	simm.s32 @!p0 $0x1BF5;
	p2 =	por !p2, p0  }
0x20: {  	[sflag:s8] =	ssyncset.s32 @!p0 $0xFFFFF086;
	s6 =	sadd.s32 @!p0 s3, s7;
	s7 =	simm.s32 @!p0 $0x108  }
0x21: {  	s3 =	sadd.s32 s3, s9;
	s6 =	sadd.s32 @!p0 $0x88, s6;
	s7 =	simm.s32 @p2 $0x1082  }
0x22: {  	[simem:s7], [sflag:s8] =	dma.local @!p0 [hbm:s6], $0xF7A  }
0x23: {  	s9 =	sor.u32 $0xD0000000, s2;
	s6 =	simm.s32 $0x108;
	_ =	swait.ge @!p0 [sflag:s8], $0x0  }
0x24: {  	s3 =	sadd.s32 $0x88, s3;
	s6 =	simm.s32 @!p1 $0x1082;
	[sflag:s4] =	ssyncset.s32 $0xFFFFF086  }
0x25: {  	[simem:s6], [sflag:s4] =	dma.local [hbm:s3], $0xF7A  }
0x26: {  	[smem:$0x3F9F] =	sst s1;
	(tag) =	ssettag s2;
	_ =	strace s9  }
0x27: {  	s1 =	sld [smem:$0x3FAF]  }
0x28: {  	s2 =	sld [smem:$0x3FB0]  }
0x29: {  	s4 =	sld [smem:$0x3FB2]  }
0x2a: {  	p0 =	seq.s32 s5, $0x0;
	s5 =	sld [smem:$0x3FB3]  }
0x2b: {  	s6 =	sld [smem:$0x3FB4]  }
0x2c: {  	s7 =	sld [smem:$0x3FB5]  }
0x2d: {  	s3 =	simm.s32 $0x108;
	s8 =	sld [smem:$0x3FB6]  }
0x2e: {  	s3 =	simm.s32 @!p0 $0x1082;
	s9 =	sld [smem:$0x3FB7]  }
0x2f: {  	lr =	sadd.s32 s0, s3;
	s0 =	sld [smem:$0x3FAE]  }
0x30: {  	s3 =	sld [smem:$0x3FB1]  }
0x31: {  	[smem:$0x3FBA] =	sst s10  }
0x32: {  	s10 =	sld [smem:$0x3FB8];
	_ =	sdelay $0x3  }
0x33: {  	p0 =	seq.s32 s10, $0x1;
	s10 =	sld [smem:$0x3FBA];
	_ =	sdelay $0x3  }
0x34: {  	[smem:$0x3FBA] =	sst s10  }
0x35: {  	s10 =	sld [smem:$0x3FB9];
	_ =	sdelay $0x3  }
0x36: {  	p1 =	seq.s32 s10, $0x1;
	s10 =	sld [smem:$0x3FBA];
	_ =	sdelay $0x3  }
0x37: {  	[smem:$0x3FBA] =	sst s10  }
0x38: {  	s10 =	sld [smem:$0x3FBB]  }
0x39: {  	_ = 	snop;
	(pc) =	sbr.ind lr, $3  }
0x3a: {  	_ = 	snop  }
0x3b: {  	_ = 	snop  }
0x3c: {  	p2 =	seq.s32 s10, $0x1;
	s10 =	sld [smem:$0x3FBA]  }
0x3d: {  	_ =	shalt  }
0x3e: {  	_ =	shalt  }
0x3f: {  	_ =	shalt  }
0x40: {  	_ =	shalt  }
0x41: {  	_ =	shalt  }
0x42: {  	_ =	shalt  }
0x43: {  	_ =	shalt  }
0x44: {  	_ =	shalt  }
0x45: {  	_ =	shalt  }
0x46: {  	_ =	shalt  }
0x47: {  	_ =	shalt  }
0x48: {  	_ =	shalt  }
0x49: {  	_ =	shalt  }
0x4a: {  	_ =	shalt  }
0x4b: {  	_ =	shalt  }
0x4c: {  	_ =	shalt  }
0x4d: {  	_ =	shalt  }
0x4e: {  	_ =	shalt  }
0x4f: {  	_ =	shalt  }
0x50: {  	_ =	shalt  }
0x51: {  	_ =	shalt  }
0x52: {  	_ =	shalt  }
0x53: {  	_ =	shalt  }
0x54: {  	_ =	shalt  }
0x55: {  	_ =	shalt  }
0x56: {  	_ =	shalt  }
0x57: {  	_ =	shalt  }
0x58: {  	_ =	shalt  }
0x59: {  	_ =	shalt  }
0x5a: {  	_ =	shalt  }
0x5b: {  	_ =	shalt  }
0x5c: {  	_ =	shalt  }
0x5d: {  	_ =	shalt  }
0x5e: {  	_ =	shalt  }
0x5f: {  	_ =	shalt  }
0x60: {  	_ =	shalt  }
0x61: {  	_ =	shalt  }
0x62: {  	_ =	shalt  }
0x63: {  	_ =	shalt  }
0x64: {  	_ =	shalt  }
0x65: {  	_ =	shalt  }
0x66: {  	_ =	shalt  }
0x67: {  	_ =	shalt  }
0x68: {  	_ =	shalt  }
0x69: {  	_ =	shalt  }
0x6a: {  	_ =	shalt  }
0x6b: {  	_ =	shalt  }
0x6c: {  	_ =	shalt  }
0x6d: {  	_ =	shalt  }
0x6e: {  	_ =	shalt  }
0x6f: {  	_ =	shalt  }
0x70: {  	_ =	shalt  }
0x71: {  	_ =	shalt  }
0x72: {  	_ =	shalt  }
0x73: {  	_ =	shalt  }
0x74: {  	_ =	shalt  }
0x75: {  	_ =	shalt  }
0x76: {  	_ =	shalt  }
0x77: {  	_ =	shalt  }
0x78: {  	_ =	shalt  }
0x79: {  	_ =	shalt  }
0x7a: {  	_ =	shalt  }
0x7b: {  	_ =	shalt  }
0x7c: {  	_ =	shalt  }
0x7d: {  	_ =	shalt  }
0x7e: {  	_ =	shalt  }
0x7f: {  	_ =	shalt  }
0x80: {  	_ =	shalt  }
0x81: {  	_ =	shalt  }
0x82: {  	_ =	shalt  }
0x83: {  	_ =	shalt  }
0x84: {  	_ =	shalt  }
0x85: {  	_ =	shalt  }
0x86: {  	_ =	shalt  }
0x87: {  	_ =	shalt  }
.Lfunc_end0:
.L_simem_size_0:
called_computation.1_lowered:
.L_overlay_start_0:
0x88: {  	s2 =	sld [smem:$0x3FD9]  }
0x89: {  	s3 =	sld [smem:$0x3FFE];
	_ =	sdelay $0x1  }
0x8a: {  	s1 =	srdreg.scid  }
0x8b: {  	s0 =	sand.u32 $0x1, s1  }
0x8c: {  	s17 =	sshll.u32 s0, $0xA;
	s2 =	sadd.s32 s3, s2  }
0x8d: {  	s2 =	sadd.s32 s2, s17  }
0x8e: {  	[smem:$0x3FC6] =	sst s2  }
0x8f: {  	_ = 	snop  }
0x90: {  	s2 =	sld [smem:$0x3FC9]  }
0x91: {  	s18 =	sld [smem:$0x3FD0];
	(tm) =	ssettm $0x1  }
0x92: {  	s4 =	sld [smem:$0x3FFB];
	_ =	sdelay $0x3  }
0x93: {  	_ =	strace s4  }
0x94: {  	s4 =	sld [smem:$0x3FFC];
	_ =	sdelay $0x3  }
0x95: {  	_ =	strace s4  }
0x96: {  	s4 =	sld [smem:$0x3FFD];
	_ =	sdelay $0x3  }
0x97: {  	_ =	strace s4  }
0x98: {  	_ =	strace $0x8FFFFFFF  }
0x99: {  	s19 =	sld [smem:$0x3FDB];
	_ =	sdelay $0x1  }
0x9a: {  	s5 =	simm.s32 $_scs_section_size  }
0x9b: {  	s6 =	simm.s32 $_size__tile_overlayer_lowered;
	s7 =	simm.s32 $_tile_overlayer_lowered  }
0x9c: {  	s22 =	simm.s32 $0x1BFF;
	s21 =	sshll.u32 s7, $0x1;
	s4 =	sadd.s32 s5, s19  }
0x9d: {  	s8 =	simm.s32 $0x0;
	s20 =	sshll.u32 s6, $0x1;
	s6 =	sadd.s32 s21, s4  }
0x9e: {  	[timem:s8], [sflag:s22] =	dma.local [hbm:s6], s20  }
0x9f: {  	_ =	swait.ge [sflag:s22], s20  }
0xa0: {  	s5 =	ssub.s32 $0x0, s20;
	[sflag:s22] =	ssyncset.done $0x0  }
0xa1: {  	[sflag:s22] =	ssyncadd.s32 s5;
	_ =	sdelay $0x1  }
0xa2: {  	s23 =	simm.s32 $0x1B8B  }
0xa3: {  	_ =	swait.ge [sflag:s23], $0x1  }
0xa4: {  	[sflag:s23] =	ssyncset.done $0x0  }
0xa5: {  	s25 =	simm.s32 $0x1B8E;
	s24 =	sld [smem:$0x3FFE];
	[sflag:s23] =	ssyncadd.s32 $0xFFFFFFFF  }
0xa6: {  	s26 =	simm.s32 $execute0_lowered;
	[smem:$0x3FD2] =	sst s25  }
0xa7: {  	s6 =	sshll.u32 s26, $0x1;
	_ =	strace $0x80000049;
	[dreg:$0x1] =	wrdreg $0xFFFFFFFF  }
0xa8: {  	s28 =	simm.s32 $_size_execute0_lowered;
	s4 =	sadd.s32 s4, s6;
	[dreg:$0x0] =	wrdreg $0x0  }
0xa9: {  	s6 =	sshll.u32 s28, $0x1;
	[dreg:$0x2] =	wrdreg s4  }
0xaa: {  	[dreg:$0x3] =	wrdreg s6  }
0xab: {  	[dreg:$0x4] =	wrdreg $0xC0  }
0xac: {  	_ =	task [dreg:s8], $0x5FFFF  }
0xad: {  	[dreg:$0x1] =	wrdreg $0xFFFFFFFF  }
0xae: {  	[dreg:$0x0] =	wrdreg $0x60  }
0xaf: {  	[dreg:$0x2] =	wrdreg s2  }
0xb0: {  	[dreg:$0x3] =	wrdreg s24  }
0xb1: {  	[dreg:$0x4] =	wrdreg s18  }
0xb2: {  	[dreg:$0x5] =	wrdreg $0x9  }
0xb3: {  	_ =	task.clear_ibuf [dreg:s8], $0x6FFFF;
	_ =	strace $0x90000049  }
0xb4: {  	s29 =	simm.s32 $0x9;
	_ =	strace $0x8000004B  }
0xb5: {  	_ =	swait.ge [sflag:s29], $0x1  }
0xb6: {  	[sflag:s29] =	ssyncadd.s32 $0xFFFFFFFF  }
0xb7: {  	_ =	strace $0x9000004B  }
0xb8: {  	_ =	sfence  }
0xb9: {  	s30 =	sld [smem:$0x0];
	_ =	sdelay $0x2  }
0xba: {  	s31 =	sshll.u32 s1, $0xD;
	s1 =	sshrl.u32 s1, $0x2  }
0xbb: {  	s3 =	sand.u32 $0x4000, s31;
	s1 =	sadd.s32 s1, s30  }
0xbc: {  	s0 =	sor.u32 s3, s0;
	s1 =	sshll.u32 s1, $0x11  }
0xbd: {  	s0 =	sor.u32 s1, s0  }
0xbe: {  	s0 =	sadd.s32 $0x8F2B, s0  }
0xbf: {  	[sflag:s0] =	ssyncadd.remote.s32 $0x1  }
0xc0: {  	_ =	sfence.sel $0xFFFF  }
0xc1: {  	[dreg:$0x0] =	wrdreg $0xFFFFFFFF;
	(pc) =	sbr.abs _section_cstart, $3  }
0xc2: {  	[dreg:$0x1] =	wrdreg $0xFFFFFFFF  }
0xc3: {  	_ =	task.clear_ibuf [dreg:s8], $0x2FFFF;
	_ =	strace $0x9FFFFFFF  }
0xc4: {  	(tm) =	ssettm $0x7FFFFFFF  }
0xc5: {  	_ =	shalt  }
tec
execute0_lowered:
.L_overlay_start_1:
0x0: {  	(tag) =	ssettag $0x1  }
0x1: {  	s1 =	rddreg [dreg:$0x0]  }
0x2: {  	s6 =	rddreg [dreg:$0x1]  }
0x3: {  	s3 =	rddreg [dreg:$0x2];
	s4 =	srdreg.scid  }
0x4: {  	s0 =	rddreg [dreg:$0x3];
	s2 =	stileid.u32;
	s10 =	simm.s32 $0x5  }
0x5: {  	s11 =	simm.s32 $0x10000;
	s12 =	simm.s32 $0x12000;
	s13 =	simm.s32 $0x1  }
0x6: {  	s14 =	simm.s32 $0x14000;
	s15 =	simm.s32 $0x2;
	s16 =	simm.s32 $0x16000  }
0x7: {  	s17 =	simm.s32 $0x3;
	s18 =	simm.s32 $0x4;
	s19 =	simm.s32 $0x0  }
0x8: {  	s5 =	sand.u32 $0x1, s4;
	s4 =	simm.s32 $0x0;
	s7 =	sshll.u32 s2, $0x14  }
0x9: {  	v2 =	vlaneseq.u32;
	s6 =	sadd.s32 $0x800, s6;
	s8 =	sshll.u32 s5, $0x13;
	s9 =	ssub.s32 $0x2, s5  }
0xa: {  	v4 =	vmul.u32 $0x2, v2;
	v0 =	vmul.u32 $0xFFFFFFFF, v2;
	[smem:$0x7FF] =	sst s4;
	s5 =	sor.u32 s8, s7;
	s31 =	sshrl.u32 s9, $0x1  }
0xb: {  	v1 =	vor.u32 $0x20, v2;
	v2 =	vor.u32 $0x30, v2;
	_ =	strace $0x8000004A;
	s8 =	sshrl.u32 s5, $0x3;
	s9 =	ssub.s32 s9, s31  }
0xc: {  	v3 =	vor.u32 $0x40, v4;
	v4 =	vor.u32 $0x60, v4;
	v5 =	vadd.s32 $0x10, v0;
	s7 =	sadd.s32 s1, s8;
	s8 =	sadd.s32 $0x400, s1;
	s9 =	smax.u32 s9, $0x1  }
.LBB2_1:
0xd: {  	[tilespmem:s4], [sflag:$0x5] =	stream.linear.gather [hbm4b:s6+s4], $0x10000, $0x38;
	[tilespmem:$0x18000] =	vst v63  }
0xe: {  	_ =	swait.ge [sflag:s10], $0x10000  }
0xf: {  	[sflag:s10] =	ssyncset.done $0x0  }
0x10: {  	s20 =	simm.s32 $0x0;
	[sflag:s10] =	ssyncadd.s32 $0xFFFF0000  }
0x11: {  	v6 =	vld [tilespmem:$0x10];
	[tilespmem:s11], [sflag:$0x1] =	stream.linear.gather [hbm4b:s7+s4], $0x2000, $0x38  }
.LBB2_2:
0x12: {  	s21 =	sshll.u32 s20, $0xE  }
0x13: {  	s22 =	sor.u32 s5, s21  }
0x14: {  	s21 =	sshrl.u32 s22, $0x3  }
0x15: {  	p0 =	seq.s32 s20, $0x0;
	s23 =	sadd.s32 s21, s8  }
0x16: {  	[tilespmem:s12], [sflag:$0x2] =	stream.linear.gather [hbm4b:s23+s4], $0x2000, $0x38;
	[tilespmem:$0x18000] =	vst v63  }
0x17: {  	s23 =	simm.s32 @!p0 $0x3  }
0x18: {  	_ =	swait.ge @!p0 [sflag:s23], $0x2000  }
0x19: {  	[sflag:s23] =	ssyncset.done @!p0 $0x0  }
0x1a: {  	[sflag:s23] =	ssyncadd.s32 @!p0 $0xFFFFE000  }
0x1b: {  	_ =	swait.ge [sflag:s13], $0x2000  }
0x1c: {  	[sflag:s13] =	ssyncset.done $0x0  }
0x1d: {  	s31 =	simm.s32 $0x10080;
	[sflag:s13] =	ssyncadd.s32 $0xFFFFE000  }
0x1e: {  	v22 =	vld [tilespmem:s31+$0x70]  }
0x1f: {  	v13 =	vld [tilespmem:s31+$0xFFFFFF90]  }
0x20: {  	v12 =	vld [tilespmem:s31+$0xFFFFFFA0]  }
0x21: {  	v11 =	vld [tilespmem:s31+$0xFFFFFFB0]  }
0x22: {  	v10 =	vld [tilespmem:s31+$0xFFFFFFC0]  }
0x23: {  	v9 =	vld [tilespmem:s31+$0xFFFFFFD0]  }
0x24: {  	v8 =	vld [tilespmem:s31+$0xFFFFFFE0]  }
0x25: {  	v7 =	vld [tilespmem:s31+$0xFFFFFFF0]  }
0x26: {  	v19 =	vld [tilespmem:s31+$0x40]  }
0x27: {  	v20 =	vld [tilespmem:s31+$0x50];
	vm1 =	vle.f32 v6, v22  }
0x28: {  	v21 =	vld [tilespmem:s31+$0x60];
	v14 =	vsel vm1, v2, v1  }
0x29: {  	v17 =	vld [tilespmem:s31+$0x20];
	vm0 =	vle.f32 v6, v13  }
0x2a: {  	v16 =	vld [tilespmem:s31+$0x30];
	vm2 =	vle.f32 v6, v12;
	vm6 =	vle.f32 v6, v11;
	v23 =	vsel vm0, v2, v1  }
0x2b: {  	v15 =	vld [tilespmem:s31+$0x10];
	vm7 =	vle.f32 v6, v10;
	vm8 =	vle.f32 v6, v9;
	v25 =	vsel vm2, v2, v1  }
0x2c: {  	v18 =	vld [tilespmem:s31+$0xFFFFFF80];
	vm9 =	vle.f32 v6, v8;
	vm3 =	vle.f32 v6, v19;
	v27 =	vsel vm6, v2, v1  }
0x2d: {  	vm10 =	vle.f32 v6, v7;
	vm11 =	vle.f32 v6, v20;
	v38 =	vsel vm3, v2, v1;
	v29 =	vld.idx.msk [tilespmem:v14+s4+$0x0], $0xffff  }
0x2e: {  	vm12 =	vle.f32 v6, v21;
	vm13 =	vle.f32 v6, v17;
	v39 =	vsel vm11, v2, v1;
	v14 =	vld [tilespmem:s31+$0x0]  }
0x2f: {  	vm14 =	vle.f32 v6, v16;
	v24 =	vsel vm0, v4, v3;
	v40 =	vsel vm12, v2, v1;
	v23 =	vld.idx.msk [tilespmem:v23+s4+$0x0], $0xffff  }
0x30: {  	v26 =	vsel vm2, v4, v3;
	v28 =	vsel vm6, v4, v3;
	v30 =	vsel vm7, v2, v1;
	v25 =	vld.idx.msk [tilespmem:v25+s4+$0x0], $0xffff  }
0x31: {  	v31 =	vsel vm7, v4, v3;
	v32 =	vsel vm8, v2, v1;
	v33 =	vsel vm8, v4, v3;
	v27 =	vld.idx.msk [tilespmem:v27+s4+$0x0], $0xffff  }
0x32: {  	v34 =	vsel vm9, v2, v1;
	v35 =	vsel vm9, v4, v3;
	v36 =	vsel vm10, v2, v1;
	v38 =	vld.idx.msk [tilespmem:v38+s4+$0x0], $0xffff  }
0x33: {  	v37 =	vsel vm10, v4, v3;
	vm6 =	vle.f32 v6, v15;
	v60 =	vsel vm1, v4, v3;
	v39 =	vld.idx.msk [tilespmem:v39+s4+$0x0], $0xffff  }
0x34: {  	v43 =	vsel vm13, v2, v1;
	vm7 =	vle.f32 v6, v18;
	v44 =	vsel vm14, v2, v1;
	v40 =	vld.idx.msk [tilespmem:v40+s4+$0x0], $0xffff  }
0x35: {  	v49 =	vsel vm14, v4, v3;
	v51 =	vsel vm3, v4, v3;
	v46 =	vsel vm7, v2, v1;
	v30 =	vld.idx.msk [tilespmem:v30+s4+$0x0], $0xffff  }
0x36: {  	v52 =	vsel vm11, v4, v3;
	v58 =	vsel vm12, v4, v3;
	v61 =	vsel vm6, v2, v1;
	v63 =	vld.idx.msk [tilespmem:v32+s4+$0x0], $0xffff  }
0x37: {  	v47 =	vsel vm7, v4, v3;
	v48 =	vsel vm6, v4, v3;
	vm4 =	vle.f32 v6, v14  }
0x38: {  	vm5 =	vle.f32 v29, v22;
	vm15 =	vle.f32 v23, v13;
	v23 =	vsel vm13, v4, v3  }
0x39: {  	v34 =	vld.idx.msk [tilespmem:v34+s4+$0x0], $0xffff;
	vm7 =	vle.f32 v25, v12;
	vm8 =	vle.f32 v27, v11;
	vm9 =	vle.f32 v38, v19  }
0x3a: {  	v56 =	vld.idx.msk [tilespmem:v46+s4+$0x0], $0xffff;
	vm10 =	vle.f32 v39, v20;
	vm11 =	vle.f32 v40, v21;
	vm12 =	vle.f32 v30, v10  }
0x3b: {  	v36 =	vld.idx.msk [tilespmem:v36+s4+$0x0], $0xffff;
	vm14 =	vle.f32 v63, v9;
	v41 =	vsel vm5, v5, v0;
	v42 =	vsel vm4, v2, v1  }
0x3c: {  	v45 =	vsel vm4, v4, v3;
	v50 =	vsel vm15, v5, v0;
	v32 =	vsel vm8, v5, v0  }
0x3d: {  	v38 =	vsel vm9, v5, v0;
	v57 =	vsel vm10, v5, v0;
	v29 =	vadd.s32 v60, v41  }
0x3e: {  	v63 =	vld.idx.msk [tilespmem:v43+s4+$0x0], $0xffff;
	v59 =	vsel vm11, v5, v0;
	vm15 =	vle.f32 v34, v8;
	v38 =	vadd.s32 v51, v38  }
0x3f: {  	vm4 =	vle.f32 v56, v18;
	v53 =	vsel vm14, v5, v0;
	v40 =	vadd.s32 v52, v57;
	v60 =	vld.idx.msk [tilespmem:v61+s4+$0x0], $0xffff  }
0x40: {  	vm5 =	vle.f32 v36, v7;
	v24 =	vadd.s32 v24, v50;
	v30 =	vadd.s32 v58, v59;
	v52 =	vld.idx.msk [tilespmem:v44+s4+$0x0], $0xffff  }
0x41: {  	v50 =	vsel vm7, v5, v0;
	v51 =	vsel vm12, v5, v0;
	v39 =	vsel vm15, v5, v0;
	v42 =	vld.idx.msk [tilespmem:v42+s4+$0x0], $0xffff  }
0x42: {  	v55 =	vsel vm4, v5, v0;
	v28 =	vadd.s32 v28, v32;
	v33 =	vadd.s32 v33, v53;
	v62 =	vld.idx.msk [tilespmem:v29+s4+$0x0], $0xffff  }
0x43: {  	v61 =	vshll.u32 v29, $0x1;
	v26 =	vadd.s32 v26, v50;
	v46 =	vadd.s32 v47, v55;
	v54 =	vld.idx.msk [tilespmem:v38+s4+$0x0], $0xffff  }
0x44: {  	v47 =	vsel vm5, v5, v0;
	v35 =	vadd.s32 v35, v39;
	vm8 =	vle.f32 v63, v17;
	v56 =	vld.idx.msk [tilespmem:v40+s4+$0x0], $0xffff  }
0x45: {  	v25 =	vadd.s32 v31, v51;
	v37 =	vadd.s32 v37, v47;
	v59 =	vsel vm8, v5, v0;
	v57 =	vld.idx.msk [tilespmem:v30+s4+$0x0], $0xffff  }
0x46: {  	vm7 =	vle.f32 v60, v15;
	vm9 =	vle.f32 v52, v16;
	v29 =	vld.idx.msk [tilespmem:v24+s4+$0x0], $0xffff;
	v38 =	vshll.u32 v38, $0x1  }
0x47: {  	v40 =	vshll.u32 v40, $0x1;
	v55 =	vld.idx.msk [tilespmem:v28+s4+$0x0], $0xffff;
	v30 =	vshll.u32 v30, $0x1;
	v23 =	vadd.s32 v23, v59  }
0x48: {  	v24 =	vshll.u32 v24, $0x1;
	v28 =	vshll.u32 v28, $0x1;
	v31 =	vsel vm7, v5, v0;
	v63 =	vld.idx.msk [tilespmem:v46+s4+$0x0], $0xffff  }
0x49: {  	v60 =	vsel vm9, v5, v0;
	v39 =	vld.idx.msk [tilespmem:v35+s4+$0x0], $0xffff;
	v46 =	vshll.u32 v46, $0x1;
	v35 =	vshll.u32 v35, $0x1  }
0x4a: {  	v31 =	vadd.s32 v48, v31;
	v34 =	vadd.s32 v49, v60;
	vm6 =	vle.f32 v42, v14  }
0x4b: {  	vm13 =	vle.f32 v62, v22;
	v32 =	vsel vm6, v5, v0;
	vm12 =	vle.f32 v57, v21;
	v57 =	vld.idx.msk [tilespmem:v25+s4+$0x0], $0xffff  }
0x4c: {  	vm11 =	vle.f32 v56, v20;
	v62 =	vsel vm13, v5, v0;
	v32 =	vadd.s32 v45, v32  }
0x4d: {  	vm10 =	vle.f32 v54, v19;
	v54 =	vsel vm11, v5, v0;
	v27 =	vadd.s32 v61, v62  }
0x4e: {  	v56 =	vsel vm12, v5, v0;
	v61 =	vld.idx.msk [tilespmem:v26+s4+$0x0], $0xffff;
	v62 =	vsel vm10, v5, v0;
	v40 =	vadd.s32 v40, v54  }
0x4f: {  	vm15 =	vle.f32 v29, v13;
	v30 =	vadd.s32 v30, v56;
	v38 =	vadd.s32 v38, v62;
	v62 =	vld.idx.msk [tilespmem:v37+s4+$0x0], $0xffff  }
0x50: {  	vm7 =	vle.f32 v55, v11;
	v42 =	vsel vm15, v5, v0;
	vm8 =	vle.f32 v57, v10;
	v57 =	vld.idx.msk [tilespmem:v31+s4+$0x0], $0xffff  }
0x51: {  	vm14 =	vle.f32 v63, v18;
	v45 =	vsel vm7, v5, v0;
	v24 =	vadd.s32 v24, v42;
	v63 =	vld.idx.msk [tilespmem:v32+s4+$0x0], $0xffff  }
0x52: {  	v25 =	vshll.u32 v25, $0x1;
	v26 =	vshll.u32 v26, $0x1;
	v28 =	vadd.s32 v28, v45;
	v58 =	vld.idx.msk [tilespmem:v27+s4+$0x0], $0xffff  }
0x53: {  	v37 =	vshll.u32 v37, $0x1;
	v31 =	vshll.u32 v31, $0x1;
	v47 =	vsel vm8, v5, v0;
	v60 =	vld.idx.msk [tilespmem:v40+s4+$0x0], $0xffff  }
0x54: {  	v32 =	vshll.u32 v32, $0x1;
	v27 =	vshll.u32 v27, $0x1;
	vm6 =	vle.f32 v61, v12;
	v61 =	vld.idx.msk [tilespmem:v30+s4+$0x0], $0xffff  }
0x55: {  	v40 =	vshll.u32 v40, $0x1;
	v30 =	vshll.u32 v30, $0x1;
	v25 =	vadd.s32 v25, v47;
	v59 =	vld.idx.msk [tilespmem:v38+s4+$0x0], $0xffff  }
0x56: {  	v52 =	vld.idx.msk [tilespmem:v24+s4+$0x0], $0xffff;
	v24 =	vshll.u32 v24, $0x1;
	v44 =	vsel vm6, v5, v0;
	v38 =	vshll.u32 v38, $0x1  }
0x57: {  	vm15 =	vle.f32 v62, v7;
	v45 =	vshll.u32 v25, $0x1;
	vm13 =	vle.f32 v58, v22;
	v58 =	vld.idx.msk [tilespmem:v33+s4+$0x0], $0xffff  }
0x58: {  	v36 =	vsel vm15, v5, v0;
	v26 =	vadd.s32 v26, v44;
	v44 =	vshll.u32 v28, $0x1  }
0x59: {  	vm11 =	vle.f32 v60, v20;
	vm12 =	vle.f32 v61, v21;
	v41 =	vsel vm13, v5, v0  }
0x5a: {  	vm10 =	vle.f32 v59, v19;
	v60 =	vsel vm12, v5, v0;
	v27 =	vadd.s32 v27, v41  }
0x5b: {  	vm5 =	vle.f32 v57, v15;
	v56 =	vsel vm10, v5, v0;
	v30 =	vadd.s32 v30, v60  }
0x5c: {  	v61 =	vld.idx.msk [tilespmem:v34+s4+$0x0], $0xffff;
	v38 =	vadd.s32 v38, v56;
	vm9 =	vle.f32 v58, v9;
	v58 =	vsel vm11, v5, v0  }
0x5d: {  	v36 =	vadd.s32 v37, v36;
	vm4 =	vle.f32 v63, v14;
	v59 =	vld.idx.msk [tilespmem:v23+s4+$0x0], $0xffff;
	v40 =	vadd.s32 v40, v58  }
0x5e: {  	v57 =	vsel vm5, v5, v0;
	v43 =	vshll.u32 v36, $0x1;
	v33 =	vshll.u32 v33, $0x1  }
0x5f: {  	v34 =	vshll.u32 v34, $0x1;
	v31 =	vadd.s32 v31, v57;
	vm13 =	vle.f32 v39, v8;
	v49 =	vld.idx.msk [tilespmem:v27+s4+$0x0], $0xffff  }
0x60: {  	v39 =	vsel vm4, v5, v0;
	v23 =	vshll.u32 v23, $0x1;
	v41 =	vsel vm14, v5, v0;
	v60 =	vld.idx.msk [tilespmem:v30+s4+$0x0], $0xffff  }
0x61: {  	v32 =	vadd.s32 v32, v39;
	v41 =	vadd.s32 v46, v41;
	vm7 =	vle.f32 v61, v16;
	v63 =	vld.idx.msk [tilespmem:v38+s4+$0x0], $0xffff  }
0x62: {  	v48 =	vsel vm9, v5, v0;
	vm6 =	vle.f32 v59, v17;
	v27 =	vshll.u32 v27, $0x1;
	v58 =	vld.idx.msk [tilespmem:v40+s4+$0x0], $0xffff  }
0x63: {  	v59 =	vsel vm6, v5, v0;
	v30 =	vshll.u32 v30, $0x1;
	v33 =	vadd.s32 v33, v48  }
0x64: {  	v38 =	vshll.u32 v38, $0x1;
	vm14 =	vle.f32 v49, v22;
	v49 =	vsel vm13, v5, v0  }
0x65: {  	v28 =	vld.idx.msk [tilespmem:v28+s4+$0x0], $0xffff;
	v23 =	vadd.s32 v23, v59;
	v62 =	vsel vm14, v5, v0;
	v35 =	vadd.s32 v35, v49  }
0x66: {  	v25 =	vld.idx.msk [tilespmem:v25+s4+$0x0], $0xffff;
	v40 =	vshll.u32 v40, $0x1;
	vm8 =	vle.f32 v63, v19;
	v27 =	vadd.s32 v27, v62  }
0x67: {  	vm10 =	vle.f32 v60, v21;
	v63 =	vld.idx.msk [tilespmem:v41+s4+$0x0], $0xffff;
	v29 =	vsel vm8, v5, v0;
	vm9 =	vle.f32 v58, v20  }
0x68: {  	v36 =	vld.idx.msk [tilespmem:v36+s4+$0x0], $0xffff;
	v62 =	vsel vm10, v5, v0;
	v29 =	vadd.s32 v38, v29;
	v61 =	vsel vm9, v5, v0  }
0x69: {  	v30 =	vadd.s32 v30, v62;
	v38 =	vadd.s32 v40, v61;
	v40 =	vshll.u32 v33, $0x1;
	v33 =	vld.idx.msk [tilespmem:v33+s4+$0x0], $0xffff  }
0x6a: {  	v37 =	vshll.u32 v32, $0x1;
	v53 =	vsel vm7, v5, v0;
	v47 =	vshll.u32 v35, $0x1;
	v35 =	vld.idx.msk [tilespmem:v35+s4+$0x0], $0xffff  }
0x6b: {  	v34 =	vadd.s32 v34, v53;
	vm6 =	vle.f32 v28, v11;
	vm13 =	vle.f32 v52, v13;
	v54 =	vld.idx.msk [tilespmem:v27+s4+$0x0], $0xffff  }
0x6c: {  	v42 =	vsel vm6, v5, v0;
	v50 =	vsel vm13, v5, v0;
	vm12 =	vle.f32 v63, v18;
	v63 =	vld.idx.msk [tilespmem:v23+s4+$0x0], $0xffff  }
0x6d: {  	v41 =	vshll.u32 v41, $0x1;
	vm8 =	vle.f32 v25, v10;
	v24 =	vadd.s32 v24, v50;
	v55 =	vld.idx.msk [tilespmem:v29+s4+$0x0], $0xffff  }
0x6e: {  	v23 =	vshll.u32 v23, $0x1;
	v27 =	vshll.u32 v27, $0x1;
	v57 =	vld.idx.msk [tilespmem:v30+s4+$0x0], $0xffff;
	v29 =	vshll.u32 v29, $0x1  }
0x6f: {  	v30 =	vshll.u32 v30, $0x1;
	v56 =	vld.idx.msk [tilespmem:v38+s4+$0x0], $0xffff;
	v38 =	vshll.u32 v38, $0x1;
	vm9 =	vle.f32 v33, v9  }
0x70: {  	v32 =	vld.idx.msk [tilespmem:v32+s4+$0x0], $0xffff;
	v33 =	vsel vm8, v5, v0;
	vm10 =	vle.f32 v35, v8;
	vm11 =	vle.f32 v54, v22  }
0x71: {  	v54 =	vld.idx.msk [tilespmem:v26+s4+$0x0], $0xffff;
	v26 =	vshll.u32 v26, $0x1;
	v46 =	vsel vm9, v5, v0;
	v49 =	vsel vm10, v5, v0  }
0x72: {  	v33 =	vadd.s32 v45, v33;
	v48 =	vsel vm11, v5, v0;
	vm15 =	vle.f32 v55, v19  }
0x73: {  	vm5 =	vle.f32 v57, v21;
	vm11 =	vle.f32 v36, v7;
	v40 =	vadd.s32 v40, v46  }
0x74: {  	v46 =	vshll.u32 v33, $0x1;
	v27 =	vadd.s32 v27, v48;
	v60 =	vsel vm5, v5, v0  }
0x75: {  	v48 =	vsel vm12, v5, v0;
	v39 =	vsel vm15, v5, v0;
	v28 =	vadd.s32 v30, v60  }
0x76: {  	v52 =	vsel vm11, v5, v0;
	vm12 =	vle.f32 v32, v14;
	v29 =	vadd.s32 v29, v39;
	v30 =	vld.idx.msk [tilespmem:v31+s4+$0x0], $0xffff  }
0x77: {  	v61 =	vshll.u32 v27, $0x1;
	v31 =	vshll.u32 v31, $0x1;
	vm4 =	vle.f32 v56, v20  }
0x78: {  	v60 =	vsel vm12, v5, v0;
	v56 =	vld.idx.msk [tilespmem:v34+s4+$0x0], $0xffff;
	vm14 =	vle.f32 v54, v12;
	v59 =	vsel vm4, v5, v0  }
0x79: {  	v51 =	vsel vm14, v5, v0;
	v38 =	vadd.s32 v38, v59;
	vm14 =	vle.f32 v63, v17;
	v58 =	vld.idx.msk [tilespmem:v27+s4+$0x0], $0xffff  }
0x7a: {  	v37 =	vadd.s32 v37, v60;
	v63 =	vsel vm14, v5, v0;
	v26 =	vadd.s32 v26, v51;
	v59 =	vld.idx.msk [tilespmem:v28+s4+$0x0], $0xffff  }
0x7b: {  	v51 =	vshll.u32 v37, $0x1;
	vm13 =	vle.f32 v30, v15;
	v30 =	vshll.u32 v34, $0x1  }
0x7c: {  	v57 =	vld.idx.msk [tilespmem:v29+s4+$0x0], $0xffff;
	v34 =	vadd.s32 v41, v48;
	v29 =	vshll.u32 v29, $0x1;
	v28 =	vshll.u32 v28, $0x1  }
0x7d: {  	v23 =	vadd.s32 v23, v63;
	v48 =	vshll.u32 v40, $0x1;
	vm15 =	vle.f32 v56, v16;
	v56 =	vld.idx.msk [tilespmem:v24+s4+$0x0], $0xffff  }
0x7e: {  	v24 =	vshll.u32 v24, $0x1;
	v27 =	vsel vm15, v5, v0;
	vm7 =	vle.f32 v58, v22;
	v58 =	vld.idx.msk [tilespmem:v38+s4+$0x0], $0xffff  }
0x7f: {  	v62 =	vsel vm7, v5, v0;
	vm6 =	vle.f32 v59, v21;
	v59 =	vadd.s32 v43, v52  }
0x80: {  	v33 =	vld.idx.msk [tilespmem:v33+s4+$0x0], $0xffff;
	v27 =	vadd.s32 v30, v27;
	v38 =	vshll.u32 v38, $0x1;
	v25 =	vadd.s32 v61, v62  }
0x81: {  	vm4 =	vle.f32 v57, v19;
	v55 =	vld.idx.msk [tilespmem:v34+s4+$0x0], $0xffff;
	v57 =	vadd.s32 v44, v42;
	v34 =	vshll.u32 v34, $0x1  }
0x82: {  	v52 =	vld.idx.msk [tilespmem:v40+s4+$0x0], $0xffff;
	v61 =	vsel vm13, v5, v0;
	v35 =	vsel vm4, v5, v0;
	v54 =	vsel vm6, v5, v0  }
0x83: {  	v29 =	vadd.s32 v29, v35;
	v35 =	vshll.u32 v26, $0x1;
	v26 =	vld.idx.msk [tilespmem:v26+s4+$0x0], $0xffff;
	vm5 =	vle.f32 v58, v20  }
0x84: {  	vm9 =	vle.f32 v56, v13;
	v31 =	vadd.s32 v31, v61;
	v50 =	vsel vm5, v5, v0;
	v56 =	vld.idx.msk [tilespmem:v59+s4+$0x0], $0xffff  }
0x85: {  	v45 =	vshll.u32 v57, $0x1;
	vm4 =	vle.f32 v33, v10;
	v62 =	vld.idx.msk [tilespmem:v25+s4+$0x0], $0xffff;
	v32 =	vadd.s32 v38, v50  }
0x86: {  	v28 =	vadd.s32 v28, v54;
	v44 =	vsel vm9, v5, v0;
	v42 =	vsel vm4, v5, v0;
	v38 =	vld.idx.msk [tilespmem:v57+s4+$0x0], $0xffff  }
0x87: {  	v24 =	vadd.s32 v24, v44;
	v58 =	vadd.s32 v47, v49;
	vm8 =	vle.f32 v55, v18;
	v57 =	vld.idx.msk [tilespmem:v37+s4+$0x0], $0xffff  }
0x88: {  	v49 =	vshll.u32 v58, $0x1;
	vm5 =	vle.f32 v52, v9;
	v25 =	vshll.u32 v25, $0x1;
	v60 =	vld.idx.msk [tilespmem:v29+s4+$0x0], $0xffff  }
0x89: {  	v41 =	vsel vm8, v5, v0;
	v50 =	vshll.u32 v59, $0x1;
	v29 =	vshll.u32 v29, $0x1;
	v59 =	vld.idx.msk [tilespmem:v31+s4+$0x0], $0xffff  }
0x8a: {  	vm13 =	vle.f32 v26, v12;
	v31 =	vshll.u32 v31, $0x1;
	v34 =	vadd.s32 v34, v41;
	v61 =	vld.idx.msk [tilespmem:v32+s4+$0x0], $0xffff  }
0x8b: {  	vm7 =	vle.f32 v62, v22;
	v62 =	vld.idx.msk [tilespmem:v28+s4+$0x0], $0xffff;
	v32 =	vshll.u32 v32, $0x1;
	v28 =	vshll.u32 v28, $0x1  }
0x8c: {  	vm15 =	vle.f32 v38, v11;
	vm8 =	vle.f32 v57, v14;
	v39 =	vsel vm7, v5, v0  }
0x8d: {  	v54 =	vld.idx.msk [tilespmem:v58+s4+$0x0], $0xffff;
	vm10 =	vle.f32 v60, v19;
	v37 =	vsel vm15, v5, v0;
	v25 =	vadd.s32 v25, v39  }
0x8e: {  	v60 =	vld.idx.msk [tilespmem:v23+s4+$0x0], $0xffff;
	vm7 =	vle.f32 v56, v7;
	v23 =	vshll.u32 v23, $0x1;
	v41 =	vsel vm8, v5, v0  }
0x8f: {  	vm9 =	vle.f32 v59, v15;
	v43 =	vsel vm10, v5, v0;
	v39 =	vsel vm13, v5, v0  }
0x90: {  	v52 =	vsel vm7, v5, v0;
	v57 =	vsel vm9, v5, v0;
	v29 =	vadd.s32 v29, v43  }
0x91: {  	v37 =	vadd.s32 v45, v37;
	v41 =	vadd.s32 v51, v41;
	vm11 =	vle.f32 v61, v20  }
0x92: {  	v43 =	vsel vm5, v5, v0;
	vm12 =	vle.f32 v62, v21;
	v53 =	vsel vm11, v5, v0;
	v63 =	vld.idx.msk [tilespmem:v25+s4+$0x0], $0xffff  }
0x93: {  	vm6 =	vle.f32 v54, v8;
	v55 =	vsel vm12, v5, v0;
	v32 =	vadd.s32 v32, v53  }
0x94: {  	v47 =	vsel vm6, v5, v0;
	vm10 =	vle.f32 v60, v17;
	v60 =	vld.idx.msk [tilespmem:v34+s4+$0x0], $0xffff;
	v26 =	vadd.s32 v28, v55  }
0x95: {  	v35 =	vadd.s32 v35, v39;
	v31 =	vadd.s32 v31, v57;
	v54 =	vadd.s32 v49, v47;
	v61 =	vld.idx.msk [tilespmem:v29+s4+$0x0], $0xffff  }
0x96: {  	v36 =	vshll.u32 v35, $0x1;
	v49 =	vshll.u32 v54, $0x1;
	v25 =	vshll.u32 v25, $0x1  }
0x97: {  	v28 =	vshll.u32 v27, $0x1;
	v27 =	vld.idx.msk [tilespmem:v27+s4+$0x0], $0xffff;
	v33 =	vsel vm10, v5, v0;
	vm14 =	vle.f32 v63, v22  }
0x98: {  	v53 =	vadd.s32 v48, v43;
	v29 =	vshll.u32 v29, $0x1;
	v62 =	vld.idx.msk [tilespmem:v32+s4+$0x0], $0xffff;
	v58 =	vsel vm14, v5, v0  }
0x99: {  	v23 =	vadd.s32 v23, v33;
	v33 =	vshll.u32 v34, $0x1;
	v63 =	vld.idx.msk [tilespmem:v26+s4+$0x0], $0xffff;
	v25 =	vadd.s32 v25, v58  }
0x9a: {  	v48 =	vshll.u32 v53, $0x1;
	v35 =	vld.idx.msk [tilespmem:v35+s4+$0x0], $0xffff;
	vm4 =	vle.f32 v60, v18;
	vm11 =	vle.f32 v61, v19  }
0x9b: {  	v32 =	vshll.u32 v32, $0x1;
	v26 =	vshll.u32 v26, $0x1;
	v30 =	vsel vm11, v5, v0  }
0x9c: {  	v40 =	vld.idx.msk [tilespmem:v54+s4+$0x0], $0xffff;
	v34 =	vsel vm4, v5, v0;
	vm14 =	vle.f32 v27, v16;
	v29 =	vadd.s32 v29, v30  }
0x9d: {  	v61 =	vld.idx.msk [tilespmem:v24+s4+$0x0], $0xffff;
	v24 =	vshll.u32 v24, $0x1;
	vm12 =	vle.f32 v62, v20;
	v62 =	vsel vm14, v5, v0  }
0x9e: {  	vm13 =	vle.f32 v63, v21;
	v58 =	vsel vm12, v5, v0;
	v28 =	vadd.s32 v28, v62;
	v56 =	vld.idx.msk [tilespmem:v25+s4+$0x0], $0xffff  }
0x9f: {  	vm10 =	vle.f32 v35, v12;
	v59 =	vsel vm13, v5, v0;
	v30 =	vadd.s32 v32, v58  }
0xa0: {  	v63 =	vadd.s32 v46, v42;
	v46 =	vshll.u32 v37, $0x1;
	v37 =	vld.idx.msk [tilespmem:v37+s4+$0x0], $0xffff;
	v26 =	vadd.s32 v26, v59  }
0xa1: {  	v33 =	vadd.s32 v33, v34;
	v44 =	vsel vm10, v5, v0;
	vm14 =	vle.f32 v40, v8;
	v55 =	vld.idx.msk [tilespmem:v29+s4+$0x0], $0xffff  }
0xa2: {  	v40 =	vshll.u32 v23, $0x1;
	vm5 =	vle.f32 v61, v13;
	v47 =	vshll.u32 v63, $0x1;
	v61 =	vld.idx.msk [tilespmem:v53+s4+$0x0], $0xffff  }
0xa3: {  	v39 =	vshll.u32 v28, $0x1;
	v28 =	vld.idx.msk [tilespmem:v28+s4+$0x0], $0xffff;
	vm15 =	vle.f32 v56, v22;
	v56 =	vadd.s32 v50, v52  }
0xa4: {  	v25 =	vshll.u32 v25, $0x1;
	v27 =	vsel vm5, v5, v0;
	v29 =	vshll.u32 v29, $0x1;
	v57 =	vld.idx.msk [tilespmem:v30+s4+$0x0], $0xffff  }
0xa5: {  	v27 =	vadd.s32 v24, v27;
	vm11 =	vle.f32 v37, v11;
	v58 =	vld.idx.msk [tilespmem:v26+s4+$0x0], $0xffff;
	v38 =	vsel vm15, v5, v0  }
0xa6: {  	v37 =	vsel vm11, v5, v0;
	vm6 =	vle.f32 v55, v19;
	v25 =	vadd.s32 v25, v38  }
0xa7: {  	vm13 =	vle.f32 v61, v9;
	v30 =	vshll.u32 v30, $0x1;
	v42 =	vsel vm6, v5, v0;
	v38 =	vld.idx.msk [tilespmem:v63+s4+$0x0], $0xffff  }
0xa8: {  	v26 =	vshll.u32 v26, $0x1;
	v50 =	vsel vm13, v5, v0;
	v29 =	vadd.s32 v29, v42;
	v63 =	vld.idx.msk [tilespmem:v56+s4+$0x0], $0xffff  }
0xa9: {  	v52 =	vsel vm14, v5, v0;
	v42 =	vshll.u32 v56, $0x1;
	vm7 =	vle.f32 v57, v20;
	v56 =	vld.idx.msk [tilespmem:v41+s4+$0x0], $0xffff  }
0xaa: {  	vm11 =	vle.f32 v28, v16;
	vm8 =	vle.f32 v58, v21;
	v57 =	vld.idx.msk [tilespmem:v31+s4+$0x0], $0xffff;
	v60 =	vsel vm7, v5, v0  }
0xab: {  	v31 =	vshll.u32 v31, $0x1;
	v62 =	vsel vm8, v5, v0;
	v59 =	vld.idx.msk [tilespmem:v25+s4+$0x0], $0xffff;
	v30 =	vadd.s32 v30, v60  }
0xac: {  	v26 =	vadd.s32 v26, v62;
	v25 =	vshll.u32 v25, $0x1;
	vm12 =	vle.f32 v38, v10  }
0xad: {  	v38 =	vshll.u32 v41, $0x1;
	v58 =	vld.idx.msk [tilespmem:v29+s4+$0x0], $0xffff;
	v45 =	vsel vm12, v5, v0;
	v51 =	vshll.u32 v26, $0x1  }
0xae: {  	v61 =	vld.idx.msk [tilespmem:v23+s4+$0x0], $0xffff;
	v53 =	vadd.s32 v47, v45;
	vm15 =	vle.f32 v63, v7;
	vm4 =	vle.f32 v56, v14  }
0xaf: {  	vm5 =	vle.f32 v57, v15;
	v63 =	vshll.u32 v29, $0x1;
	v57 =	vld.idx.msk [tilespmem:v33+s4+$0x0], $0xffff;
	v33 =	vshll.u32 v33, $0x1  }
0xb0: {  	v45 =	vshll.u32 v53, $0x1;
	v34 =	vsel vm15, v5, v0;
	vm9 =	vle.f32 v59, v22;
	v59 =	vld.idx.msk [tilespmem:v30+s4+$0x0], $0xffff  }
0xb1: {  	v54 =	vsel vm4, v5, v0;
	v60 =	vld.idx.msk [tilespmem:v26+s4+$0x0], $0xffff;
	v30 =	vshll.u32 v30, $0x1;
	v34 =	vadd.s32 v42, v34  }
0xb2: {  	v38 =	vadd.s32 v38, v54;
	v55 =	vsel vm9, v5, v0;
	vm6 =	vle.f32 v58, v19  }
0xb3: {  	vm9 =	vle.f32 v61, v17;
	v35 =	vadd.s32 v25, v55;
	v29 =	vsel vm6, v5, v0  }
0xb4: {  	v55 =	vsel vm5, v5, v0;
	v61 =	vsel vm9, v5, v0;
	v23 =	vadd.s32 v63, v29  }
0xb5: {  	v58 =	vshll.u32 v35, $0x1;
	v63 =	vadd.s32 v36, v44;
	vm7 =	vle.f32 v59, v20  }
0xb6: {  	v31 =	vadd.s32 v31, v55;
	vm8 =	vle.f32 v60, v21;
	v60 =	vld.idx.msk [tilespmem:v27+s4+$0x0], $0xffff;
	v41 =	vsel vm7, v5, v0  }
0xb7: {  	vm12 =	vle.f32 v57, v18;
	v36 =	vld.idx.msk [tilespmem:v53+s4+$0x0], $0xffff;
	v56 =	vsel vm8, v5, v0;
	v24 =	vadd.s32 v30, v41  }
0xb8: {  	v28 =	vshll.u32 v63, $0x1;
	v62 =	vld.idx.msk [tilespmem:v35+s4+$0x0], $0xffff;
	v25 =	vadd.s32 v51, v56;
	v51 =	vadd.s32 v46, v37  }
0xb9: {  	v27 =	vshll.u32 v27, $0x1;
	v37 =	vadd.s32 v48, v50;
	v48 =	vshll.u32 v34, $0x1;
	v34 =	vld.idx.msk [tilespmem:v34+s4+$0x0], $0xffff  }
0xba: {  	v56 =	vadd.s32 v49, v52;
	v30 =	vadd.s32 v40, v61;
	v49 =	vshll.u32 v38, $0x1;
	v42 =	vld.idx.msk [tilespmem:v23+s4+$0x0], $0xffff  }
0xbb: {  	v50 =	vshll.u32 v31, $0x1;
	v61 =	vshll.u32 v51, $0x1;
	vm13 =	vle.f32 v60, v13;
	v60 =	vld.idx.msk [tilespmem:v63+s4+$0x0], $0xffff  }
0xbc: {  	vm7 =	vle.f32 v36, v10;
	v23 =	vshll.u32 v23, $0x1;
	v63 =	vshll.u32 v56, $0x1;
	v40 =	vld.idx.msk [tilespmem:v24+s4+$0x0], $0xffff  }
0xbd: {  	vm10 =	vle.f32 v62, v22;
	v62 =	vsel vm11, v5, v0;
	v35 =	vld.idx.msk [tilespmem:v51+s4+$0x0], $0xffff;
	v51 =	vshll.u32 v30, $0x1  }
0xbe: {  	v57 =	vld.idx.msk [tilespmem:v25+s4+$0x0], $0xffff;
	v24 =	vshll.u32 v24, $0x1;
	v25 =	vshll.u32 v25, $0x1;
	v59 =	vsel vm10, v5, v0  }
0xbf: {  	v26 =	vadd.s32 v39, v62;
	v62 =	vshll.u32 v37, $0x1;
	vm14 =	vle.f32 v42, v19  }
0xc0: {  	vm10 =	vle.f32 v34, v7;
	v22 =	vadd.s32 v58, v59;
	v58 =	vsel vm12, v5, v0  }
0xc1: {  	v56 =	vld.idx.msk [tilespmem:v56+s4+$0x0], $0xffff;
	v59 =	vsel vm13, v5, v0;
	v19 =	vsel vm14, v5, v0;
	v43 =	vsel vm10, v5, v0  }
0xc2: {  	v30 =	vld.idx.msk [tilespmem:v30+s4+$0x0], $0xffff;
	v22 =	vshrl.u32 v22, $0x4;
	v32 =	vadd.s32 v33, v58;
	v27 =	vadd.s32 v27, v59  }
0xc3: {  	v37 =	vld.idx.msk [tilespmem:v37+s4+$0x0], $0xffff;
	v33 =	vshll.u32 v26, $0x1;
	vm15 =	vle.f32 v60, v12;
	v60 =	vsel vm7, v5, v0  }
0xc4: {  	v19 =	vadd.s32 v23, v19;
	v22 =	vadd.s32 $0xFFFFF000, v22;
	v41 =	vshll.u32 v32, $0x1  }
0xc5: {  	v58 =	vld.idx.msk [tilespmem:v31+s4+$0x0], $0xffff;
	v52 =	vshll.u32 v27, $0x1;
	v31 =	vadd.s32 v45, v60;
	v19 =	vshrl.u32 v19, $0x4  }
0xc6: {  	vm0 =	vle.f32 v40, v20;
	vm1 =	vle.f32 v57, v21;
	v57 =	vsel vm15, v5, v0  }
0xc7: {  	v20 =	vld.idx.msk [tilespmem:v38+s4+$0x0], $0xffff;
	vm6 =	vle.f32 v35, v11;
	vm9 =	vle.f32 v56, v8;
	vm13 =	vle.f32 v30, v17  }
0xc8: {  	v21 =	vadd.s32 v28, v57;
	v59 =	vsel vm6, v5, v0;
	vm8 =	vle.f32 v37, v9  }
0xc9: {  	v29 =	vshll.u32 v31, $0x1;
	v26 =	vld.idx.msk [tilespmem:v26+s4+$0x0], $0xffff;
	v28 =	vadd.s32 v61, v59;
	v61 =	vsel vm8, v5, v0  }
0xca: {  	v32 =	vld.idx.msk [tilespmem:v32+s4+$0x0], $0xffff;
	v35 =	vadd.s32 v62, v61;
	v62 =	vsel vm9, v5, v0;
	vm12 =	vle.f32 v58, v15  }
0xcb: {  	v19 =	vadd.s32 $0xFFFFF000, v19;
	v27 =	vld.idx.msk [tilespmem:v27+s4+$0x0], $0xffff;
	v63 =	vadd.s32 v63, v62;
	v46 =	vsel vm12, v5, v0  }
0xcc: {  	vm11 =	vle.f32 v20, v14;
	v20 =	vadd.s32 v48, v43;
	v37 =	vadd.s32 v50, v46  }
0xcd: {  	v48 =	vsel vm13, v5, v0;
	v59 =	vshll.u32 v63, $0x1;
	v44 =	vsel vm11, v5, v0;
	v45 =	vld.idx.msk [tilespmem:v21+s4+$0x0], $0xffff  }
0xce: {  	vm14 =	vle.f32 v26, v16;
	v21 =	vshll.u32 v21, $0x1;
	v36 =	vadd.s32 v49, v44;
	v47 =	vld.idx.msk [tilespmem:v28+s4+$0x0], $0xffff  }
0xcf: {  	v49 =	vld.idx.msk [tilespmem:v31+s4+$0x0], $0xffff;
	v50 =	vsel vm14, v5, v0;
	v28 =	vshll.u32 v28, $0x1;
	v31 =	vshll.u32 v35, $0x1  }
0xd0: {  	vm15 =	vle.f32 v32, v18;
	v32 =	vadd.s32 v51, v48;
	v51 =	vld.idx.msk [tilespmem:v35+s4+$0x0], $0xffff;
	vm5 =	vle.f32 v27, v13  }
0xd1: {  	v53 =	vadd.s32 v33, v50;
	v50 =	vshll.u32 v37, $0x1;
	v40 =	vsel vm15, v5, v0;
	v54 =	vld.idx.msk [tilespmem:v63+s4+$0x0], $0xffff  }
0xd2: {  	v55 =	vsel vm5, v5, v0;
	v27 =	vshll.u32 v53, $0x1;
	v56 =	vld.idx.msk [tilespmem:v20+s4+$0x0], $0xffff;
	vm6 =	vle.f32 v45, v12  }
0xd3: {  	v60 =	vld.idx.msk [tilespmem:v37+s4+$0x0], $0xffff;
	v20 =	vshll.u32 v20, $0x1;
	v55 =	vadd.s32 v52, v55;
	v58 =	vsel vm6, v5, v0  }
0xd4: {  	v57 =	vld.idx.msk [tilespmem:v36+s4+$0x0], $0xffff;
	vm7 =	vle.f32 v47, v11;
	vm8 =	vle.f32 v49, v10;
	v36 =	vshll.u32 v36, $0x1  }
0xd5: {  	v61 =	vsel vm7, v5, v0;
	v62 =	vld.idx.msk [tilespmem:v32+s4+$0x0], $0xffff;
	v63 =	vsel vm8, v5, v0;
	vm9 =	vle.f32 v51, v9  }
0xd6: {  	v48 =	vld.idx.msk [tilespmem:v53+s4+$0x0], $0xffff;
	v32 =	vshll.u32 v32, $0x1;
	v53 =	vadd.s32 v41, v40;
	v21 =	vadd.s32 v21, v58  }
0xd7: {  	v58 =	vshll.u32 v55, $0x1;
	v49 =	vsel vm9, v5, v0;
	vm10 =	vle.f32 v54, v8  }
0xd8: {  	v28 =	vadd.s32 v28, v61;
	v29 =	vadd.s32 v29, v63;
	v35 =	vshll.u32 v53, $0x1  }
0xd9: {  	v51 =	vsel vm10, v5, v0;
	vm11 =	vle.f32 v56, v7;
	vm13 =	vle.f32 v60, v15  }
0xda: {  	v31 =	vadd.s32 v31, v49;
	v60 =	vshll.u32 v28, $0x1;
	v61 =	vshll.u32 v29, $0x1  }
0xdb: {  	v49 =	vsel vm1, v5, v0;
	v42 =	vsel vm11, v5, v0;
	v56 =	vsel vm13, v5, v0  }
0xdc: {  	v34 =	vld.idx.msk [tilespmem:v55+s4+$0x0], $0xffff;
	v30 =	vadd.s32 v59, v51;
	v59 =	vshll.u32 v21, $0x1;
	vm12 =	vle.f32 v57, v14  }
0xdd: {  	v20 =	vadd.s32 v20, v42;
	v33 =	vadd.s32 v50, v56;
	v63 =	vshll.u32 v30, $0x1;
	v57 =	vld.idx.msk [tilespmem:v53+s4+$0x0], $0xffff  }
0xde: {  	v54 =	vsel vm12, v5, v0;
	vm14 =	vle.f32 v62, v17;
	vm15 =	vle.f32 v48, v16;
	v21 =	vld.idx.msk [tilespmem:v21+s4+$0x0], $0xffff  }
0xdf: {  	v62 =	vshll.u32 v31, $0x1;
	v52 =	vshll.u32 v20, $0x1;
	v48 =	vsel vm0, v5, v0;
	v28 =	vld.idx.msk [tilespmem:v28+s4+$0x0], $0xffff  }
0xe0: {  	v26 =	vsel vm14, v5, v0;
	v39 =	vsel vm15, v5, v0;
	v36 =	vadd.s32 v36, v54;
	v29 =	vld.idx.msk [tilespmem:v29+s4+$0x0], $0xffff  }
0xe1: {  	v54 =	vshll.u32 v33, $0x1;
	v26 =	vadd.s32 v32, v26;
	v27 =	vadd.s32 v27, v39  }
0xe2: {  	v53 =	vshll.u32 v36, $0x1;
	v31 =	vld.idx.msk [tilespmem:v31+s4+$0x0], $0xffff;
	vm5 =	vle.f32 v34, v13;
	v46 =	vshll.u32 v26, $0x1  }
0xe3: {  	v47 =	vshll.u32 v27, $0x1;
	v30 =	vld.idx.msk [tilespmem:v30+s4+$0x0], $0xffff;
	v34 =	vsel vm5, v5, v0;
	vm4 =	vle.f32 v57, v18  }
0xe4: {  	v20 =	vld.idx.msk [tilespmem:v20+s4+$0x0], $0xffff;
	v34 =	vadd.s32 v58, v34;
	vm6 =	vle.f32 v21, v12;
	v32 =	vsel vm4, v5, v0  }
0xe5: {  	v57 =	vld.idx.msk [tilespmem:v33+s4+$0x0], $0xffff;
	v56 =	vsel vm6, v5, v0;
	vm7 =	vle.f32 v28, v11;
	vm8 =	vle.f32 v29, v10  }
0xe6: {  	v55 =	vld.idx.msk [tilespmem:v36+s4+$0x0], $0xffff;
	v32 =	vadd.s32 v35, v32;
	v33 =	vadd.s32 v59, v56;
	v58 =	vsel vm7, v5, v0  }
0xe7: {  	v59 =	vsel vm8, v5, v0;
	vm9 =	vle.f32 v31, v9;
	v29 =	vadd.s32 v60, v58  }
0xe8: {  	v26 =	vld.idx.msk [tilespmem:v26+s4+$0x0], $0xffff;
	v31 =	vadd.s32 v61, v59;
	v60 =	vsel vm9, v5, v0;
	vm10 =	vle.f32 v30, v8  }
0xe9: {  	v27 =	vld.idx.msk [tilespmem:v27+s4+$0x0], $0xffff;
	v21 =	vshll.u32 v33, $0x1;
	v30 =	vadd.s32 v62, v60;
	v61 =	vsel vm10, v5, v0  }
0xea: {  	vm11 =	vle.f32 v20, v7;
	v28 =	vshll.u32 v29, $0x1;
	v35 =	vadd.s32 v63, v61;
	v63 =	vld.idx.msk [tilespmem:v34+s4+$0x0], $0xffff  }
0xeb: {  	v62 =	vsel vm11, v5, v0;
	vm13 =	vle.f32 v57, v15;
	vm12 =	vle.f32 v55, v14;
	v20 =	vld.idx.msk [tilespmem:v32+s4+$0x0], $0xffff  }
0xec: {  	v36 =	vadd.s32 v52, v62;
	v52 =	vsel vm13, v5, v0;
	v50 =	vsel vm12, v5, v0;
	v51 =	vld.idx.msk [tilespmem:v33+s4+$0x0], $0xffff  }
0xed: {  	v62 =	vshll.u32 v30, $0x1;
	vm14 =	vle.f32 v26, v17;
	v37 =	vadd.s32 v53, v50;
	v53 =	vld.idx.msk [tilespmem:v29+s4+$0x0], $0xffff  }
0xee: {  	v38 =	vadd.s32 v54, v52;
	vm15 =	vle.f32 v27, v16;
	v32 =	vshll.u32 v32, $0x1;
	v55 =	vld.idx.msk [tilespmem:v31+s4+$0x0], $0xffff  }
0xef: {  	v26 =	vshll.u32 v31, $0x1;
	v54 =	vsel vm14, v5, v0;
	v56 =	vsel vm15, v5, v0;
	v41 =	vld.idx.msk [tilespmem:v30+s4+$0x0], $0xffff  }
0xf0: {  	v39 =	vadd.s32 v46, v54;
	v57 =	vld.idx.msk [tilespmem:v35+s4+$0x0], $0xffff;
	vm5 =	vle.f32 v63, v13;
	v35 =	vshll.u32 v35, $0x1  }
0xf1: {  	v58 =	vld.idx.msk [tilespmem:v36+s4+$0x0], $0xffff;
	v43 =	vsel vm5, v5, v0;
	v36 =	vshll.u32 v36, $0x1;
	vm4 =	vle.f32 v20, v18  }
0xf2: {  	v20 =	vshll.u32 v34, $0x1;
	v34 =	vadd.s32 v47, v56;
	vm6 =	vle.f32 v51, v12  }
0xf3: {  	v42 =	vsel vm4, v5, v0;
	v44 =	vsel vm6, v5, v0;
	vm7 =	vle.f32 v53, v11  }
0xf4: {  	vm8 =	vle.f32 v55, v10;
	v53 =	vshll.u32 v37, $0x1;
	v55 =	vshll.u32 v38, $0x1  }
0xf5: {  	v20 =	vadd.s32 v20, v43;
	v61 =	vsel vm7, v5, v0;
	v50 =	vsel vm8, v5, v0  }
0xf6: {  	v60 =	vld.idx.msk [tilespmem:v38+s4+$0x0], $0xffff;
	vm9 =	vle.f32 v41, v9;
	v32 =	vadd.s32 v32, v42;
	v21 =	vadd.s32 v21, v44  }
0xf7: {  	v59 =	vld.idx.msk [tilespmem:v37+s4+$0x0], $0xffff;
	v52 =	vsel vm9, v5, v0;
	vm10 =	vle.f32 v57, v8;
	v57 =	vshll.u32 v39, $0x1  }
0xf8: {  	v28 =	vadd.s32 v28, v61;
	v26 =	vadd.s32 v26, v50;
	v61 =	vshll.u32 v32, $0x1  }
0xf9: {  	v40 =	vsel vm10, v5, v0;
	vm11 =	vle.f32 v58, v7;
	v27 =	vadd.s32 v62, v52  }
0xfa: {  	v63 =	vld.idx.msk [tilespmem:v39+s4+$0x0], $0xffff;
	v62 =	vshll.u32 v20, $0x1;
	v39 =	vshll.u32 v28, $0x1;
	v50 =	vshll.u32 v26, $0x1  }
0xfb: {  	v52 =	vadd.s32 v24, v48;
	v54 =	vsel vm11, v5, v0;
	vm13 =	vle.f32 v60, v15  }
0xfc: {  	v35 =	vadd.s32 v35, v40;
	v23 =	vshrl.u32 v52, $0x4;
	vm12 =	vle.f32 v59, v14  }
0xfd: {  	v51 =	vld.idx.msk [tilespmem:v34+s4+$0x0], $0xffff;
	v58 =	vsel vm13, v5, v0;
	v59 =	vshll.u32 v34, $0x1;
	v36 =	vadd.s32 v36, v54  }
0xfe: {  	v20 =	vld.idx.msk [tilespmem:v20+s4+$0x0], $0xffff;
	v42 =	vshll.u32 v35, $0x1;
	v23 =	vadd.s32 $0xFFFFF000, v23;
	v56 =	vsel vm12, v5, v0  }
0xff: {  	vm14 =	vle.f32 v63, v17;
	v29 =	vadd.s32 v55, v58;
	v63 =	vshll.u32 v21, $0x1;
	v32 =	vld.idx.msk [tilespmem:v32+s4+$0x0], $0xffff  }
0x100: {  	v43 =	vshll.u32 v36, $0x1;
	v21 =	vld.idx.msk [tilespmem:v21+s4+$0x0], $0xffff;
	v60 =	vsel vm14, v5, v0;
	v33 =	vadd.s32 v53, v56  }
0x101: {  	v45 =	vshll.u32 v29, $0x1;
	v28 =	vld.idx.msk [tilespmem:v28+s4+$0x0], $0xffff;
	v53 =	vadd.s32 v25, v49;
	v31 =	vadd.s32 v57, v60  }
0x102: {  	v54 =	vld.idx.msk [tilespmem:v26+s4+$0x0], $0xffff;
	v44 =	vshll.u32 v33, $0x1;
	v24 =	vshrl.u32 v53, $0x4;
	vm15 =	vle.f32 v51, v16  }
0x103: {  	v55 =	vld.idx.msk [tilespmem:v27+s4+$0x0], $0xffff;
	v51 =	vshll.u32 v27, $0x1;
	v46 =	vshll.u32 v31, $0x1;
	v41 =	vsel vm15, v5, v0  }
0x104: {  	v56 =	vld.idx.msk [tilespmem:v35+s4+$0x0], $0xffff;
	vm5 =	vle.f32 v20, v13;
	v20 =	vadd.s32 $0xFFFFF000, v24;
	v30 =	vadd.s32 v59, v41  }
0x105: {  	v57 =	vld.idx.msk [tilespmem:v36+s4+$0x0], $0xffff;
	vm4 =	vle.f32 v32, v18;
	v58 =	vsel vm5, v5, v0;
	vm6 =	vle.f32 v21, v12  }
0x106: {  	v47 =	vshll.u32 v30, $0x1;
	v32 =	vsel vm4, v5, v0;
	v59 =	vld.idx.msk [tilespmem:v33+s4+$0x0], $0xffff;
	v33 =	vadd.s32 v62, v58  }
0x107: {  	v60 =	vsel vm6, v5, v0;
	vm7 =	vle.f32 v28, v11;
	vm8 =	vle.f32 v54, v10  }
0x108: {  	v32 =	vadd.s32 v61, v32;
	v61 =	vld.idx.msk [tilespmem:v29+s4+$0x0], $0xffff;
	v29 =	vadd.s32 v63, v60;
	v62 =	vsel vm7, v5, v0  }
0x109: {  	v63 =	vld.idx.msk [tilespmem:v31+s4+$0x0], $0xffff;
	v48 =	vsel vm8, v5, v0;
	vm9 =	vle.f32 v55, v9;
	v31 =	vadd.s32 v39, v62  }
0x10a: {  	vm11 =	vle.f32 v57, v7;
	v49 =	vld.idx.msk [tilespmem:v30+s4+$0x0], $0xffff;
	v30 =	vadd.s32 v50, v48;
	v50 =	vsel vm9, v5, v0  }
0x10b: {  	vm10 =	vle.f32 v56, v8;
	v53 =	vsel vm11, v5, v0;
	v27 =	vadd.s32 v51, v50  }
0x10c: {  	v51 =	vsel vm10, v5, v0;
	vm12 =	vle.f32 v59, v14;
	v54 =	vld.idx.msk [tilespmem:v33+s4+$0x0], $0xffff;
	v35 =	vadd.s32 v43, v53  }
0x10d: {  	v52 =	vld.idx.msk [tilespmem:v32+s4+$0x0], $0xffff;
	v34 =	vadd.s32 v42, v51;
	v55 =	vsel vm12, v5, v0;
	vm13 =	vle.f32 v61, v15  }
0x10e: {  	vm14 =	vle.f32 v63, v17;
	v32 =	vshll.u32 v32, $0x1;
	v36 =	vadd.s32 v44, v55  }
0x10f: {  	v56 =	vld.idx.msk [tilespmem:v29+s4+$0x0], $0xffff;
	v57 =	vsel vm13, v5, v0;
	v59 =	vsel vm14, v5, v0;
	v55 =	vshll.u32 v35, $0x1  }
0x110: {  	v58 =	vld.idx.msk [tilespmem:v31+s4+$0x0], $0xffff;
	v37 =	vadd.s32 v45, v57;
	v38 =	vadd.s32 v46, v59;
	vm15 =	vle.f32 v49, v16  }
0x111: {  	v57 =	vshll.u32 v36, $0x1;
	v60 =	vld.idx.msk [tilespmem:v30+s4+$0x0], $0xffff;
	v59 =	vshll.u32 v37, $0x1;
	v61 =	vsel vm15, v5, v0  }
0x112: {  	v62 =	vld.idx.msk [tilespmem:v27+s4+$0x0], $0xffff;
	vm5 =	vle.f32 v54, v13;
	v13 =	vshll.u32 v29, $0x1;
	vm4 =	vle.f32 v52, v18  }
0x113: {  	v46 =	vld.idx.msk [tilespmem:v35+s4+$0x0], $0xffff;
	v18 =	vshll.u32 v33, $0x1;
	v63 =	vadd.s32 v47, v61;
	v47 =	vsel vm5, v5, v0  }
0x114: {  	v44 =	vld.idx.msk [tilespmem:v34+s4+$0x0], $0xffff;
	vm6 =	vle.f32 v56, v12;
	v12 =	vshll.u32 v31, $0x1;
	v61 =	vshll.u32 v38, $0x1  }
0x115: {  	v45 =	vsel vm4, v5, v0;
	v48 =	vld.idx.msk [tilespmem:v36+s4+$0x0], $0xffff;
	v49 =	vsel vm6, v5, v0;
	vm7 =	vle.f32 v58, v11  }
0x116: {  	v11 =	vshll.u32 v30, $0x1;
	v24 =	vshll.u32 v63, $0x1;
	v18 =	vadd.s32 v18, v47;
	v50 =	vld.idx.msk [tilespmem:v37+s4+$0x0], $0xffff  }
0x117: {  	v51 =	vsel vm7, v5, v0;
	v52 =	vld.idx.msk [tilespmem:v38+s4+$0x0], $0xffff;
	vm8 =	vle.f32 v60, v10;
	v10 =	vshll.u32 v27, $0x1  }
0x118: {  	v53 =	vsel vm8, v5, v0;
	vm9 =	vle.f32 v62, v9;
	v9 =	vshll.u32 v34, $0x1  }
0x119: {  	vm11 =	vle.f32 v46, v7;
	v7 =	vadd.s32 v32, v45;
	v54 =	vld.idx.msk [tilespmem:v63+s4+$0x0], $0xffff;
	v40 =	vsel vm9, v5, v0  }
0x11a: {  	vm10 =	vle.f32 v44, v8;
	v58 =	vsel vm11, v5, v0;
	vm12 =	vle.f32 v48, v14  }
0x11b: {  	v56 =	vsel vm10, v5, v0;
	v8 =	vadd.s32 v10, v40;
	v60 =	vsel vm12, v5, v0  }
0x11c: {  	s23 =	simm.s32 $0x14080;
	vm13 =	vle.f32 v50, v15;
	vm14 =	vle.f32 v52, v17;
	v17 =	vadd.s32 v13, v49  }
0x11d: {  	[tilespmem:s23+$0x70] =	vst v22;
	v15 =	vadd.s32 v11, v53;
	v14 =	vadd.s32 v9, v56;
	v13 =	vadd.s32 v55, v58  }
0x11e: {  	[tilespmem:s23+$0x40] =	vst v19;
	v62 =	vsel vm13, v5, v0;
	v26 =	vsel vm14, v5, v0;
	vm15 =	vle.f32 v54, v16  }
0x11f: {  	[tilespmem:s23+$0x50] =	vst v23;
	v9 =	vadd.s32 v57, v60;
	v11 =	vadd.s32 v61, v26;
	v63 =	vsel vm15, v5, v0  }
0x120: {  	s24 =	simm.s32 $0x0;
	s25 =	simm.s32 $0x10180;
	[tilespmem:s23+$0x60] =	vst v20;
	v16 =	vadd.s32 v12, v51;
	v12 =	vadd.s32 v59, v62;
	v10 =	vadd.s32 v24, v63  }
.LBB2_3:
0x121: {  	v22 =	vld [tilespmem:s25+$0x70];
	s24 =	sadd.s32 $0x4, s24;
	v19 =	vshrl.u32 v7, $0x4;
	v18 =	vshrl.u32 v18, $0x4;
	v17 =	vshrl.u32 v17, $0x4  }
0x122: {  	v16 =	vshrl.u32 v16, $0x4;
	v15 =	vshrl.u32 v15, $0x4;
	v20 =	vshrl.u32 v8, $0x4;
	v7 =	vld [tilespmem:s25+$0xFFFFFF90];
	p0 =	slt.u32 s24, $0x7C  }
0x123: {  	v14 =	vshrl.u32 v14, $0x4;
	v29 =	vshrl.u32 v13, $0x4;
	v30 =	vshrl.u32 v9, $0x4;
	v8 =	vld [tilespmem:s25+$0xFFFFFFA0]  }
0x124: {  	v31 =	vshrl.u32 v12, $0x4;
	v32 =	vshrl.u32 v11, $0x4;
	v33 =	vshrl.u32 v10, $0x4;
	v9 =	vld [tilespmem:s25+$0xFFFFFFB0]  }
0x125: {  	v12 =	vadd.s32 $0xFFFFF000, v19;
	v13 =	vadd.s32 $0xFFFFF000, v18;
	v17 =	vadd.s32 $0xFFFFF000, v17;
	v10 =	vld [tilespmem:s25+$0xFFFFFFC0]  }
0x126: {  	v16 =	vadd.s32 $0xFFFFF000, v16;
	v15 =	vadd.s32 $0xFFFFF000, v15;
	v11 =	vld [tilespmem:s25+$0xFFFFFFD0];
	vm0 =	vle.f32 v6, v22;
	[tilespmem:s23+$0xFFFFFF80] =	vst v12  }
0x127: {  	v23 =	vadd.s32 $0xFFFFF000, v20;
	vm1 =	vle.f32 v6, v7;
	v12 =	vld [tilespmem:s25+$0xFFFFFFE0];
	v18 =	vsel vm0, v2, v1;
	[tilespmem:s23+$0xFFFFFF90] =	vst v13  }
0x128: {  	v34 =	vsel vm1, v2, v1;
	vm2 =	vle.f32 v6, v8;
	v35 =	vsel vm1, v4, v3;
	v13 =	vld [tilespmem:s25+$0xFFFFFFF0];
	[tilespmem:s23+$0xFFFFFFA0] =	vst v17  }
0x129: {  	v36 =	vsel vm2, v2, v1;
	vm1 =	vle.f32 v6, v9;
	v28 =	vsel vm2, v4, v3;
	v19 =	vld [tilespmem:s25+$0x40];
	[tilespmem:s23+$0xFFFFFFB0] =	vst v16  }
0x12a: {  	v37 =	vsel vm1, v2, v1;
	v25 =	vsel vm1, v4, v3;
	vm1 =	vle.f32 v6, v10;
	v20 =	vld [tilespmem:s25+$0x50];
	[tilespmem:s23+$0xFFFFFFC0] =	vst v15  }
0x12b: {  	v38 =	vsel vm1, v2, v1;
	vm2 =	vle.f32 v6, v11;
	v26 =	vsel vm1, v4, v3;
	v21 =	vld [tilespmem:s25+$0x60];
	[tilespmem:s23+$0xFFFFFFD0] =	vst v23  }
0x12c: {  	v39 =	vsel vm2, v2, v1;
	vm1 =	vle.f32 v6, v12;
	v27 =	vsel vm2, v4, v3;
	v40 =	vld.idx.msk [tilespmem:v18+s4+$0x0], $0xffff  }
0x12d: {  	v41 =	vsel vm1, v2, v1;
	vm2 =	vle.f32 v6, v13;
	v24 =	vsel vm1, v4, v3;
	v15 =	vld [tilespmem:s25+$0x0]  }
0x12e: {  	v17 =	vadd.s32 $0xFFFFF000, v14;
	v42 =	vsel vm2, v2, v1;
	v23 =	vsel vm2, v4, v3;
	v16 =	vld [tilespmem:s25+$0x10]  }
0x12f: {  	v18 =	vadd.s32 $0xFFFFF000, v29;
	v29 =	vadd.s32 $0xFFFFF000, v30;
	vm2 =	vle.f32 v6, v19;
	v14 =	vld [tilespmem:s25+$0x20];
	[tilespmem:s23+$0xFFFFFFE0] =	vst v17  }
0x130: {  	v31 =	vadd.s32 $0xFFFFF000, v31;
	v30 =	vsel vm2, v2, v1;
	vm3 =	vle.f32 v6, v20;
	v17 =	vld [tilespmem:s25+$0x30];
	[tilespmem:s23+$0xFFFFFFF0] =	vst v18  }
0x131: {  	v32 =	vadd.s32 $0xFFFFF000, v32;
	v43 =	vsel vm3, v2, v1;
	vm1 =	vle.f32 v6, v21;
	v18 =	vld [tilespmem:s25+$0xFFFFFF80];
	[tilespmem:s23+$0x0] =	vst v29  }
0x132: {  	vm5 =	vle.f32 v40, v22;
	v29 =	vld.idx.msk [tilespmem:v34+s4+$0x0], $0xffff;
	vm4 =	vle.f32 v6, v15;
	v34 =	vsel vm1, v2, v1  }
0x133: {  	v40 =	vsel vm0, v4, v3;
	v44 =	vsel vm5, v5, v0;
	v36 =	vld.idx.msk [tilespmem:v36+s4+$0x0], $0xffff;
	vm6 =	vle.f32 v6, v16  }
0x134: {  	v45 =	vsel vm4, v2, v1;
	v40 =	vadd.s32 v40, v44;
	v37 =	vld.idx.msk [tilespmem:v37+s4+$0x0], $0xffff;
	vm0 =	vle.f32 v6, v14  }
0x135: {  	v44 =	vsel vm6, v2, v1;
	v46 =	vsel vm0, v2, v1;
	vm5 =	vle.f32 v6, v17;
	v30 =	vld.idx.msk [tilespmem:v30+s4+$0x0], $0xffff  }
0x136: {  	v48 =	vsel vm4, v4, v3;
	vm7 =	vle.f32 v6, v18;
	v47 =	vsel vm5, v2, v1;
	v43 =	vld.idx.msk [tilespmem:v43+s4+$0x0], $0xffff  }
0x137: {  	v51 =	vsel vm6, v4, v3;
	v49 =	vsel vm7, v2, v1;
	v50 =	vsel vm7, v4, v3;
	v34 =	vld.idx.msk [tilespmem:v34+s4+$0x0], $0xffff  }
0x138: {  	v52 =	vsel vm0, v4, v3;
	v53 =	vsel vm5, v4, v3;
	vm4 =	vle.f32 v29, v7;
	v38 =	vld.idx.msk [tilespmem:v38+s4+$0x0], $0xffff  }
0x139: {  	v29 =	vsel vm4, v5, v0;
	vm0 =	vle.f32 v36, v8;
	v36 =	vld.idx.msk [tilespmem:v40+s4+$0x0], $0xffff;
	[tilespmem:s23+$0x10] =	vst v31;
	v31 =	vadd.s32 $0xFFFFF000, v33  }
0x13a: {  	v29 =	vadd.s32 v35, v29;
	v33 =	vsel vm0, v5, v0;
	vm0 =	vle.f32 v37, v9;
	v35 =	vld.idx.msk [tilespmem:v39+s4+$0x0], $0xffff  }
0x13b: {  	v37 =	vsel vm0, v5, v0;
	vm0 =	vle.f32 v30, v19;
	v39 =	vld.idx.msk [tilespmem:v41+s4+$0x0], $0xffff;
	v41 =	vsel vm2, v4, v3  }
0x13c: {  	v54 =	vsel vm3, v4, v3;
	v30 =	vld.idx.msk [tilespmem:v49+s4+$0x0], $0xffff;
	v49 =	vsel vm0, v5, v0;
	vm0 =	vle.f32 v43, v20  }
0x13d: {  	v42 =	vld.idx.msk [tilespmem:v42+s4+$0x0], $0xffff;
	v41 =	vadd.s32 v41, v49;
	v43 =	vsel vm0, v5, v0;
	vm0 =	vle.f32 v34, v21  }
0x13e: {  	v34 =	vld.idx.msk [tilespmem:v45+s4+$0x0], $0xffff;
	v43 =	vadd.s32 v54, v43;
	v45 =	vsel vm1, v4, v3;
	v49 =	vsel vm0, v5, v0  }
0x13f: {  	vm0 =	vle.f32 v38, v10;
	vm1 =	vle.f32 v36, v22;
	v38 =	vld.idx.msk [tilespmem:v44+s4+$0x0], $0xffff;
	v44 =	vadd.s32 v45, v49  }
0x140: {  	v36 =	vshll.u32 v40, $0x1;
	vm2 =	vle.f32 v35, v11;
	v40 =	vsel vm1, v5, v0;
	v35 =	vld.idx.msk [tilespmem:v46+s4+$0x0], $0xffff;
	[tilespmem:s23+$0x20] =	vst v32  }
0x141: {  	v32 =	vsel vm0, v5, v0;
	vm0 =	vle.f32 v39, v12;
	v36 =	vadd.s32 v36, v40;
	v39 =	vld.idx.msk [tilespmem:v47+s4+$0x0], $0xffff  }
0x142: {  	vm1 =	vle.f32 v30, v18;
	v30 =	vsel vm2, v5, v0;
	v40 =	vsel vm0, v5, v0;
	v45 =	vld.idx.msk [tilespmem:v41+s4+$0x0], $0xffff  }
0x143: {  	v28 =	vadd.s32 v28, v33;
	v46 =	vsel vm1, v5, v0;
	vm0 =	vle.f32 v42, v13;
	v33 =	vld.idx.msk [tilespmem:v43+s4+$0x0], $0xffff  }
0x144: {  	v42 =	vadd.s32 v50, v46;
	v46 =	vsel vm0, v5, v0;
	vm0 =	vle.f32 v34, v15;
	v34 =	vld.idx.msk [tilespmem:v44+s4+$0x0], $0xffff  }
0x145: {  	v25 =	vadd.s32 v25, v37;
	v47 =	vsel vm0, v5, v0;
	vm0 =	vle.f32 v38, v16;
	v37 =	vld.idx.msk [tilespmem:v29+s4+$0x0], $0xffff  }
0x146: {  	v26 =	vadd.s32 v26, v32;
	v32 =	vsel vm0, v5, v0;
	vm0 =	vle.f32 v35, v14;
	v35 =	vld.idx.msk [tilespmem:v36+s4+$0x0], $0xffff  }
0x147: {  	v27 =	vadd.s32 v27, v30;
	v30 =	vsel vm0, v5, v0;
	vm0 =	vle.f32 v39, v17;
	[tilespmem:s23+$0x30] =	vst v31  }
0x148: {  	v39 =	vshll.u32 v41, $0x1;
	v38 =	vsel vm0, v5, v0;
	vm0 =	vle.f32 v45, v19;
	v31 =	vld.idx.msk [tilespmem:v28+s4+$0x0], $0xffff  }
0x149: {  	v43 =	vshll.u32 v43, $0x1;
	v45 =	vsel vm0, v5, v0;
	vm0 =	vle.f32 v33, v20;
	v41 =	vld.idx.msk [tilespmem:v42+s4+$0x0], $0xffff  }
0x14a: {  	v39 =	vadd.s32 v39, v45;
	v45 =	vsel vm0, v5, v0;
	vm0 =	vle.f32 v34, v21;
	v33 =	vld.idx.msk [tilespmem:v25+s4+$0x0], $0xffff  }
0x14b: {  	v44 =	vshll.u32 v44, $0x1;
	v43 =	vadd.s32 v43, v45;
	v45 =	vsel vm0, v5, v0;
	v34 =	vld.idx.msk [tilespmem:v26+s4+$0x0], $0xffff  }
0x14c: {  	v24 =	vadd.s32 v24, v40;
	v44 =	vadd.s32 v44, v45;
	vm0 =	vle.f32 v35, v22;
	v40 =	vld.idx.msk [tilespmem:v27+s4+$0x0], $0xffff  }
0x14d: {  	v23 =	vadd.s32 v23, v46;
	v35 =	vshll.u32 v36, $0x1;
	v36 =	vsel vm0, v5, v0  }
0x14e: {  	v32 =	vadd.s32 v51, v32;
	v45 =	vadd.s32 v48, v47;
	v35 =	vadd.s32 v35, v36  }
0x14f: {  	v30 =	vadd.s32 v52, v30;
	v36 =	vadd.s32 v53, v38;
	vm0 =	vle.f32 v41, v18;
	v38 =	vld.idx.msk [tilespmem:v39+s4+$0x0], $0xffff  }
0x150: {  	vm1 =	vle.f32 v37, v7;
	vm2 =	vle.f32 v31, v8;
	vm3 =	vle.f32 v33, v9;
	v31 =	vld.idx.msk [tilespmem:v43+s4+$0x0], $0xffff  }
0x151: {  	v37 =	vsel vm1, v5, v0;
	v33 =	vsel vm0, v5, v0;
	vm0 =	vle.f32 v34, v10;
	v34 =	vld.idx.msk [tilespmem:v44+s4+$0x0], $0xffff  }
0x152: {  	v41 =	vsel vm2, v5, v0;
	v46 =	vsel vm3, v5, v0;
	vm1 =	vle.f32 v40, v11;
	v47 =	vld.idx.msk [tilespmem:v24+s4+$0x0], $0xffff  }
0x153: {  	v40 =	vshll.u32 v42, $0x1;
	v42 =	vsel vm0, v5, v0;
	v48 =	vsel vm1, v5, v0;
	v49 =	vld.idx.msk [tilespmem:v35+s4+$0x0], $0xffff  }
0x154: {  	v29 =	vshll.u32 v29, $0x1;
	v28 =	vshll.u32 v28, $0x1;
	v25 =	vshll.u32 v25, $0x1;
	v50 =	vld.idx.msk [tilespmem:v23+s4+$0x0], $0xffff  }
0x155: {  	v26 =	vshll.u32 v26, $0x1;
	v39 =	vshll.u32 v39, $0x1;
	vm0 =	vle.f32 v38, v19;
	v51 =	vld.idx.msk [tilespmem:v45+s4+$0x0], $0xffff  }
0x156: {  	v43 =	vshll.u32 v43, $0x1;
	v52 =	vsel vm0, v5, v0;
	vm0 =	vle.f32 v31, v20;
	v38 =	vld.idx.msk [tilespmem:v32+s4+$0x0], $0xffff  }
0x157: {  	v39 =	vadd.s32 v39, v52;
	v52 =	vsel vm0, v5, v0;
	vm0 =	vle.f32 v34, v21;
	v31 =	vld.idx.msk [tilespmem:v30+s4+$0x0], $0xffff  }
0x158: {  	v44 =	vshll.u32 v44, $0x1;
	v43 =	vadd.s32 v43, v52;
	v52 =	vsel vm0, v5, v0;
	v34 =	vld.idx.msk [tilespmem:v36+s4+$0x0], $0xffff  }
0x159: {  	vm0 =	vle.f32 v47, v12;
	v44 =	vadd.s32 v44, v52;
	vm1 =	vle.f32 v49, v22  }
0x15a: {  	v35 =	vshll.u32 v35, $0x1;
	vm2 =	vle.f32 v50, v13;
	v47 =	vsel vm1, v5, v0  }
0x15b: {  	v49 =	vsel vm0, v5, v0;
	vm0 =	vle.f32 v51, v15;
	v35 =	vadd.s32 v35, v47  }
0x15c: {  	v47 =	vsel vm2, v5, v0;
	v50 =	vsel vm0, v5, v0;
	vm0 =	vle.f32 v38, v16;
	v38 =	vld.idx.msk [tilespmem:v39+s4+$0x0], $0xffff  }
0x15d: {  	v27 =	vshll.u32 v27, $0x1;
	v51 =	vsel vm0, v5, v0;
	vm0 =	vle.f32 v31, v14;
	v31 =	vld.idx.msk [tilespmem:v43+s4+$0x0], $0xffff  }
0x15e: {  	v24 =	vshll.u32 v24, $0x1;
	v52 =	vsel vm0, v5, v0;
	vm0 =	vle.f32 v34, v17;
	v34 =	vld.idx.msk [tilespmem:v44+s4+$0x0], $0xffff  }
0x15f: {  	v23 =	vshll.u32 v23, $0x1;
	v45 =	vshll.u32 v45, $0x1;
	v53 =	vsel vm0, v5, v0  }
0x160: {  	v32 =	vshll.u32 v32, $0x1;
	v30 =	vshll.u32 v30, $0x1;
	v36 =	vshll.u32 v36, $0x1;
	v54 =	vld.idx.msk [tilespmem:v35+s4+$0x0], $0xffff  }
0x161: {  	v29 =	vadd.s32 v29, v37;
	v28 =	vadd.s32 v28, v41;
	v33 =	vadd.s32 v40, v33  }
0x162: {  	v25 =	vadd.s32 v25, v46;
	v37 =	vshll.u32 v39, $0x1;
	vm0 =	vle.f32 v38, v19  }
0x163: {  	v39 =	vshll.u32 v43, $0x1;
	v38 =	vsel vm0, v5, v0;
	vm0 =	vle.f32 v31, v20  }
0x164: {  	v31 =	vadd.s32 v37, v38;
	v37 =	vsel vm0, v5, v0;
	vm0 =	vle.f32 v34, v21  }
0x165: {  	v34 =	vadd.s32 v39, v37;
	v37 =	vshll.u32 v44, $0x1;
	v38 =	vsel vm0, v5, v0  }
0x166: {  	v26 =	vadd.s32 v26, v42;
	v37 =	vadd.s32 v37, v38;
	vm0 =	vle.f32 v54, v22;
	v39 =	vld.idx.msk [tilespmem:v33+s4+$0x0], $0xffff  }
0x167: {  	v27 =	vadd.s32 v27, v48;
	v35 =	vshll.u32 v35, $0x1;
	v40 =	vsel vm0, v5, v0;
	v38 =	vld.idx.msk [tilespmem:v29+s4+$0x0], $0xffff  }
0x168: {  	v24 =	vadd.s32 v24, v49;
	v23 =	vadd.s32 v23, v47;
	v35 =	vadd.s32 v35, v40;
	v41 =	vld.idx.msk [tilespmem:v28+s4+$0x0], $0xffff  }
0x169: {  	v32 =	vadd.s32 v32, v51;
	v30 =	vadd.s32 v30, v52;
	v40 =	vadd.s32 v45, v50;
	v42 =	vld.idx.msk [tilespmem:v31+s4+$0x0], $0xffff  }
0x16a: {  	v36 =	vadd.s32 v36, v53;
	v33 =	vshll.u32 v33, $0x1;
	v29 =	vshll.u32 v29, $0x1;
	v43 =	vld.idx.msk [tilespmem:v34+s4+$0x0], $0xffff  }
0x16b: {  	v44 =	vshll.u32 v25, $0x1;
	v45 =	vshll.u32 v26, $0x1;
	v28 =	vshll.u32 v28, $0x1;
	v46 =	vld.idx.msk [tilespmem:v37+s4+$0x0], $0xffff  }
0x16c: {  	v47 =	vshll.u32 v24, $0x1;
	vm0 =	vle.f32 v39, v18;
	v39 =	vshll.u32 v27, $0x1;
	v25 =	vld.idx.msk [tilespmem:v25+s4+$0x0], $0xffff  }
0x16d: {  	v48 =	vsel vm0, v5, v0;
	vm0 =	vle.f32 v38, v7;
	v38 =	vshll.u32 v23, $0x1;
	v49 =	vld.idx.msk [tilespmem:v35+s4+$0x0], $0xffff  }
0x16e: {  	v50 =	vsel vm0, v5, v0;
	vm0 =	vle.f32 v41, v8;
	v41 =	vshll.u32 v40, $0x1;
	v26 =	vld.idx.msk [tilespmem:v26+s4+$0x0], $0xffff  }
0x16f: {  	v31 =	vshll.u32 v31, $0x1;
	v51 =	vsel vm0, v5, v0;
	vm0 =	vle.f32 v42, v19;
	v27 =	vld.idx.msk [tilespmem:v27+s4+$0x0], $0xffff  }
0x170: {  	v34 =	vshll.u32 v34, $0x1;
	v42 =	vsel vm0, v5, v0;
	vm0 =	vle.f32 v43, v20;
	v24 =	vld.idx.msk [tilespmem:v24+s4+$0x0], $0xffff  }
0x171: {  	v31 =	vadd.s32 v31, v42;
	v42 =	vsel vm0, v5, v0;
	vm0 =	vle.f32 v46, v21;
	v23 =	vld.idx.msk [tilespmem:v23+s4+$0x0], $0xffff  }
0x172: {  	v37 =	vshll.u32 v37, $0x1;
	v34 =	vadd.s32 v34, v42;
	v42 =	vsel vm0, v5, v0;
	v40 =	vld.idx.msk [tilespmem:v40+s4+$0x0], $0xffff  }
0x173: {  	vm0 =	vle.f32 v25, v9;
	v37 =	vadd.s32 v37, v42;
	vm1 =	vle.f32 v49, v22;
	v25 =	vld.idx.msk [tilespmem:v32+s4+$0x0], $0xffff  }
0x174: {  	v35 =	vshll.u32 v35, $0x1;
	vm2 =	vle.f32 v26, v10;
	v42 =	vsel vm1, v5, v0;
	v26 =	vld.idx.msk [tilespmem:v30+s4+$0x0], $0xffff  }
0x175: {  	v43 =	vsel vm0, v5, v0;
	vm0 =	vle.f32 v27, v11;
	v35 =	vadd.s32 v35, v42;
	v27 =	vld.idx.msk [tilespmem:v36+s4+$0x0], $0xffff  }
0x176: {  	v42 =	vsel vm2, v5, v0;
	v46 =	vsel vm0, v5, v0;
	vm0 =	vle.f32 v24, v12;
	v24 =	vld.idx.msk [tilespmem:v31+s4+$0x0], $0xffff  }
0x177: {  	v49 =	vsel vm0, v5, v0;
	vm0 =	vle.f32 v23, v13;
	v23 =	vshll.u32 v32, $0x1;
	v32 =	vld.idx.msk [tilespmem:v34+s4+$0x0], $0xffff  }
0x178: {  	v30 =	vshll.u32 v30, $0x1;
	v52 =	vsel vm0, v5, v0;
	vm0 =	vle.f32 v40, v15;
	v40 =	vld.idx.msk [tilespmem:v37+s4+$0x0], $0xffff  }
0x179: {  	v53 =	vsel vm0, v5, v0;
	vm0 =	vle.f32 v25, v16;
	v25 =	vshll.u32 v36, $0x1  }
0x17a: {  	v33 =	vadd.s32 v33, v48;
	v36 =	vsel vm0, v5, v0;
	vm0 =	vle.f32 v26, v14;
	v26 =	vld.idx.msk [tilespmem:v35+s4+$0x0], $0xffff  }
0x17b: {  	v29 =	vadd.s32 v29, v50;
	v48 =	vsel vm0, v5, v0;
	vm0 =	vle.f32 v27, v17  }
0x17c: {  	v31 =	vshll.u32 v31, $0x1;
	v27 =	vsel vm0, v5, v0;
	vm0 =	vle.f32 v24, v19  }
0x17d: {  	v34 =	vshll.u32 v34, $0x1;
	v24 =	vsel vm0, v5, v0;
	vm0 =	vle.f32 v32, v20  }
0x17e: {  	v24 =	vadd.s32 v31, v24;
	v31 =	vsel vm0, v5, v0;
	vm0 =	vle.f32 v40, v21  }
0x17f: {  	v31 =	vadd.s32 v34, v31;
	v34 =	vshll.u32 v37, $0x1;
	v37 =	vsel vm0, v5, v0;
	v32 =	vld.idx.msk [tilespmem:v33+s4+$0x0], $0xffff  }
0x180: {  	v28 =	vadd.s32 v28, v51;
	v34 =	vadd.s32 v34, v37;
	vm0 =	vle.f32 v26, v22;
	v40 =	vld.idx.msk [tilespmem:v29+s4+$0x0], $0xffff  }
0x181: {  	v35 =	vshll.u32 v35, $0x1;
	v26 =	vadd.s32 v44, v43;
	v37 =	vsel vm0, v5, v0  }
0x182: {  	v42 =	vadd.s32 v45, v42;
	v39 =	vadd.s32 v39, v46;
	v35 =	vadd.s32 v35, v37  }
0x183: {  	v38 =	vadd.s32 v38, v52;
	v41 =	vadd.s32 v41, v53;
	v37 =	vadd.s32 v47, v49;
	v43 =	vld.idx.msk [tilespmem:v24+s4+$0x0], $0xffff  }
0x184: {  	v23 =	vadd.s32 v23, v36;
	v30 =	vadd.s32 v30, v48;
	v25 =	vadd.s32 v25, v27;
	v27 =	vld.idx.msk [tilespmem:v31+s4+$0x0], $0xffff  }
0x185: {  	v33 =	vshll.u32 v33, $0x1;
	v29 =	vshll.u32 v29, $0x1;
	vm0 =	vle.f32 v32, v18;
	v32 =	vld.idx.msk [tilespmem:v34+s4+$0x0], $0xffff  }
0x186: {  	v44 =	vsel vm0, v5, v0;
	vm0 =	vle.f32 v40, v7;
	v36 =	vld.idx.msk [tilespmem:v28+s4+$0x0], $0xffff;
	v28 =	vshll.u32 v28, $0x1  }
0x187: {  	v46 =	vshll.u32 v42, $0x1;
	v45 =	vshll.u32 v26, $0x1;
	v40 =	vsel vm0, v5, v0;
	v47 =	vld.idx.msk [tilespmem:v35+s4+$0x0], $0xffff  }
0x188: {  	v50 =	vshll.u32 v38, $0x1;
	v48 =	vshll.u32 v39, $0x1;
	v49 =	vshll.u32 v37, $0x1;
	v26 =	vld.idx.msk [tilespmem:v26+s4+$0x0], $0xffff  }
0x189: {  	v51 =	vshll.u32 v41, $0x1;
	v24 =	vshll.u32 v24, $0x1;
	vm0 =	vle.f32 v43, v19;
	v42 =	vld.idx.msk [tilespmem:v42+s4+$0x0], $0xffff  }
0x18a: {  	v31 =	vshll.u32 v31, $0x1;
	v43 =	vsel vm0, v5, v0;
	vm0 =	vle.f32 v27, v20;
	v39 =	vld.idx.msk [tilespmem:v39+s4+$0x0], $0xffff  }
0x18b: {  	v24 =	vadd.s32 v24, v43;
	v27 =	vld.idx.msk [tilespmem:v37+s4+$0x0], $0xffff;
	v37 =	vsel vm0, v5, v0;
	vm0 =	vle.f32 v32, v21  }
0x18c: {  	v34 =	vshll.u32 v34, $0x1;
	v32 =	vld.idx.msk [tilespmem:v38+s4+$0x0], $0xffff;
	v31 =	vadd.s32 v31, v37;
	v37 =	vsel vm0, v5, v0  }
0x18d: {  	vm0 =	vle.f32 v36, v8;
	vm1 =	vle.f32 v47, v22;
	v36 =	vld.idx.msk [tilespmem:v41+s4+$0x0], $0xffff;
	v34 =	vadd.s32 v34, v37  }
0x18e: {  	v35 =	vshll.u32 v35, $0x1;
	vm2 =	vle.f32 v26, v9;
	v37 =	vsel vm1, v5, v0;
	v26 =	vld.idx.msk [tilespmem:v23+s4+$0x0], $0xffff  }
0x18f: {  	v38 =	vsel vm0, v5, v0;
	vm0 =	vle.f32 v42, v10;
	v35 =	vadd.s32 v35, v37;
	v41 =	vld.idx.msk [tilespmem:v30+s4+$0x0], $0xffff  }
0x190: {  	v37 =	vsel vm2, v5, v0;
	v42 =	vsel vm0, v5, v0;
	vm0 =	vle.f32 v39, v11;
	v39 =	vld.idx.msk [tilespmem:v24+s4+$0x0], $0xffff  }
0x191: {  	v23 =	vshll.u32 v23, $0x1;
	v43 =	vsel vm0, v5, v0;
	vm0 =	vle.f32 v27, v12;
	v27 =	vld.idx.msk [tilespmem:v31+s4+$0x0], $0xffff  }
0x192: {  	v30 =	vshll.u32 v30, $0x1;
	v47 =	vsel vm0, v5, v0;
	vm0 =	vle.f32 v32, v13;
	v32 =	vld.idx.msk [tilespmem:v34+s4+$0x0], $0xffff  }
0x193: {  	v52 =	vsel vm0, v5, v0;
	vm0 =	vle.f32 v36, v15;
	v53 =	vld.idx.msk [tilespmem:v25+s4+$0x0], $0xffff;
	v25 =	vshll.u32 v25, $0x1  }
0x194: {  	v33 =	vadd.s32 v33, v44;
	v36 =	vsel vm0, v5, v0;
	vm0 =	vle.f32 v26, v16;
	v26 =	vld.idx.msk [tilespmem:v35+s4+$0x0], $0xffff  }
0x195: {  	v29 =	vadd.s32 v29, v40;
	v40 =	vsel vm0, v5, v0;
	vm0 =	vle.f32 v41, v14  }
0x196: {  	v24 =	vshll.u32 v24, $0x1;
	v41 =	vsel vm0, v5, v0;
	vm0 =	vle.f32 v39, v19  }
0x197: {  	v31 =	vshll.u32 v31, $0x1;
	v39 =	vsel vm0, v5, v0;
	vm0 =	vle.f32 v27, v20  }
0x198: {  	v24 =	vadd.s32 v24, v39;
	v27 =	vsel vm0, v5, v0;
	vm0 =	vle.f32 v32, v21  }
0x199: {  	v27 =	vadd.s32 v31, v27;
	v31 =	vshll.u32 v34, $0x1;
	v34 =	vsel vm0, v5, v0;
	v32 =	vld.idx.msk [tilespmem:v33+s4+$0x0], $0xffff  }
0x19a: {  	vm0 =	vle.f32 v53, v17;
	v31 =	vadd.s32 v31, v34;
	vm1 =	vle.f32 v26, v22;
	v39 =	vld.idx.msk [tilespmem:v29+s4+$0x0], $0xffff  }
0x19b: {  	v26 =	vsel vm0, v5, v0;
	v34 =	vshll.u32 v35, $0x1;
	v35 =	vsel vm1, v5, v0  }
0x19c: {  	v28 =	vadd.s32 v28, v38;
	v37 =	vadd.s32 v45, v37;
	v34 =	vadd.s32 v34, v35  }
0x19d: {  	v38 =	vadd.s32 v48, v43;
	v35 =	vadd.s32 v46, v42;
	v42 =	vadd.s32 v49, v47;
	v43 =	vld.idx.msk [tilespmem:v24+s4+$0x0], $0xffff  }
0x19e: {  	v44 =	vadd.s32 v50, v52;
	v36 =	vadd.s32 v51, v36;
	v23 =	vadd.s32 v23, v40;
	v40 =	vld.idx.msk [tilespmem:v27+s4+$0x0], $0xffff  }
0x19f: {  	v30 =	vadd.s32 v30, v41;
	v25 =	vadd.s32 v25, v26;
	vm0 =	vle.f32 v32, v18;
	v26 =	vld.idx.msk [tilespmem:v31+s4+$0x0], $0xffff  }
0x1a0: {  	v32 =	vshll.u32 v33, $0x1;
	v33 =	vsel vm0, v5, v0;
	vm0 =	vle.f32 v39, v7  }
0x1a1: {  	v41 =	vshll.u32 v28, $0x1;
	v29 =	vshll.u32 v29, $0x1;
	v39 =	vsel vm0, v5, v0;
	v45 =	vld.idx.msk [tilespmem:v34+s4+$0x0], $0xffff  }
0x1a2: {  	v48 =	vshll.u32 v38, $0x1;
	v46 =	vshll.u32 v37, $0x1;
	v47 =	vshll.u32 v35, $0x1;
	v28 =	vld.idx.msk [tilespmem:v28+s4+$0x0], $0xffff  }
0x1a3: {  	v49 =	vshll.u32 v42, $0x1;
	v24 =	vshll.u32 v24, $0x1;
	vm0 =	vle.f32 v43, v19;
	v37 =	vld.idx.msk [tilespmem:v37+s4+$0x0], $0xffff  }
0x1a4: {  	v27 =	vshll.u32 v27, $0x1;
	v43 =	vsel vm0, v5, v0;
	vm0 =	vle.f32 v40, v20;
	v35 =	vld.idx.msk [tilespmem:v35+s4+$0x0], $0xffff  }
0x1a5: {  	v24 =	vadd.s32 v24, v43;
	v40 =	vsel vm0, v5, v0;
	vm0 =	vle.f32 v26, v21;
	v38 =	vld.idx.msk [tilespmem:v38+s4+$0x0], $0xffff  }
0x1a6: {  	v31 =	vshll.u32 v31, $0x1;
	v27 =	vadd.s32 v27, v40;
	v40 =	vsel vm0, v5, v0;
	v26 =	vld.idx.msk [tilespmem:v42+s4+$0x0], $0xffff  }
0x1a7: {  	v43 =	vshll.u32 v44, $0x1;
	v31 =	vadd.s32 v31, v40;
	vm0 =	vle.f32 v45, v22;
	v42 =	vld.idx.msk [tilespmem:v44+s4+$0x0], $0xffff  }
0x1a8: {  	v34 =	vshll.u32 v34, $0x1;
	vm1 =	vle.f32 v28, v8;
	v40 =	vsel vm0, v5, v0;
	v28 =	vld.idx.msk [tilespmem:v36+s4+$0x0], $0xffff  }
0x1a9: {  	v44 =	vsel vm1, v5, v0;
	vm0 =	vle.f32 v37, v9;
	v34 =	vadd.s32 v34, v40;
	v37 =	vld.idx.msk [tilespmem:v23+s4+$0x0], $0xffff  }
0x1aa: {  	v40 =	vsel vm0, v5, v0;
	vm0 =	vle.f32 v35, v10;
	v35 =	vshll.u32 v36, $0x1;
	v36 =	vld.idx.msk [tilespmem:v24+s4+$0x0], $0xffff  }
0x1ab: {  	v45 =	vsel vm0, v5, v0;
	vm0 =	vle.f32 v38, v11;
	v38 =	vshll.u32 v23, $0x1;
	v23 =	vld.idx.msk [tilespmem:v27+s4+$0x0], $0xffff  }
0x1ac: {  	v50 =	vsel vm0, v5, v0;
	vm0 =	vle.f32 v26, v12;
	v26 =	vshll.u32 v30, $0x1;
	v51 =	vld.idx.msk [tilespmem:v31+s4+$0x0], $0xffff  }
0x1ad: {  	v52 =	vsel vm0, v5, v0;
	vm0 =	vle.f32 v42, v13;
	v42 =	vshll.u32 v25, $0x1;
	v30 =	vld.idx.msk [tilespmem:v30+s4+$0x0], $0xffff  }
0x1ae: {  	v32 =	vadd.s32 v32, v33;
	v33 =	vsel vm0, v5, v0;
	vm0 =	vle.f32 v28, v15;
	v28 =	vld.idx.msk [tilespmem:v34+s4+$0x0], $0xffff  }
0x1af: {  	v29 =	vadd.s32 v29, v39;
	v53 =	vsel vm0, v5, v0;
	vm0 =	vle.f32 v37, v16;
	v39 =	vld.idx.msk [tilespmem:v25+s4+$0x0], $0xffff  }
0x1b0: {  	v24 =	vshll.u32 v24, $0x1;
	v37 =	vsel vm0, v5, v0;
	vm0 =	vle.f32 v36, v19  }
0x1b1: {  	v27 =	vshll.u32 v27, $0x1;
	v25 =	vsel vm0, v5, v0;
	vm0 =	vle.f32 v23, v20  }
0x1b2: {  	v23 =	vadd.s32 v24, v25;
	v24 =	vsel vm0, v5, v0;
	vm0 =	vle.f32 v51, v21  }
0x1b3: {  	v25 =	vshll.u32 v31, $0x1;
	v24 =	vadd.s32 v27, v24;
	v27 =	vsel vm0, v5, v0;
	v36 =	vld.idx.msk [tilespmem:v32+s4+$0x0], $0xffff  }
0x1b4: {  	vm0 =	vle.f32 v30, v14;
	v25 =	vadd.s32 v25, v27;
	vm1 =	vle.f32 v28, v22;
	v31 =	vld.idx.msk [tilespmem:v29+s4+$0x0], $0xffff  }
0x1b5: {  	v22 =	vshll.u32 v34, $0x1;
	vm2 =	vle.f32 v39, v17;
	v27 =	vsel vm1, v5, v0  }
0x1b6: {  	v28 =	vsel vm0, v5, v0;
	v30 =	vsel vm2, v5, v0;
	v22 =	vadd.s32 v22, v27  }
0x1b7: {  	v34 =	vadd.s32 v46, v40;
	v27 =	vadd.s32 v41, v44;
	v22 =	vshrl.u32 v22, $0x4;
	v39 =	vld.idx.msk [tilespmem:v23+s4+$0x0], $0xffff  }
0x1b8: {  	s23 =	sadd.s32 $0x100, s23;
	v40 =	vadd.s32 v47, v45;
	v41 =	vadd.s32 v48, v50;
	v22 =	vadd.s32 $0xFFFFF000, v22;
	v44 =	vld.idx.msk [tilespmem:v24+s4+$0x0], $0xffff  }
0x1b9: {  	v33 =	vadd.s32 v43, v33;
	v32 =	vshll.u32 v32, $0x1;
	v45 =	vadd.s32 v49, v52;
	v43 =	vld.idx.msk [tilespmem:v25+s4+$0x0], $0xffff;
	[tilespmem:s23+$0x70] =	vst v22  }
0x1ba: {  	v26 =	vadd.s32 v26, v28;
	v22 =	vadd.s32 v35, v53;
	v35 =	vadd.s32 v38, v37  }
0x1bb: {  	v28 =	vadd.s32 v42, v30;
	vm0 =	vle.f32 v36, v18;
	vm1 =	vle.f32 v31, v7  }
0x1bc: {  	v29 =	vshll.u32 v29, $0x1;
	v31 =	vsel vm0, v5, v0;
	v36 =	vsel vm1, v5, v0;
	v30 =	vld.idx.msk [tilespmem:v27+s4+$0x0], $0xffff  }
0x1bd: {  	v38 =	vshll.u32 v40, $0x1;
	v27 =	vshll.u32 v27, $0x1;
	v37 =	vld.idx.msk [tilespmem:v34+s4+$0x0], $0xffff;
	v34 =	vshll.u32 v34, $0x1  }
0x1be: {  	v47 =	vshll.u32 v33, $0x1;
	v46 =	vshll.u32 v45, $0x1;
	v42 =	vshll.u32 v41, $0x1;
	v40 =	vld.idx.msk [tilespmem:v40+s4+$0x0], $0xffff  }
0x1bf: {  	v50 =	vshll.u32 v26, $0x1;
	v48 =	vshll.u32 v22, $0x1;
	v49 =	vshll.u32 v35, $0x1;
	v41 =	vld.idx.msk [tilespmem:v41+s4+$0x0], $0xffff  }
0x1c0: {  	v31 =	vadd.s32 v32, v31;
	v29 =	vadd.s32 v29, v36;
	v36 =	vshll.u32 v28, $0x1;
	v32 =	vld.idx.msk [tilespmem:v45+s4+$0x0], $0xffff  }
0x1c1: {  	v51 =	vshll.u32 v29, $0x1;
	vm2 =	vle.f32 v39, v19;
	v45 =	vshll.u32 v31, $0x1;
	v33 =	vld.idx.msk [tilespmem:v33+s4+$0x0], $0xffff  }
0x1c2: {  	vm0 =	vle.f32 v44, v20;
	vm1 =	vle.f32 v43, v21;
	vm3 =	vle.f32 v30, v8;
	v22 =	vld.idx.msk [tilespmem:v22+s4+$0x0], $0xffff  }
0x1c3: {  	v19 =	vsel vm2, v5, v0;
	v20 =	vsel vm3, v5, v0;
	vm3 =	vle.f32 v37, v9;
	v21 =	vld.idx.msk [tilespmem:v35+s4+$0x0], $0xffff  }
0x1c4: {  	v20 =	vadd.s32 v27, v20;
	v27 =	vsel vm3, v5, v0;
	vm2 =	vle.f32 v40, v10;
	v26 =	vld.idx.msk [tilespmem:v26+s4+$0x0], $0xffff  }
0x1c5: {  	v27 =	vadd.s32 v34, v27;
	v30 =	vsel vm2, v5, v0;
	vm2 =	vle.f32 v41, v11;
	v28 =	vld.idx.msk [tilespmem:v28+s4+$0x0], $0xffff  }
0x1c6: {  	v30 =	vadd.s32 v38, v30;
	v34 =	vsel vm2, v5, v0;
	vm2 =	vle.f32 v32, v12;
	v31 =	vld.idx.msk [tilespmem:v31+s4+$0x0], $0xffff  }
0x1c7: {  	v32 =	vadd.s32 v42, v34;
	v34 =	vsel vm2, v5, v0;
	vm2 =	vle.f32 v33, v13;
	v29 =	vld.idx.msk [tilespmem:v29+s4+$0x0], $0xffff  }
0x1c8: {  	v33 =	vadd.s32 v46, v34;
	v34 =	vsel vm2, v5, v0;
	vm2 =	vle.f32 v22, v15  }
0x1c9: {  	v34 =	vadd.s32 v47, v34;
	v35 =	vsel vm2, v5, v0;
	vm2 =	vle.f32 v21, v16;
	v22 =	vld.idx.msk [tilespmem:v20+s4+$0x0], $0xffff  }
0x1ca: {  	v35 =	vadd.s32 v48, v35;
	v37 =	vsel vm2, v5, v0;
	vm2 =	vle.f32 v26, v14;
	v21 =	vld.idx.msk [tilespmem:v27+s4+$0x0], $0xffff  }
0x1cb: {  	v37 =	vadd.s32 v49, v37;
	v38 =	vsel vm2, v5, v0;
	vm2 =	vle.f32 v28, v17;
	v26 =	vld.idx.msk [tilespmem:v30+s4+$0x0], $0xffff  }
0x1cc: {  	vm3 =	vle.f32 v31, v18;
	v31 =	vadd.s32 v50, v38;
	v38 =	vsel vm2, v5, v0;
	v28 =	vld.idx.msk [tilespmem:v32+s4+$0x0], $0xffff  }
0x1cd: {  	v39 =	vsel vm3, v5, v0;
	vm2 =	vle.f32 v29, v7;
	v36 =	vadd.s32 v36, v38;
	v29 =	vld.idx.msk [tilespmem:v33+s4+$0x0], $0xffff  }
0x1ce: {  	v20 =	vshll.u32 v20, $0x1;
	v27 =	vshll.u32 v27, $0x1;
	v38 =	vsel vm2, v5, v0;
	v40 =	vld.idx.msk [tilespmem:v34+s4+$0x0], $0xffff  }
0x1cf: {  	vm2 =	vle.f32 v22, v8;
	v22 =	vshll.u32 v30, $0x1;
	v30 =	vshll.u32 v32, $0x1;
	v32 =	vld.idx.msk [tilespmem:v35+s4+$0x0], $0xffff  }
0x1d0: {  	v41 =	vsel vm2, v5, v0;
	vm2 =	vle.f32 v21, v9;
	v21 =	vshll.u32 v33, $0x1;
	v33 =	vld.idx.msk [tilespmem:v37+s4+$0x0], $0xffff  }
0x1d1: {  	v42 =	vsel vm2, v5, v0;
	vm2 =	vle.f32 v26, v10;
	v26 =	vshll.u32 v34, $0x1;
	v34 =	vld.idx.msk [tilespmem:v31+s4+$0x0], $0xffff  }
0x1d2: {  	v35 =	vshll.u32 v35, $0x1;
	v43 =	vsel vm2, v5, v0;
	vm2 =	vle.f32 v28, v11;
	v28 =	vld.idx.msk [tilespmem:v36+s4+$0x0], $0xffff  }
0x1d3: {  	v44 =	vsel vm2, v5, v0;
	vm2 =	vle.f32 v29, v12;
	v29 =	vshll.u32 v37, $0x1  }
0x1d4: {  	v31 =	vshll.u32 v31, $0x1;
	v37 =	vsel vm2, v5, v0;
	vm2 =	vle.f32 v40, v13  }
0x1d5: {  	v40 =	vsel vm2, v5, v0;
	vm2 =	vle.f32 v32, v15;
	v32 =	vshll.u32 v36, $0x1  }
0x1d6: {  	v36 =	vadd.s32 v45, v39;
	v39 =	vsel vm2, v5, v0;
	vm2 =	vle.f32 v33, v16  }
0x1d7: {  	v33 =	vadd.s32 v51, v38;
	v38 =	vsel vm2, v5, v0;
	vm2 =	vle.f32 v34, v14  }
0x1d8: {  	v20 =	vadd.s32 v20, v41;
	v34 =	vsel vm2, v5, v0;
	vm2 =	vle.f32 v28, v17  }
0x1d9: {  	v27 =	vadd.s32 v27, v42;
	v22 =	vadd.s32 v22, v43;
	v28 =	vsel vm2, v5, v0  }
0x1da: {  	v30 =	vadd.s32 v30, v44;
	v37 =	vadd.s32 v21, v37;
	v26 =	vadd.s32 v26, v40  }
0x1db: {  	v35 =	vadd.s32 v35, v39;
	v29 =	vadd.s32 v29, v38;
	v31 =	vadd.s32 v31, v34;
	v40 =	vld.idx.msk [tilespmem:v36+s4+$0x0], $0xffff  }
0x1dc: {  	v28 =	vadd.s32 v32, v28;
	v36 =	vshll.u32 v36, $0x1;
	v34 =	vld.idx.msk [tilespmem:v33+s4+$0x0], $0xffff;
	v33 =	vshll.u32 v33, $0x1  }
0x1dd: {  	v41 =	vshll.u32 v22, $0x1;
	v39 =	vshll.u32 v27, $0x1;
	v38 =	vshll.u32 v20, $0x1;
	v32 =	vld.idx.msk [tilespmem:v20+s4+$0x0], $0xffff  }
0x1de: {  	v42 =	vshll.u32 v30, $0x1;
	v43 =	vshll.u32 v37, $0x1;
	v44 =	vshll.u32 v26, $0x1;
	v27 =	vld.idx.msk [tilespmem:v27+s4+$0x0], $0xffff  }
0x1df: {  	v46 =	vshll.u32 v35, $0x1;
	v47 =	vshll.u32 v29, $0x1;
	v48 =	vshll.u32 v31, $0x1;
	v45 =	vld.idx.msk [tilespmem:v22+s4+$0x0], $0xffff  }
0x1e0: {  	v21 =	vsel vm1, v5, v0;
	v49 =	vshll.u32 v28, $0x1;
	v20 =	vsel vm0, v5, v0;
	v30 =	vld.idx.msk [tilespmem:v30+s4+$0x0], $0xffff  }
0x1e1: {  	v22 =	vshll.u32 v23, $0x1;
	v23 =	vshll.u32 v24, $0x1;
	vm0 =	vle.f32 v40, v18;
	v37 =	vld.idx.msk [tilespmem:v37+s4+$0x0], $0xffff  }
0x1e2: {  	v24 =	vshll.u32 v25, $0x1;
	v40 =	vsel vm0, v5, v0;
	vm0 =	vle.f32 v34, v7;
	v26 =	vld.idx.msk [tilespmem:v26+s4+$0x0], $0xffff  }
0x1e3: {  	v25 =	vadd.s32 v36, v40;
	v34 =	vsel vm0, v5, v0;
	vm0 =	vle.f32 v32, v8;
	v32 =	vld.idx.msk [tilespmem:v35+s4+$0x0], $0xffff  }
0x1e4: {  	v33 =	vadd.s32 v33, v34;
	v34 =	vsel vm0, v5, v0;
	vm0 =	vle.f32 v27, v9;
	v27 =	vld.idx.msk [tilespmem:v29+s4+$0x0], $0xffff  }
0x1e5: {  	v29 =	vadd.s32 v38, v34;
	v34 =	vsel vm0, v5, v0;
	vm0 =	vle.f32 v45, v10;
	v31 =	vld.idx.msk [tilespmem:v31+s4+$0x0], $0xffff  }
0x1e6: {  	v34 =	vadd.s32 v39, v34;
	v35 =	vsel vm0, v5, v0;
	vm0 =	vle.f32 v30, v11;
	v28 =	vld.idx.msk [tilespmem:v28+s4+$0x0], $0xffff  }
0x1e7: {  	v30 =	vadd.s32 v41, v35;
	v35 =	vsel vm0, v5, v0;
	vm0 =	vle.f32 v37, v12  }
0x1e8: {  	v35 =	vadd.s32 v42, v35;
	v37 =	vsel vm0, v5, v0;
	vm0 =	vle.f32 v26, v13;
	v36 =	vld.idx.msk [tilespmem:v25+s4+$0x0], $0xffff  }
0x1e9: {  	v37 =	vadd.s32 v43, v37;
	v38 =	vsel vm0, v5, v0;
	vm0 =	vle.f32 v32, v15;
	v26 =	vld.idx.msk [tilespmem:v33+s4+$0x0], $0xffff  }
0x1ea: {  	v38 =	vadd.s32 v44, v38;
	v39 =	vsel vm0, v5, v0;
	vm0 =	vle.f32 v27, v16;
	v32 =	vld.idx.msk [tilespmem:v29+s4+$0x0], $0xffff  }
0x1eb: {  	v39 =	vadd.s32 v46, v39;
	v40 =	vsel vm0, v5, v0;
	vm0 =	vle.f32 v31, v14;
	v27 =	vld.idx.msk [tilespmem:v34+s4+$0x0], $0xffff  }
0x1ec: {  	v40 =	vadd.s32 v47, v40;
	v41 =	vsel vm0, v5, v0;
	vm0 =	vle.f32 v28, v17;
	v31 =	vld.idx.msk [tilespmem:v30+s4+$0x0], $0xffff  }
0x1ed: {  	v25 =	vshll.u32 v25, $0x1;
	v41 =	vadd.s32 v48, v41;
	v42 =	vsel vm0, v5, v0;
	v28 =	vld.idx.msk [tilespmem:v35+s4+$0x0], $0xffff  }
0x1ee: {  	v33 =	vshll.u32 v33, $0x1;
	vm0 =	vle.f32 v36, v18;
	v42 =	vadd.s32 v49, v42;
	v36 =	vld.idx.msk [tilespmem:v37+s4+$0x0], $0xffff  }
0x1ef: {  	v43 =	vsel vm0, v5, v0;
	vm0 =	vle.f32 v26, v7;
	v26 =	vshll.u32 v29, $0x1;
	v29 =	vld.idx.msk [tilespmem:v38+s4+$0x0], $0xffff  }
0x1f0: {  	v44 =	vsel vm0, v5, v0;
	vm0 =	vle.f32 v32, v8;
	v32 =	vshll.u32 v34, $0x1;
	v34 =	vld.idx.msk [tilespmem:v39+s4+$0x0], $0xffff  }
0x1f1: {  	v45 =	vsel vm0, v5, v0;
	vm0 =	vle.f32 v27, v9;
	v27 =	vshll.u32 v30, $0x1;
	v30 =	vld.idx.msk [tilespmem:v40+s4+$0x0], $0xffff  }
0x1f2: {  	v46 =	vsel vm0, v5, v0;
	vm0 =	vle.f32 v31, v10;
	v31 =	vshll.u32 v35, $0x1;
	v35 =	vld.idx.msk [tilespmem:v41+s4+$0x0], $0xffff  }
0x1f3: {  	v47 =	vsel vm0, v5, v0;
	vm0 =	vle.f32 v28, v11;
	v28 =	vshll.u32 v37, $0x1;
	v37 =	vld.idx.msk [tilespmem:v42+s4+$0x0], $0xffff  }
0x1f4: {  	v48 =	vsel vm0, v5, v0;
	vm0 =	vle.f32 v36, v12;
	v36 =	vshll.u32 v38, $0x1  }
0x1f5: {  	v38 =	vsel vm0, v5, v0;
	vm0 =	vle.f32 v29, v13;
	v29 =	vshll.u32 v39, $0x1  }
0x1f6: {  	v39 =	vsel vm0, v5, v0;
	vm0 =	vle.f32 v34, v15;
	v34 =	vshll.u32 v40, $0x1  }
0x1f7: {  	v40 =	vsel vm0, v5, v0;
	vm0 =	vle.f32 v30, v16;
	v30 =	vshll.u32 v41, $0x1  }
0x1f8: {  	v41 =	vsel vm0, v5, v0;
	vm0 =	vle.f32 v35, v14;
	v35 =	vshll.u32 v42, $0x1  }
0x1f9: {  	v25 =	vadd.s32 v25, v43;
	v42 =	vsel vm0, v5, v0;
	vm0 =	vle.f32 v37, v17  }
0x1fa: {  	v33 =	vadd.s32 v33, v44;
	v26 =	vadd.s32 v26, v45;
	v37 =	vsel vm0, v5, v0  }
0x1fb: {  	v32 =	vadd.s32 v32, v46;
	v27 =	vadd.s32 v27, v47;
	v31 =	vadd.s32 v31, v48  }
0x1fc: {  	v28 =	vadd.s32 v28, v38;
	v36 =	vadd.s32 v36, v39;
	v29 =	vadd.s32 v29, v40  }
0x1fd: {  	v34 =	vadd.s32 v34, v41;
	v30 =	vadd.s32 v30, v42;
	v35 =	vadd.s32 v35, v37  }
0x1fe: {  	v38 =	vshll.u32 v33, $0x1;
	v39 =	vshll.u32 v26, $0x1;
	v37 =	vld.idx.msk [tilespmem:v25+s4+$0x0], $0xffff;
	v25 =	vshll.u32 v25, $0x1  }
0x1ff: {  	v40 =	vshll.u32 v32, $0x1;
	v41 =	vshll.u32 v27, $0x1;
	v42 =	vshll.u32 v31, $0x1;
	v33 =	vld.idx.msk [tilespmem:v33+s4+$0x0], $0xffff  }
0x200: {  	v43 =	vshll.u32 v28, $0x1;
	v44 =	vshll.u32 v36, $0x1;
	v45 =	vshll.u32 v29, $0x1;
	v26 =	vld.idx.msk [tilespmem:v26+s4+$0x0], $0xffff  }
0x201: {  	v46 =	vshll.u32 v34, $0x1;
	v47 =	vshll.u32 v30, $0x1;
	v48 =	vshll.u32 v35, $0x1;
	v32 =	vld.idx.msk [tilespmem:v32+s4+$0x0], $0xffff  }
0x202: {  	v19 =	vadd.s32 v22, v19;
	v20 =	vadd.s32 v23, v20;
	v21 =	vadd.s32 v24, v21;
	v27 =	vld.idx.msk [tilespmem:v27+s4+$0x0], $0xffff  }
0x203: {  	v19 =	vshrl.u32 v19, $0x4;
	v20 =	vshrl.u32 v20, $0x4;
	v21 =	vshrl.u32 v21, $0x4;
	v22 =	vld.idx.msk [tilespmem:v31+s4+$0x0], $0xffff  }
0x204: {  	v19 =	vadd.s32 $0xFFFFF000, v19;
	v20 =	vadd.s32 $0xFFFFF000, v20;
	vm0 =	vle.f32 v37, v18;
	v23 =	vld.idx.msk [tilespmem:v28+s4+$0x0], $0xffff  }
0x205: {  	v24 =	vsel vm0, v5, v0;
	vm0 =	vle.f32 v33, v7;
	v28 =	vld.idx.msk [tilespmem:v36+s4+$0x0], $0xffff;
	[tilespmem:s23+$0x40] =	vst v19;
	v19 =	vadd.s32 $0xFFFFF000, v21  }
0x206: {  	v21 =	vadd.s32 v25, v24;
	v24 =	vsel vm0, v5, v0;
	vm0 =	vle.f32 v26, v8;
	v25 =	vld.idx.msk [tilespmem:v29+s4+$0x0], $0xffff  }
0x207: {  	v24 =	vadd.s32 v38, v24;
	v26 =	vsel vm0, v5, v0;
	vm0 =	vle.f32 v32, v9;
	v29 =	vld.idx.msk [tilespmem:v34+s4+$0x0], $0xffff  }
0x208: {  	v26 =	vadd.s32 v39, v26;
	v31 =	vsel vm0, v5, v0;
	vm0 =	vle.f32 v27, v10;
	v27 =	vld.idx.msk [tilespmem:v30+s4+$0x0], $0xffff  }
0x209: {  	v30 =	vadd.s32 v40, v31;
	v31 =	vsel vm0, v5, v0;
	vm0 =	vle.f32 v22, v11;
	v22 =	vld.idx.msk [tilespmem:v35+s4+$0x0], $0xffff  }
0x20a: {  	v31 =	vadd.s32 v41, v31;
	v32 =	vsel vm0, v5, v0;
	vm0 =	vle.f32 v23, v12;
	[tilespmem:s23+$0x50] =	vst v20  }
0x20b: {  	v23 =	vadd.s32 v42, v32;
	v32 =	vsel vm0, v5, v0;
	vm0 =	vle.f32 v28, v13;
	v20 =	vld.idx.msk [tilespmem:v21+s4+$0x0], $0xffff  }
0x20c: {  	v32 =	vadd.s32 v43, v32;
	v33 =	vsel vm0, v5, v0;
	vm0 =	vle.f32 v25, v15;
	v28 =	vld.idx.msk [tilespmem:v24+s4+$0x0], $0xffff  }
0x20d: {  	v33 =	vadd.s32 v44, v33;
	v34 =	vsel vm0, v5, v0;
	vm0 =	vle.f32 v29, v16;
	v25 =	vld.idx.msk [tilespmem:v26+s4+$0x0], $0xffff  }
0x20e: {  	v34 =	vadd.s32 v45, v34;
	v35 =	vsel vm0, v5, v0;
	vm0 =	vle.f32 v27, v14;
	v29 =	vld.idx.msk [tilespmem:v30+s4+$0x0], $0xffff  }
0x20f: {  	v35 =	vadd.s32 v46, v35;
	v36 =	vsel vm0, v5, v0;
	vm0 =	vle.f32 v22, v17;
	v27 =	vld.idx.msk [tilespmem:v31+s4+$0x0], $0xffff  }
0x210: {  	v21 =	vshll.u32 v21, $0x1;
	v36 =	vadd.s32 v47, v36;
	v37 =	vsel vm0, v5, v0;
	v22 =	vld.idx.msk [tilespmem:v23+s4+$0x0], $0xffff;
	[tilespmem:s23+$0x60] =	vst v19  }
0x211: {  	vm0 =	vle.f32 v20, v18;
	v18 =	vshll.u32 v24, $0x1;
	v20 =	vadd.s32 v48, v37;
	v19 =	vld.idx.msk [tilespmem:v32+s4+$0x0], $0xffff  }
0x212: {  	v26 =	vshll.u32 v26, $0x1;
	v24 =	vsel vm0, v5, v0;
	vm0 =	vle.f32 v28, v7;
	v7 =	vld.idx.msk [tilespmem:v33+s4+$0x0], $0xffff  }
0x213: {  	v28 =	vsel vm0, v5, v0;
	vm0 =	vle.f32 v25, v8;
	v8 =	vshll.u32 v30, $0x1;
	v25 =	vld.idx.msk [tilespmem:v34+s4+$0x0], $0xffff  }
0x214: {  	v30 =	vsel vm0, v5, v0;
	vm0 =	vle.f32 v29, v9;
	v9 =	vshll.u32 v31, $0x1;
	v29 =	vld.idx.msk [tilespmem:v35+s4+$0x0], $0xffff  }
0x215: {  	v31 =	vsel vm0, v5, v0;
	vm0 =	vle.f32 v27, v10;
	v10 =	vshll.u32 v23, $0x1;
	v23 =	vld.idx.msk [tilespmem:v36+s4+$0x0], $0xffff  }
0x216: {  	v27 =	vsel vm0, v5, v0;
	vm0 =	vle.f32 v22, v11;
	v11 =	vshll.u32 v32, $0x1;
	v22 =	vld.idx.msk [tilespmem:v20+s4+$0x0], $0xffff  }
0x217: {  	v32 =	vsel vm0, v5, v0;
	vm0 =	vle.f32 v19, v12;
	v12 =	vshll.u32 v33, $0x1  }
0x218: {  	v33 =	vshll.u32 v34, $0x1;
	v19 =	vsel vm0, v5, v0;
	vm0 =	vle.f32 v7, v13  }
0x219: {  	v13 =	vsel vm0, v5, v0;
	vm0 =	vle.f32 v25, v15;
	v25 =	vshll.u32 v35, $0x1  }
0x21a: {  	v34 =	vsel vm0, v5, v0;
	vm0 =	vle.f32 v29, v16;
	v29 =	vshll.u32 v36, $0x1  }
0x21b: {  	v20 =	vshll.u32 v20, $0x1;
	v35 =	vsel vm0, v5, v0;
	vm0 =	vle.f32 v23, v14  }
.Ltmp0:
0x21c: {  	v7 =	vadd.s32 v21, v24;
	v21 =	vsel vm0, v5, v0;
	vm0 =	vle.f32 v22, v17;
	(pc) =	sbr.rel @p0 .LBB2_3-.Ltmp0, $4  }
0x21d: {  	v18 =	vadd.s32 v18, v28;
	v17 =	vadd.s32 v26, v30;
	v22 =	vsel vm0, v5, v0  }
0x21e: {  	v15 =	vadd.s32 v9, v27;
	v16 =	vadd.s32 v8, v31;
	v8 =	vadd.s32 v10, v32  }
0x21f: {  	v13 =	vadd.s32 v12, v13;
	v14 =	vadd.s32 v11, v19;
	v9 =	vadd.s32 v33, v34  }
0x220: {  	s25 =	sadd.s32 $0x100, s25;
	v12 =	vadd.s32 v25, v35;
	v11 =	vadd.s32 v29, v21;
	v10 =	vadd.s32 v20, v22  }
0x221: {  	v7 =	vshrl.u32 v7, $0x4  }
0x222: {  	v18 =	vshrl.u32 v18, $0x4;
	v7 =	vadd.s32 $0xFFFFF000, v7  }
0x223: {  	v15 =	vshrl.u32 v15, $0x4;
	v18 =	vadd.s32 $0xFFFFF000, v18;
	[tilespmem:s23+$0xFFFFFF80] =	vst v7  }
0x224: {  	v8 =	vshrl.u32 v8, $0x4;
	v15 =	vadd.s32 $0xFFFFF000, v15;
	[tilespmem:s23+$0xFFFFFF90] =	vst v18  }
0x225: {  	v17 =	vshrl.u32 v17, $0x4;
	v8 =	vadd.s32 $0xFFFFF000, v8;
	[tilespmem:s23+$0xFFFFFFC0] =	vst v15  }
0x226: {  	v7 =	vshrl.u32 v16, $0x4;
	v16 =	vadd.s32 $0xFFFFF000, v17;
	[tilespmem:s23+$0xFFFFFFD0] =	vst v8  }
0x227: {  	v8 =	vshrl.u32 v9, $0x4;
	v7 =	vadd.s32 $0xFFFFF000, v7;
	[tilespmem:s23+$0xFFFFFFA0] =	vst v16  }
0x228: {  	v9 =	vshrl.u32 v12, $0x4;
	v8 =	vadd.s32 $0xFFFFF000, v8;
	[tilespmem:s23+$0xFFFFFFB0] =	vst v7  }
0x229: {  	v9 =	vadd.s32 $0xFFFFF000, v9;
	v7 =	vshrl.u32 v14, $0x4;
	[tilespmem:s23+$0x0] =	vst v8  }
0x22a: {  	v13 =	vshrl.u32 v13, $0x4;
	[tilespmem:s23+$0x10] =	vst v9;
	v7 =	vadd.s32 $0xFFFFF000, v7  }
0x22b: {  	v8 =	vshrl.u32 v10, $0x4;
	[tilespmem:s23+$0xFFFFFFE0] =	vst v7;
	v7 =	vadd.s32 $0xFFFFF000, v13  }
0x22c: {  	p0 =	seq.s32 s20, $0x1F;
	v8 =	vadd.s32 $0xFFFFF000, v8;
	[tilespmem:s23+$0xFFFFFFF0] =	vst v7;
	v7 =	vshrl.u32 v11, $0x4  }
0x22d: {  	s22 =	sshrl.u32 @!p0 s22, $0x3;
	[tilespmem:s23+$0x30] =	vst v8;
	v7 =	vadd.s32 $0xFFFFF000, v7  }
0x22e: {  	s30 =	sadd.s32 s3, s21;
	p1 =	seq.s32 @!p0 s20, $0x0;
	s22 =	sadd.s32 @!p0 s1, s22;
	[tilespmem:s23+$0x20] =	vst v7  }
0x22f: {  	[hbm4b:s30+s4] =	stream.linear.scatter [tilespmem:s14], [sflag:$0x3], $0x2000, $0x38;
	[tilespmem:$0x18000] =	vst v63  }
0x230: {  	s24 =	simm.s32 @!p0 $0x10000;
	s22 =	sadd.s32 @!p0 $0x800, s22;
	s23 =	simm.s32 @!p0 $0x0  }
0x231: {  	[tilespmem:s24], [sflag:$0x1] =	stream.linear.gather @!p0 [hbm4b:s22+s23], $0x2000, $0x38;
	[tilespmem:$0x18000] =	vst v63  }
0x232: {  	p0 =	por p0, !p1  }
0x233: {  	_ =	swait.ge @p0 [sflag:s18], $0x2000  }
0x234: {  	[sflag:s18] =	ssyncset.done @p0 $0x0  }
0x235: {  	[sflag:s18] =	ssyncadd.s32 @p0 $0xFFFFE000  }
0x236: {  	_ =	swait.ge [sflag:s15], $0x2000  }
0x237: {  	[sflag:s15] =	ssyncset.done $0x0  }
0x238: {  	s31 =	simm.s32 $0x12080;
	[sflag:s15] =	ssyncadd.s32 $0xFFFFE000  }
0x239: {  	v22 =	vld [tilespmem:s31+$0x70]  }
0x23a: {  	v13 =	vld [tilespmem:s31+$0xFFFFFF90]  }
0x23b: {  	v12 =	vld [tilespmem:s31+$0xFFFFFFA0]  }
0x23c: {  	v11 =	vld [tilespmem:s31+$0xFFFFFFB0]  }
0x23d: {  	v10 =	vld [tilespmem:s31+$0xFFFFFFC0]  }
0x23e: {  	v9 =	vld [tilespmem:s31+$0xFFFFFFD0]  }
0x23f: {  	v8 =	vld [tilespmem:s31+$0xFFFFFFE0]  }
0x240: {  	v7 =	vld [tilespmem:s31+$0xFFFFFFF0]  }
0x241: {  	v19 =	vld [tilespmem:s31+$0x40]  }
0x242: {  	v20 =	vld [tilespmem:s31+$0x50];
	vm1 =	vle.f32 v6, v22  }
0x243: {  	v21 =	vld [tilespmem:s31+$0x60];
	v14 =	vsel vm1, v2, v1  }
0x244: {  	v17 =	vld [tilespmem:s31+$0x20];
	vm0 =	vle.f32 v6, v13  }
0x245: {  	v16 =	vld [tilespmem:s31+$0x30];
	vm2 =	vle.f32 v6, v12;
	vm6 =	vle.f32 v6, v11;
	v23 =	vsel vm0, v2, v1  }
0x246: {  	v15 =	vld [tilespmem:s31+$0x10];
	vm7 =	vle.f32 v6, v10;
	vm8 =	vle.f32 v6, v9;
	v25 =	vsel vm2, v2, v1  }
0x247: {  	v18 =	vld [tilespmem:s31+$0xFFFFFF80];
	vm9 =	vle.f32 v6, v8;
	vm3 =	vle.f32 v6, v19;
	v27 =	vsel vm6, v2, v1  }
0x248: {  	vm10 =	vle.f32 v6, v7;
	vm11 =	vle.f32 v6, v20;
	v38 =	vsel vm3, v2, v1;
	v29 =	vld.idx.msk [tilespmem:v14+s4+$0x0], $0xffff  }
0x249: {  	vm12 =	vle.f32 v6, v21;
	vm13 =	vle.f32 v6, v17;
	v39 =	vsel vm11, v2, v1;
	v14 =	vld [tilespmem:s31+$0x0]  }
0x24a: {  	vm14 =	vle.f32 v6, v16;
	v24 =	vsel vm0, v4, v3;
	v40 =	vsel vm12, v2, v1;
	v23 =	vld.idx.msk [tilespmem:v23+s4+$0x0], $0xffff  }
0x24b: {  	v26 =	vsel vm2, v4, v3;
	v28 =	vsel vm6, v4, v3;
	v30 =	vsel vm7, v2, v1;
	v25 =	vld.idx.msk [tilespmem:v25+s4+$0x0], $0xffff  }
0x24c: {  	v31 =	vsel vm7, v4, v3;
	v32 =	vsel vm8, v2, v1;
	v33 =	vsel vm8, v4, v3;
	v27 =	vld.idx.msk [tilespmem:v27+s4+$0x0], $0xffff  }
0x24d: {  	v34 =	vsel vm9, v2, v1;
	v35 =	vsel vm9, v4, v3;
	v36 =	vsel vm10, v2, v1;
	v38 =	vld.idx.msk [tilespmem:v38+s4+$0x0], $0xffff  }
0x24e: {  	v37 =	vsel vm10, v4, v3;
	vm6 =	vle.f32 v6, v15;
	v60 =	vsel vm1, v4, v3;
	v39 =	vld.idx.msk [tilespmem:v39+s4+$0x0], $0xffff  }
0x24f: {  	v43 =	vsel vm13, v2, v1;
	vm7 =	vle.f32 v6, v18;
	v44 =	vsel vm14, v2, v1;
	v40 =	vld.idx.msk [tilespmem:v40+s4+$0x0], $0xffff  }
0x250: {  	v49 =	vsel vm14, v4, v3;
	v51 =	vsel vm3, v4, v3;
	v46 =	vsel vm7, v2, v1;
	v30 =	vld.idx.msk [tilespmem:v30+s4+$0x0], $0xffff  }
0x251: {  	v52 =	vsel vm11, v4, v3;
	v58 =	vsel vm12, v4, v3;
	v61 =	vsel vm6, v2, v1;
	v63 =	vld.idx.msk [tilespmem:v32+s4+$0x0], $0xffff  }
0x252: {  	v47 =	vsel vm7, v4, v3;
	v48 =	vsel vm6, v4, v3;
	vm4 =	vle.f32 v6, v14  }
0x253: {  	vm5 =	vle.f32 v29, v22;
	vm15 =	vle.f32 v23, v13;
	v23 =	vsel vm13, v4, v3  }
0x254: {  	v34 =	vld.idx.msk [tilespmem:v34+s4+$0x0], $0xffff;
	vm7 =	vle.f32 v25, v12;
	vm8 =	vle.f32 v27, v11;
	vm9 =	vle.f32 v38, v19  }
0x255: {  	v56 =	vld.idx.msk [tilespmem:v46+s4+$0x0], $0xffff;
	vm10 =	vle.f32 v39, v20;
	vm11 =	vle.f32 v40, v21;
	vm12 =	vle.f32 v30, v10  }
0x256: {  	v36 =	vld.idx.msk [tilespmem:v36+s4+$0x0], $0xffff;
	vm14 =	vle.f32 v63, v9;
	v41 =	vsel vm5, v5, v0;
	v42 =	vsel vm4, v2, v1  }
0x257: {  	v45 =	vsel vm4, v4, v3;
	v50 =	vsel vm15, v5, v0;
	v32 =	vsel vm8, v5, v0  }
0x258: {  	v38 =	vsel vm9, v5, v0;
	v57 =	vsel vm10, v5, v0;
	v29 =	vadd.s32 v60, v41  }
0x259: {  	v63 =	vld.idx.msk [tilespmem:v43+s4+$0x0], $0xffff;
	v59 =	vsel vm11, v5, v0;
	vm15 =	vle.f32 v34, v8;
	v38 =	vadd.s32 v51, v38  }
0x25a: {  	vm4 =	vle.f32 v56, v18;
	v53 =	vsel vm14, v5, v0;
	v40 =	vadd.s32 v52, v57;
	v60 =	vld.idx.msk [tilespmem:v61+s4+$0x0], $0xffff  }
0x25b: {  	vm5 =	vle.f32 v36, v7;
	v24 =	vadd.s32 v24, v50;
	v30 =	vadd.s32 v58, v59;
	v52 =	vld.idx.msk [tilespmem:v44+s4+$0x0], $0xffff  }
0x25c: {  	v50 =	vsel vm7, v5, v0;
	v51 =	vsel vm12, v5, v0;
	v39 =	vsel vm15, v5, v0;
	v42 =	vld.idx.msk [tilespmem:v42+s4+$0x0], $0xffff  }
0x25d: {  	v55 =	vsel vm4, v5, v0;
	v28 =	vadd.s32 v28, v32;
	v33 =	vadd.s32 v33, v53;
	v62 =	vld.idx.msk [tilespmem:v29+s4+$0x0], $0xffff  }
0x25e: {  	v61 =	vshll.u32 v29, $0x1;
	v26 =	vadd.s32 v26, v50;
	v46 =	vadd.s32 v47, v55;
	v54 =	vld.idx.msk [tilespmem:v38+s4+$0x0], $0xffff  }
0x25f: {  	v47 =	vsel vm5, v5, v0;
	v35 =	vadd.s32 v35, v39;
	vm8 =	vle.f32 v63, v17;
	v56 =	vld.idx.msk [tilespmem:v40+s4+$0x0], $0xffff  }
0x260: {  	v25 =	vadd.s32 v31, v51;
	v37 =	vadd.s32 v37, v47;
	v59 =	vsel vm8, v5, v0;
	v57 =	vld.idx.msk [tilespmem:v30+s4+$0x0], $0xffff  }
0x261: {  	vm7 =	vle.f32 v60, v15;
	vm9 =	vle.f32 v52, v16;
	v29 =	vld.idx.msk [tilespmem:v24+s4+$0x0], $0xffff;
	v38 =	vshll.u32 v38, $0x1  }
0x262: {  	v40 =	vshll.u32 v40, $0x1;
	v55 =	vld.idx.msk [tilespmem:v28+s4+$0x0], $0xffff;
	v30 =	vshll.u32 v30, $0x1;
	v23 =	vadd.s32 v23, v59  }
0x263: {  	v24 =	vshll.u32 v24, $0x1;
	v28 =	vshll.u32 v28, $0x1;
	v31 =	vsel vm7, v5, v0;
	v63 =	vld.idx.msk [tilespmem:v46+s4+$0x0], $0xffff  }
0x264: {  	v60 =	vsel vm9, v5, v0;
	v39 =	vld.idx.msk [tilespmem:v35+s4+$0x0], $0xffff;
	v46 =	vshll.u32 v46, $0x1;
	v35 =	vshll.u32 v35, $0x1  }
0x265: {  	v31 =	vadd.s32 v48, v31;
	v34 =	vadd.s32 v49, v60;
	vm6 =	vle.f32 v42, v14  }
0x266: {  	vm13 =	vle.f32 v62, v22;
	v32 =	vsel vm6, v5, v0;
	vm12 =	vle.f32 v57, v21;
	v57 =	vld.idx.msk [tilespmem:v25+s4+$0x0], $0xffff  }
0x267: {  	vm11 =	vle.f32 v56, v20;
	v62 =	vsel vm13, v5, v0;
	v32 =	vadd.s32 v45, v32  }
0x268: {  	vm10 =	vle.f32 v54, v19;
	v54 =	vsel vm11, v5, v0;
	v27 =	vadd.s32 v61, v62  }
0x269: {  	v56 =	vsel vm12, v5, v0;
	v61 =	vld.idx.msk [tilespmem:v26+s4+$0x0], $0xffff;
	v62 =	vsel vm10, v5, v0;
	v40 =	vadd.s32 v40, v54  }
0x26a: {  	vm15 =	vle.f32 v29, v13;
	v30 =	vadd.s32 v30, v56;
	v38 =	vadd.s32 v38, v62;
	v62 =	vld.idx.msk [tilespmem:v37+s4+$0x0], $0xffff  }
0x26b: {  	vm7 =	vle.f32 v55, v11;
	v42 =	vsel vm15, v5, v0;
	vm8 =	vle.f32 v57, v10;
	v57 =	vld.idx.msk [tilespmem:v31+s4+$0x0], $0xffff  }
0x26c: {  	vm14 =	vle.f32 v63, v18;
	v45 =	vsel vm7, v5, v0;
	v24 =	vadd.s32 v24, v42;
	v63 =	vld.idx.msk [tilespmem:v32+s4+$0x0], $0xffff  }
0x26d: {  	v25 =	vshll.u32 v25, $0x1;
	v26 =	vshll.u32 v26, $0x1;
	v28 =	vadd.s32 v28, v45;
	v58 =	vld.idx.msk [tilespmem:v27+s4+$0x0], $0xffff  }
0x26e: {  	v37 =	vshll.u32 v37, $0x1;
	v31 =	vshll.u32 v31, $0x1;
	v47 =	vsel vm8, v5, v0;
	v60 =	vld.idx.msk [tilespmem:v40+s4+$0x0], $0xffff  }
0x26f: {  	v32 =	vshll.u32 v32, $0x1;
	v27 =	vshll.u32 v27, $0x1;
	vm6 =	vle.f32 v61, v12;
	v61 =	vld.idx.msk [tilespmem:v30+s4+$0x0], $0xffff  }
0x270: {  	v40 =	vshll.u32 v40, $0x1;
	v30 =	vshll.u32 v30, $0x1;
	v25 =	vadd.s32 v25, v47;
	v59 =	vld.idx.msk [tilespmem:v38+s4+$0x0], $0xffff  }
0x271: {  	v52 =	vld.idx.msk [tilespmem:v24+s4+$0x0], $0xffff;
	v24 =	vshll.u32 v24, $0x1;
	v44 =	vsel vm6, v5, v0;
	v38 =	vshll.u32 v38, $0x1  }
0x272: {  	vm15 =	vle.f32 v62, v7;
	v45 =	vshll.u32 v25, $0x1;
	vm13 =	vle.f32 v58, v22;
	v58 =	vld.idx.msk [tilespmem:v33+s4+$0x0], $0xffff  }
0x273: {  	v36 =	vsel vm15, v5, v0;
	v26 =	vadd.s32 v26, v44;
	v44 =	vshll.u32 v28, $0x1  }
0x274: {  	vm11 =	vle.f32 v60, v20;
	vm12 =	vle.f32 v61, v21;
	v41 =	vsel vm13, v5, v0  }
0x275: {  	vm10 =	vle.f32 v59, v19;
	v60 =	vsel vm12, v5, v0;
	v27 =	vadd.s32 v27, v41  }
0x276: {  	vm5 =	vle.f32 v57, v15;
	v56 =	vsel vm10, v5, v0;
	v30 =	vadd.s32 v30, v60  }
0x277: {  	v61 =	vld.idx.msk [tilespmem:v34+s4+$0x0], $0xffff;
	v38 =	vadd.s32 v38, v56;
	vm9 =	vle.f32 v58, v9;
	v58 =	vsel vm11, v5, v0  }
0x278: {  	v36 =	vadd.s32 v37, v36;
	vm4 =	vle.f32 v63, v14;
	v59 =	vld.idx.msk [tilespmem:v23+s4+$0x0], $0xffff;
	v40 =	vadd.s32 v40, v58  }
0x279: {  	v57 =	vsel vm5, v5, v0;
	v43 =	vshll.u32 v36, $0x1;
	v33 =	vshll.u32 v33, $0x1  }
0x27a: {  	v34 =	vshll.u32 v34, $0x1;
	v31 =	vadd.s32 v31, v57;
	vm13 =	vle.f32 v39, v8;
	v49 =	vld.idx.msk [tilespmem:v27+s4+$0x0], $0xffff  }
0x27b: {  	v39 =	vsel vm4, v5, v0;
	v23 =	vshll.u32 v23, $0x1;
	v41 =	vsel vm14, v5, v0;
	v60 =	vld.idx.msk [tilespmem:v30+s4+$0x0], $0xffff  }
0x27c: {  	v32 =	vadd.s32 v32, v39;
	v41 =	vadd.s32 v46, v41;
	vm7 =	vle.f32 v61, v16;
	v63 =	vld.idx.msk [tilespmem:v38+s4+$0x0], $0xffff  }
0x27d: {  	v48 =	vsel vm9, v5, v0;
	vm6 =	vle.f32 v59, v17;
	v27 =	vshll.u32 v27, $0x1;
	v58 =	vld.idx.msk [tilespmem:v40+s4+$0x0], $0xffff  }
0x27e: {  	v59 =	vsel vm6, v5, v0;
	v30 =	vshll.u32 v30, $0x1;
	v33 =	vadd.s32 v33, v48  }
0x27f: {  	v38 =	vshll.u32 v38, $0x1;
	vm14 =	vle.f32 v49, v22;
	v49 =	vsel vm13, v5, v0  }
0x280: {  	v28 =	vld.idx.msk [tilespmem:v28+s4+$0x0], $0xffff;
	v23 =	vadd.s32 v23, v59;
	v62 =	vsel vm14, v5, v0;
	v35 =	vadd.s32 v35, v49  }
0x281: {  	v25 =	vld.idx.msk [tilespmem:v25+s4+$0x0], $0xffff;
	v40 =	vshll.u32 v40, $0x1;
	vm8 =	vle.f32 v63, v19;
	v27 =	vadd.s32 v27, v62  }
0x282: {  	vm10 =	vle.f32 v60, v21;
	v63 =	vld.idx.msk [tilespmem:v41+s4+$0x0], $0xffff;
	v29 =	vsel vm8, v5, v0;
	vm9 =	vle.f32 v58, v20  }
0x283: {  	v36 =	vld.idx.msk [tilespmem:v36+s4+$0x0], $0xffff;
	v62 =	vsel vm10, v5, v0;
	v29 =	vadd.s32 v38, v29;
	v61 =	vsel vm9, v5, v0  }
0x284: {  	v30 =	vadd.s32 v30, v62;
	v38 =	vadd.s32 v40, v61;
	v40 =	vshll.u32 v33, $0x1;
	v33 =	vld.idx.msk [tilespmem:v33+s4+$0x0], $0xffff  }
0x285: {  	v37 =	vshll.u32 v32, $0x1;
	v53 =	vsel vm7, v5, v0;
	v47 =	vshll.u32 v35, $0x1;
	v35 =	vld.idx.msk [tilespmem:v35+s4+$0x0], $0xffff  }
0x286: {  	v34 =	vadd.s32 v34, v53;
	vm6 =	vle.f32 v28, v11;
	vm13 =	vle.f32 v52, v13;
	v54 =	vld.idx.msk [tilespmem:v27+s4+$0x0], $0xffff  }
0x287: {  	v42 =	vsel vm6, v5, v0;
	v50 =	vsel vm13, v5, v0;
	vm12 =	vle.f32 v63, v18;
	v63 =	vld.idx.msk [tilespmem:v23+s4+$0x0], $0xffff  }
0x288: {  	v41 =	vshll.u32 v41, $0x1;
	vm8 =	vle.f32 v25, v10;
	v24 =	vadd.s32 v24, v50;
	v55 =	vld.idx.msk [tilespmem:v29+s4+$0x0], $0xffff  }
0x289: {  	v23 =	vshll.u32 v23, $0x1;
	v27 =	vshll.u32 v27, $0x1;
	v57 =	vld.idx.msk [tilespmem:v30+s4+$0x0], $0xffff;
	v29 =	vshll.u32 v29, $0x1  }
0x28a: {  	v30 =	vshll.u32 v30, $0x1;
	v56 =	vld.idx.msk [tilespmem:v38+s4+$0x0], $0xffff;
	v38 =	vshll.u32 v38, $0x1;
	vm9 =	vle.f32 v33, v9  }
0x28b: {  	v32 =	vld.idx.msk [tilespmem:v32+s4+$0x0], $0xffff;
	v33 =	vsel vm8, v5, v0;
	vm10 =	vle.f32 v35, v8;
	vm11 =	vle.f32 v54, v22  }
0x28c: {  	v54 =	vld.idx.msk [tilespmem:v26+s4+$0x0], $0xffff;
	v26 =	vshll.u32 v26, $0x1;
	v46 =	vsel vm9, v5, v0;
	v49 =	vsel vm10, v5, v0  }
0x28d: {  	v33 =	vadd.s32 v45, v33;
	v48 =	vsel vm11, v5, v0;
	vm15 =	vle.f32 v55, v19  }
0x28e: {  	vm5 =	vle.f32 v57, v21;
	vm11 =	vle.f32 v36, v7;
	v40 =	vadd.s32 v40, v46  }
0x28f: {  	v46 =	vshll.u32 v33, $0x1;
	v27 =	vadd.s32 v27, v48;
	v60 =	vsel vm5, v5, v0  }
0x290: {  	v48 =	vsel vm12, v5, v0;
	v39 =	vsel vm15, v5, v0;
	v28 =	vadd.s32 v30, v60  }
0x291: {  	v52 =	vsel vm11, v5, v0;
	vm12 =	vle.f32 v32, v14;
	v29 =	vadd.s32 v29, v39;
	v30 =	vld.idx.msk [tilespmem:v31+s4+$0x0], $0xffff  }
0x292: {  	v61 =	vshll.u32 v27, $0x1;
	v31 =	vshll.u32 v31, $0x1;
	vm4 =	vle.f32 v56, v20  }
0x293: {  	v60 =	vsel vm12, v5, v0;
	v56 =	vld.idx.msk [tilespmem:v34+s4+$0x0], $0xffff;
	vm14 =	vle.f32 v54, v12;
	v59 =	vsel vm4, v5, v0  }
0x294: {  	v51 =	vsel vm14, v5, v0;
	v38 =	vadd.s32 v38, v59;
	vm14 =	vle.f32 v63, v17;
	v58 =	vld.idx.msk [tilespmem:v27+s4+$0x0], $0xffff  }
0x295: {  	v37 =	vadd.s32 v37, v60;
	v63 =	vsel vm14, v5, v0;
	v26 =	vadd.s32 v26, v51;
	v59 =	vld.idx.msk [tilespmem:v28+s4+$0x0], $0xffff  }
0x296: {  	v51 =	vshll.u32 v37, $0x1;
	vm13 =	vle.f32 v30, v15;
	v30 =	vshll.u32 v34, $0x1  }
0x297: {  	v57 =	vld.idx.msk [tilespmem:v29+s4+$0x0], $0xffff;
	v34 =	vadd.s32 v41, v48;
	v29 =	vshll.u32 v29, $0x1;
	v28 =	vshll.u32 v28, $0x1  }
0x298: {  	v23 =	vadd.s32 v23, v63;
	v48 =	vshll.u32 v40, $0x1;
	vm15 =	vle.f32 v56, v16;
	v56 =	vld.idx.msk [tilespmem:v24+s4+$0x0], $0xffff  }
0x299: {  	v24 =	vshll.u32 v24, $0x1;
	v27 =	vsel vm15, v5, v0;
	vm7 =	vle.f32 v58, v22;
	v58 =	vld.idx.msk [tilespmem:v38+s4+$0x0], $0xffff  }
0x29a: {  	v62 =	vsel vm7, v5, v0;
	vm6 =	vle.f32 v59, v21;
	v59 =	vadd.s32 v43, v52  }
0x29b: {  	v33 =	vld.idx.msk [tilespmem:v33+s4+$0x0], $0xffff;
	v27 =	vadd.s32 v30, v27;
	v38 =	vshll.u32 v38, $0x1;
	v25 =	vadd.s32 v61, v62  }
0x29c: {  	vm4 =	vle.f32 v57, v19;
	v55 =	vld.idx.msk [tilespmem:v34+s4+$0x0], $0xffff;
	v57 =	vadd.s32 v44, v42;
	v34 =	vshll.u32 v34, $0x1  }
0x29d: {  	v52 =	vld.idx.msk [tilespmem:v40+s4+$0x0], $0xffff;
	v61 =	vsel vm13, v5, v0;
	v35 =	vsel vm4, v5, v0;
	v54 =	vsel vm6, v5, v0  }
0x29e: {  	v29 =	vadd.s32 v29, v35;
	v35 =	vshll.u32 v26, $0x1;
	v26 =	vld.idx.msk [tilespmem:v26+s4+$0x0], $0xffff;
	vm5 =	vle.f32 v58, v20  }
0x29f: {  	vm9 =	vle.f32 v56, v13;
	v31 =	vadd.s32 v31, v61;
	v50 =	vsel vm5, v5, v0;
	v56 =	vld.idx.msk [tilespmem:v59+s4+$0x0], $0xffff  }
0x2a0: {  	v45 =	vshll.u32 v57, $0x1;
	vm4 =	vle.f32 v33, v10;
	v62 =	vld.idx.msk [tilespmem:v25+s4+$0x0], $0xffff;
	v32 =	vadd.s32 v38, v50  }
0x2a1: {  	v28 =	vadd.s32 v28, v54;
	v44 =	vsel vm9, v5, v0;
	v42 =	vsel vm4, v5, v0;
	v38 =	vld.idx.msk [tilespmem:v57+s4+$0x0], $0xffff  }
0x2a2: {  	v24 =	vadd.s32 v24, v44;
	v58 =	vadd.s32 v47, v49;
	vm8 =	vle.f32 v55, v18;
	v57 =	vld.idx.msk [tilespmem:v37+s4+$0x0], $0xffff  }
0x2a3: {  	v49 =	vshll.u32 v58, $0x1;
	vm5 =	vle.f32 v52, v9;
	v25 =	vshll.u32 v25, $0x1;
	v60 =	vld.idx.msk [tilespmem:v29+s4+$0x0], $0xffff  }
0x2a4: {  	v41 =	vsel vm8, v5, v0;
	v50 =	vshll.u32 v59, $0x1;
	v29 =	vshll.u32 v29, $0x1;
	v59 =	vld.idx.msk [tilespmem:v31+s4+$0x0], $0xffff  }
0x2a5: {  	vm13 =	vle.f32 v26, v12;
	v31 =	vshll.u32 v31, $0x1;
	v34 =	vadd.s32 v34, v41;
	v61 =	vld.idx.msk [tilespmem:v32+s4+$0x0], $0xffff  }
0x2a6: {  	vm7 =	vle.f32 v62, v22;
	v62 =	vld.idx.msk [tilespmem:v28+s4+$0x0], $0xffff;
	v32 =	vshll.u32 v32, $0x1;
	v28 =	vshll.u32 v28, $0x1  }
0x2a7: {  	vm15 =	vle.f32 v38, v11;
	vm8 =	vle.f32 v57, v14;
	v39 =	vsel vm7, v5, v0  }
0x2a8: {  	v54 =	vld.idx.msk [tilespmem:v58+s4+$0x0], $0xffff;
	vm10 =	vle.f32 v60, v19;
	v37 =	vsel vm15, v5, v0;
	v25 =	vadd.s32 v25, v39  }
0x2a9: {  	v60 =	vld.idx.msk [tilespmem:v23+s4+$0x0], $0xffff;
	vm7 =	vle.f32 v56, v7;
	v23 =	vshll.u32 v23, $0x1;
	v41 =	vsel vm8, v5, v0  }
0x2aa: {  	vm9 =	vle.f32 v59, v15;
	v43 =	vsel vm10, v5, v0;
	v39 =	vsel vm13, v5, v0  }
0x2ab: {  	v52 =	vsel vm7, v5, v0;
	v57 =	vsel vm9, v5, v0;
	v29 =	vadd.s32 v29, v43  }
0x2ac: {  	v37 =	vadd.s32 v45, v37;
	v41 =	vadd.s32 v51, v41;
	vm11 =	vle.f32 v61, v20  }
0x2ad: {  	v43 =	vsel vm5, v5, v0;
	vm12 =	vle.f32 v62, v21;
	v53 =	vsel vm11, v5, v0;
	v63 =	vld.idx.msk [tilespmem:v25+s4+$0x0], $0xffff  }
0x2ae: {  	vm6 =	vle.f32 v54, v8;
	v55 =	vsel vm12, v5, v0;
	v32 =	vadd.s32 v32, v53  }
0x2af: {  	v47 =	vsel vm6, v5, v0;
	vm10 =	vle.f32 v60, v17;
	v60 =	vld.idx.msk [tilespmem:v34+s4+$0x0], $0xffff;
	v26 =	vadd.s32 v28, v55  }
0x2b0: {  	v35 =	vadd.s32 v35, v39;
	v31 =	vadd.s32 v31, v57;
	v54 =	vadd.s32 v49, v47;
	v61 =	vld.idx.msk [tilespmem:v29+s4+$0x0], $0xffff  }
0x2b1: {  	v36 =	vshll.u32 v35, $0x1;
	v49 =	vshll.u32 v54, $0x1;
	v25 =	vshll.u32 v25, $0x1  }
0x2b2: {  	v28 =	vshll.u32 v27, $0x1;
	v27 =	vld.idx.msk [tilespmem:v27+s4+$0x0], $0xffff;
	v33 =	vsel vm10, v5, v0;
	vm14 =	vle.f32 v63, v22  }
0x2b3: {  	v53 =	vadd.s32 v48, v43;
	v29 =	vshll.u32 v29, $0x1;
	v62 =	vld.idx.msk [tilespmem:v32+s4+$0x0], $0xffff;
	v58 =	vsel vm14, v5, v0  }
0x2b4: {  	v23 =	vadd.s32 v23, v33;
	v33 =	vshll.u32 v34, $0x1;
	v63 =	vld.idx.msk [tilespmem:v26+s4+$0x0], $0xffff;
	v25 =	vadd.s32 v25, v58  }
0x2b5: {  	v48 =	vshll.u32 v53, $0x1;
	v35 =	vld.idx.msk [tilespmem:v35+s4+$0x0], $0xffff;
	vm4 =	vle.f32 v60, v18;
	vm11 =	vle.f32 v61, v19  }
0x2b6: {  	v32 =	vshll.u32 v32, $0x1;
	v26 =	vshll.u32 v26, $0x1;
	v30 =	vsel vm11, v5, v0  }
0x2b7: {  	v40 =	vld.idx.msk [tilespmem:v54+s4+$0x0], $0xffff;
	v34 =	vsel vm4, v5, v0;
	vm14 =	vle.f32 v27, v16;
	v29 =	vadd.s32 v29, v30  }
0x2b8: {  	v61 =	vld.idx.msk [tilespmem:v24+s4+$0x0], $0xffff;
	v24 =	vshll.u32 v24, $0x1;
	vm12 =	vle.f32 v62, v20;
	v62 =	vsel vm14, v5, v0  }
0x2b9: {  	vm13 =	vle.f32 v63, v21;
	v58 =	vsel vm12, v5, v0;
	v28 =	vadd.s32 v28, v62;
	v56 =	vld.idx.msk [tilespmem:v25+s4+$0x0], $0xffff  }
0x2ba: {  	vm10 =	vle.f32 v35, v12;
	v59 =	vsel vm13, v5, v0;
	v30 =	vadd.s32 v32, v58  }
0x2bb: {  	v63 =	vadd.s32 v46, v42;
	v46 =	vshll.u32 v37, $0x1;
	v37 =	vld.idx.msk [tilespmem:v37+s4+$0x0], $0xffff;
	v26 =	vadd.s32 v26, v59  }
0x2bc: {  	v33 =	vadd.s32 v33, v34;
	v44 =	vsel vm10, v5, v0;
	vm14 =	vle.f32 v40, v8;
	v55 =	vld.idx.msk [tilespmem:v29+s4+$0x0], $0xffff  }
0x2bd: {  	v40 =	vshll.u32 v23, $0x1;
	vm5 =	vle.f32 v61, v13;
	v47 =	vshll.u32 v63, $0x1;
	v61 =	vld.idx.msk [tilespmem:v53+s4+$0x0], $0xffff  }
0x2be: {  	v39 =	vshll.u32 v28, $0x1;
	v28 =	vld.idx.msk [tilespmem:v28+s4+$0x0], $0xffff;
	vm15 =	vle.f32 v56, v22;
	v56 =	vadd.s32 v50, v52  }
0x2bf: {  	v25 =	vshll.u32 v25, $0x1;
	v27 =	vsel vm5, v5, v0;
	v29 =	vshll.u32 v29, $0x1;
	v57 =	vld.idx.msk [tilespmem:v30+s4+$0x0], $0xffff  }
0x2c0: {  	v27 =	vadd.s32 v24, v27;
	vm11 =	vle.f32 v37, v11;
	v58 =	vld.idx.msk [tilespmem:v26+s4+$0x0], $0xffff;
	v38 =	vsel vm15, v5, v0  }
0x2c1: {  	v37 =	vsel vm11, v5, v0;
	vm6 =	vle.f32 v55, v19;
	v25 =	vadd.s32 v25, v38  }
0x2c2: {  	vm13 =	vle.f32 v61, v9;
	v30 =	vshll.u32 v30, $0x1;
	v42 =	vsel vm6, v5, v0;
	v38 =	vld.idx.msk [tilespmem:v63+s4+$0x0], $0xffff  }
0x2c3: {  	v26 =	vshll.u32 v26, $0x1;
	v50 =	vsel vm13, v5, v0;
	v29 =	vadd.s32 v29, v42;
	v63 =	vld.idx.msk [tilespmem:v56+s4+$0x0], $0xffff  }
0x2c4: {  	v52 =	vsel vm14, v5, v0;
	v42 =	vshll.u32 v56, $0x1;
	vm7 =	vle.f32 v57, v20;
	v56 =	vld.idx.msk [tilespmem:v41+s4+$0x0], $0xffff  }
0x2c5: {  	vm11 =	vle.f32 v28, v16;
	vm8 =	vle.f32 v58, v21;
	v57 =	vld.idx.msk [tilespmem:v31+s4+$0x0], $0xffff;
	v60 =	vsel vm7, v5, v0  }
0x2c6: {  	v31 =	vshll.u32 v31, $0x1;
	v62 =	vsel vm8, v5, v0;
	v59 =	vld.idx.msk [tilespmem:v25+s4+$0x0], $0xffff;
	v30 =	vadd.s32 v30, v60  }
0x2c7: {  	v26 =	vadd.s32 v26, v62;
	v25 =	vshll.u32 v25, $0x1;
	vm12 =	vle.f32 v38, v10  }
0x2c8: {  	v38 =	vshll.u32 v41, $0x1;
	v58 =	vld.idx.msk [tilespmem:v29+s4+$0x0], $0xffff;
	v45 =	vsel vm12, v5, v0;
	v51 =	vshll.u32 v26, $0x1  }
0x2c9: {  	v61 =	vld.idx.msk [tilespmem:v23+s4+$0x0], $0xffff;
	v53 =	vadd.s32 v47, v45;
	vm15 =	vle.f32 v63, v7;
	vm4 =	vle.f32 v56, v14  }
0x2ca: {  	vm5 =	vle.f32 v57, v15;
	v63 =	vshll.u32 v29, $0x1;
	v57 =	vld.idx.msk [tilespmem:v33+s4+$0x0], $0xffff;
	v33 =	vshll.u32 v33, $0x1  }
0x2cb: {  	v45 =	vshll.u32 v53, $0x1;
	v34 =	vsel vm15, v5, v0;
	vm9 =	vle.f32 v59, v22;
	v59 =	vld.idx.msk [tilespmem:v30+s4+$0x0], $0xffff  }
0x2cc: {  	v54 =	vsel vm4, v5, v0;
	v60 =	vld.idx.msk [tilespmem:v26+s4+$0x0], $0xffff;
	v30 =	vshll.u32 v30, $0x1;
	v34 =	vadd.s32 v42, v34  }
0x2cd: {  	v38 =	vadd.s32 v38, v54;
	v55 =	vsel vm9, v5, v0;
	vm6 =	vle.f32 v58, v19  }
0x2ce: {  	vm9 =	vle.f32 v61, v17;
	v35 =	vadd.s32 v25, v55;
	v29 =	vsel vm6, v5, v0  }
0x2cf: {  	v55 =	vsel vm5, v5, v0;
	v61 =	vsel vm9, v5, v0;
	v23 =	vadd.s32 v63, v29  }
0x2d0: {  	v58 =	vshll.u32 v35, $0x1;
	v63 =	vadd.s32 v36, v44;
	vm7 =	vle.f32 v59, v20  }
0x2d1: {  	v31 =	vadd.s32 v31, v55;
	vm8 =	vle.f32 v60, v21;
	v60 =	vld.idx.msk [tilespmem:v27+s4+$0x0], $0xffff;
	v41 =	vsel vm7, v5, v0  }
0x2d2: {  	vm12 =	vle.f32 v57, v18;
	v36 =	vld.idx.msk [tilespmem:v53+s4+$0x0], $0xffff;
	v56 =	vsel vm8, v5, v0;
	v24 =	vadd.s32 v30, v41  }
0x2d3: {  	v28 =	vshll.u32 v63, $0x1;
	v62 =	vld.idx.msk [tilespmem:v35+s4+$0x0], $0xffff;
	v25 =	vadd.s32 v51, v56;
	v51 =	vadd.s32 v46, v37  }
0x2d4: {  	v27 =	vshll.u32 v27, $0x1;
	v37 =	vadd.s32 v48, v50;
	v48 =	vshll.u32 v34, $0x1;
	v34 =	vld.idx.msk [tilespmem:v34+s4+$0x0], $0xffff  }
0x2d5: {  	v56 =	vadd.s32 v49, v52;
	v30 =	vadd.s32 v40, v61;
	v49 =	vshll.u32 v38, $0x1;
	v42 =	vld.idx.msk [tilespmem:v23+s4+$0x0], $0xffff  }
0x2d6: {  	v50 =	vshll.u32 v31, $0x1;
	v61 =	vshll.u32 v51, $0x1;
	vm13 =	vle.f32 v60, v13;
	v60 =	vld.idx.msk [tilespmem:v63+s4+$0x0], $0xffff  }
0x2d7: {  	vm7 =	vle.f32 v36, v10;
	v23 =	vshll.u32 v23, $0x1;
	v63 =	vshll.u32 v56, $0x1;
	v40 =	vld.idx.msk [tilespmem:v24+s4+$0x0], $0xffff  }
0x2d8: {  	vm10 =	vle.f32 v62, v22;
	v62 =	vsel vm11, v5, v0;
	v35 =	vld.idx.msk [tilespmem:v51+s4+$0x0], $0xffff;
	v51 =	vshll.u32 v30, $0x1  }
0x2d9: {  	v57 =	vld.idx.msk [tilespmem:v25+s4+$0x0], $0xffff;
	v24 =	vshll.u32 v24, $0x1;
	v25 =	vshll.u32 v25, $0x1;
	v59 =	vsel vm10, v5, v0  }
0x2da: {  	v26 =	vadd.s32 v39, v62;
	v62 =	vshll.u32 v37, $0x1;
	vm14 =	vle.f32 v42, v19  }
0x2db: {  	vm10 =	vle.f32 v34, v7;
	v22 =	vadd.s32 v58, v59;
	v58 =	vsel vm12, v5, v0  }
0x2dc: {  	v56 =	vld.idx.msk [tilespmem:v56+s4+$0x0], $0xffff;
	v59 =	vsel vm13, v5, v0;
	v19 =	vsel vm14, v5, v0;
	v43 =	vsel vm10, v5, v0  }
0x2dd: {  	v30 =	vld.idx.msk [tilespmem:v30+s4+$0x0], $0xffff;
	v22 =	vshrl.u32 v22, $0x4;
	v32 =	vadd.s32 v33, v58;
	v27 =	vadd.s32 v27, v59  }
0x2de: {  	v37 =	vld.idx.msk [tilespmem:v37+s4+$0x0], $0xffff;
	v33 =	vshll.u32 v26, $0x1;
	vm15 =	vle.f32 v60, v12;
	v60 =	vsel vm7, v5, v0  }
0x2df: {  	v19 =	vadd.s32 v23, v19;
	v22 =	vadd.s32 $0xFFFFF000, v22;
	v41 =	vshll.u32 v32, $0x1  }
0x2e0: {  	v58 =	vld.idx.msk [tilespmem:v31+s4+$0x0], $0xffff;
	v52 =	vshll.u32 v27, $0x1;
	v31 =	vadd.s32 v45, v60;
	v19 =	vshrl.u32 v19, $0x4  }
0x2e1: {  	vm0 =	vle.f32 v40, v20;
	vm1 =	vle.f32 v57, v21;
	v57 =	vsel vm15, v5, v0  }
0x2e2: {  	v20 =	vld.idx.msk [tilespmem:v38+s4+$0x0], $0xffff;
	vm6 =	vle.f32 v35, v11;
	vm9 =	vle.f32 v56, v8;
	vm13 =	vle.f32 v30, v17  }
0x2e3: {  	v21 =	vadd.s32 v28, v57;
	v59 =	vsel vm6, v5, v0;
	vm8 =	vle.f32 v37, v9  }
0x2e4: {  	v29 =	vshll.u32 v31, $0x1;
	v26 =	vld.idx.msk [tilespmem:v26+s4+$0x0], $0xffff;
	v28 =	vadd.s32 v61, v59;
	v61 =	vsel vm8, v5, v0  }
0x2e5: {  	v32 =	vld.idx.msk [tilespmem:v32+s4+$0x0], $0xffff;
	v35 =	vadd.s32 v62, v61;
	v62 =	vsel vm9, v5, v0;
	vm12 =	vle.f32 v58, v15  }
0x2e6: {  	v19 =	vadd.s32 $0xFFFFF000, v19;
	v27 =	vld.idx.msk [tilespmem:v27+s4+$0x0], $0xffff;
	v63 =	vadd.s32 v63, v62;
	v46 =	vsel vm12, v5, v0  }
0x2e7: {  	vm11 =	vle.f32 v20, v14;
	v20 =	vadd.s32 v48, v43;
	v37 =	vadd.s32 v50, v46  }
0x2e8: {  	v48 =	vsel vm13, v5, v0;
	v59 =	vshll.u32 v63, $0x1;
	v44 =	vsel vm11, v5, v0;
	v45 =	vld.idx.msk [tilespmem:v21+s4+$0x0], $0xffff  }
0x2e9: {  	vm14 =	vle.f32 v26, v16;
	v21 =	vshll.u32 v21, $0x1;
	v36 =	vadd.s32 v49, v44;
	v47 =	vld.idx.msk [tilespmem:v28+s4+$0x0], $0xffff  }
0x2ea: {  	v49 =	vld.idx.msk [tilespmem:v31+s4+$0x0], $0xffff;
	v50 =	vsel vm14, v5, v0;
	v28 =	vshll.u32 v28, $0x1;
	v31 =	vshll.u32 v35, $0x1  }
0x2eb: {  	vm15 =	vle.f32 v32, v18;
	v32 =	vadd.s32 v51, v48;
	v51 =	vld.idx.msk [tilespmem:v35+s4+$0x0], $0xffff;
	vm5 =	vle.f32 v27, v13  }
0x2ec: {  	v53 =	vadd.s32 v33, v50;
	v50 =	vshll.u32 v37, $0x1;
	v40 =	vsel vm15, v5, v0;
	v54 =	vld.idx.msk [tilespmem:v63+s4+$0x0], $0xffff  }
0x2ed: {  	v55 =	vsel vm5, v5, v0;
	v27 =	vshll.u32 v53, $0x1;
	v56 =	vld.idx.msk [tilespmem:v20+s4+$0x0], $0xffff;
	vm6 =	vle.f32 v45, v12  }
0x2ee: {  	v60 =	vld.idx.msk [tilespmem:v37+s4+$0x0], $0xffff;
	v20 =	vshll.u32 v20, $0x1;
	v55 =	vadd.s32 v52, v55;
	v58 =	vsel vm6, v5, v0  }
0x2ef: {  	v57 =	vld.idx.msk [tilespmem:v36+s4+$0x0], $0xffff;
	vm7 =	vle.f32 v47, v11;
	vm8 =	vle.f32 v49, v10;
	v36 =	vshll.u32 v36, $0x1  }
0x2f0: {  	v61 =	vsel vm7, v5, v0;
	v62 =	vld.idx.msk [tilespmem:v32+s4+$0x0], $0xffff;
	v63 =	vsel vm8, v5, v0;
	vm9 =	vle.f32 v51, v9  }
0x2f1: {  	v48 =	vld.idx.msk [tilespmem:v53+s4+$0x0], $0xffff;
	v32 =	vshll.u32 v32, $0x1;
	v53 =	vadd.s32 v41, v40;
	v21 =	vadd.s32 v21, v58  }
0x2f2: {  	v58 =	vshll.u32 v55, $0x1;
	v49 =	vsel vm9, v5, v0;
	vm10 =	vle.f32 v54, v8  }
0x2f3: {  	v28 =	vadd.s32 v28, v61;
	v29 =	vadd.s32 v29, v63;
	v35 =	vshll.u32 v53, $0x1  }
0x2f4: {  	v51 =	vsel vm10, v5, v0;
	vm11 =	vle.f32 v56, v7;
	vm13 =	vle.f32 v60, v15  }
0x2f5: {  	v31 =	vadd.s32 v31, v49;
	v60 =	vshll.u32 v28, $0x1;
	v61 =	vshll.u32 v29, $0x1  }
0x2f6: {  	v49 =	vsel vm1, v5, v0;
	v42 =	vsel vm11, v5, v0;
	v56 =	vsel vm13, v5, v0  }
0x2f7: {  	v34 =	vld.idx.msk [tilespmem:v55+s4+$0x0], $0xffff;
	v30 =	vadd.s32 v59, v51;
	v59 =	vshll.u32 v21, $0x1;
	vm12 =	vle.f32 v57, v14  }
0x2f8: {  	v20 =	vadd.s32 v20, v42;
	v33 =	vadd.s32 v50, v56;
	v63 =	vshll.u32 v30, $0x1;
	v57 =	vld.idx.msk [tilespmem:v53+s4+$0x0], $0xffff  }
0x2f9: {  	v54 =	vsel vm12, v5, v0;
	vm14 =	vle.f32 v62, v17;
	vm15 =	vle.f32 v48, v16;
	v21 =	vld.idx.msk [tilespmem:v21+s4+$0x0], $0xffff  }
0x2fa: {  	v62 =	vshll.u32 v31, $0x1;
	v52 =	vshll.u32 v20, $0x1;
	v48 =	vsel vm0, v5, v0;
	v28 =	vld.idx.msk [tilespmem:v28+s4+$0x0], $0xffff  }
0x2fb: {  	v26 =	vsel vm14, v5, v0;
	v39 =	vsel vm15, v5, v0;
	v36 =	vadd.s32 v36, v54;
	v29 =	vld.idx.msk [tilespmem:v29+s4+$0x0], $0xffff  }
0x2fc: {  	v54 =	vshll.u32 v33, $0x1;
	v26 =	vadd.s32 v32, v26;
	v27 =	vadd.s32 v27, v39  }
0x2fd: {  	v53 =	vshll.u32 v36, $0x1;
	v31 =	vld.idx.msk [tilespmem:v31+s4+$0x0], $0xffff;
	vm5 =	vle.f32 v34, v13;
	v46 =	vshll.u32 v26, $0x1  }
0x2fe: {  	v47 =	vshll.u32 v27, $0x1;
	v30 =	vld.idx.msk [tilespmem:v30+s4+$0x0], $0xffff;
	v34 =	vsel vm5, v5, v0;
	vm4 =	vle.f32 v57, v18  }
0x2ff: {  	v20 =	vld.idx.msk [tilespmem:v20+s4+$0x0], $0xffff;
	v34 =	vadd.s32 v58, v34;
	vm6 =	vle.f32 v21, v12;
	v32 =	vsel vm4, v5, v0  }
0x300: {  	v57 =	vld.idx.msk [tilespmem:v33+s4+$0x0], $0xffff;
	v56 =	vsel vm6, v5, v0;
	vm7 =	vle.f32 v28, v11;
	vm8 =	vle.f32 v29, v10  }
0x301: {  	v55 =	vld.idx.msk [tilespmem:v36+s4+$0x0], $0xffff;
	v32 =	vadd.s32 v35, v32;
	v33 =	vadd.s32 v59, v56;
	v58 =	vsel vm7, v5, v0  }
0x302: {  	v59 =	vsel vm8, v5, v0;
	vm9 =	vle.f32 v31, v9;
	v29 =	vadd.s32 v60, v58  }
0x303: {  	v26 =	vld.idx.msk [tilespmem:v26+s4+$0x0], $0xffff;
	v31 =	vadd.s32 v61, v59;
	v60 =	vsel vm9, v5, v0;
	vm10 =	vle.f32 v30, v8  }
0x304: {  	v27 =	vld.idx.msk [tilespmem:v27+s4+$0x0], $0xffff;
	v21 =	vshll.u32 v33, $0x1;
	v30 =	vadd.s32 v62, v60;
	v61 =	vsel vm10, v5, v0  }
0x305: {  	vm11 =	vle.f32 v20, v7;
	v28 =	vshll.u32 v29, $0x1;
	v35 =	vadd.s32 v63, v61;
	v63 =	vld.idx.msk [tilespmem:v34+s4+$0x0], $0xffff  }
0x306: {  	v62 =	vsel vm11, v5, v0;
	vm13 =	vle.f32 v57, v15;
	vm12 =	vle.f32 v55, v14;
	v20 =	vld.idx.msk [tilespmem:v32+s4+$0x0], $0xffff  }
0x307: {  	v36 =	vadd.s32 v52, v62;
	v52 =	vsel vm13, v5, v0;
	v50 =	vsel vm12, v5, v0;
	v51 =	vld.idx.msk [tilespmem:v33+s4+$0x0], $0xffff  }
0x308: {  	v62 =	vshll.u32 v30, $0x1;
	vm14 =	vle.f32 v26, v17;
	v37 =	vadd.s32 v53, v50;
	v53 =	vld.idx.msk [tilespmem:v29+s4+$0x0], $0xffff  }
0x309: {  	v38 =	vadd.s32 v54, v52;
	vm15 =	vle.f32 v27, v16;
	v32 =	vshll.u32 v32, $0x1;
	v55 =	vld.idx.msk [tilespmem:v31+s4+$0x0], $0xffff  }
0x30a: {  	v26 =	vshll.u32 v31, $0x1;
	v54 =	vsel vm14, v5, v0;
	v56 =	vsel vm15, v5, v0;
	v41 =	vld.idx.msk [tilespmem:v30+s4+$0x0], $0xffff  }
0x30b: {  	v39 =	vadd.s32 v46, v54;
	v57 =	vld.idx.msk [tilespmem:v35+s4+$0x0], $0xffff;
	vm5 =	vle.f32 v63, v13;
	v35 =	vshll.u32 v35, $0x1  }
0x30c: {  	v58 =	vld.idx.msk [tilespmem:v36+s4+$0x0], $0xffff;
	v43 =	vsel vm5, v5, v0;
	v36 =	vshll.u32 v36, $0x1;
	vm4 =	vle.f32 v20, v18  }
0x30d: {  	v20 =	vshll.u32 v34, $0x1;
	v34 =	vadd.s32 v47, v56;
	vm6 =	vle.f32 v51, v12  }
0x30e: {  	v42 =	vsel vm4, v5, v0;
	v44 =	vsel vm6, v5, v0;
	vm7 =	vle.f32 v53, v11  }
0x30f: {  	vm8 =	vle.f32 v55, v10;
	v53 =	vshll.u32 v37, $0x1;
	v55 =	vshll.u32 v38, $0x1  }
0x310: {  	v20 =	vadd.s32 v20, v43;
	v61 =	vsel vm7, v5, v0;
	v50 =	vsel vm8, v5, v0  }
0x311: {  	v60 =	vld.idx.msk [tilespmem:v38+s4+$0x0], $0xffff;
	vm9 =	vle.f32 v41, v9;
	v32 =	vadd.s32 v32, v42;
	v21 =	vadd.s32 v21, v44  }
0x312: {  	v59 =	vld.idx.msk [tilespmem:v37+s4+$0x0], $0xffff;
	v52 =	vsel vm9, v5, v0;
	vm10 =	vle.f32 v57, v8;
	v57 =	vshll.u32 v39, $0x1  }
0x313: {  	v28 =	vadd.s32 v28, v61;
	v26 =	vadd.s32 v26, v50;
	v61 =	vshll.u32 v32, $0x1  }
0x314: {  	v40 =	vsel vm10, v5, v0;
	vm11 =	vle.f32 v58, v7;
	v27 =	vadd.s32 v62, v52  }
0x315: {  	v63 =	vld.idx.msk [tilespmem:v39+s4+$0x0], $0xffff;
	v62 =	vshll.u32 v20, $0x1;
	v39 =	vshll.u32 v28, $0x1;
	v50 =	vshll.u32 v26, $0x1  }
0x316: {  	v52 =	vadd.s32 v24, v48;
	v54 =	vsel vm11, v5, v0;
	vm13 =	vle.f32 v60, v15  }
0x317: {  	v35 =	vadd.s32 v35, v40;
	v23 =	vshrl.u32 v52, $0x4;
	vm12 =	vle.f32 v59, v14  }
0x318: {  	v51 =	vld.idx.msk [tilespmem:v34+s4+$0x0], $0xffff;
	v58 =	vsel vm13, v5, v0;
	v59 =	vshll.u32 v34, $0x1;
	v36 =	vadd.s32 v36, v54  }
0x319: {  	v20 =	vld.idx.msk [tilespmem:v20+s4+$0x0], $0xffff;
	v42 =	vshll.u32 v35, $0x1;
	v23 =	vadd.s32 $0xFFFFF000, v23;
	v56 =	vsel vm12, v5, v0  }
0x31a: {  	vm14 =	vle.f32 v63, v17;
	v29 =	vadd.s32 v55, v58;
	v63 =	vshll.u32 v21, $0x1;
	v32 =	vld.idx.msk [tilespmem:v32+s4+$0x0], $0xffff  }
0x31b: {  	v43 =	vshll.u32 v36, $0x1;
	v21 =	vld.idx.msk [tilespmem:v21+s4+$0x0], $0xffff;
	v60 =	vsel vm14, v5, v0;
	v33 =	vadd.s32 v53, v56  }
0x31c: {  	v45 =	vshll.u32 v29, $0x1;
	v28 =	vld.idx.msk [tilespmem:v28+s4+$0x0], $0xffff;
	v53 =	vadd.s32 v25, v49;
	v31 =	vadd.s32 v57, v60  }
0x31d: {  	v54 =	vld.idx.msk [tilespmem:v26+s4+$0x0], $0xffff;
	v44 =	vshll.u32 v33, $0x1;
	v24 =	vshrl.u32 v53, $0x4;
	vm15 =	vle.f32 v51, v16  }
0x31e: {  	v55 =	vld.idx.msk [tilespmem:v27+s4+$0x0], $0xffff;
	v51 =	vshll.u32 v27, $0x1;
	v46 =	vshll.u32 v31, $0x1;
	v41 =	vsel vm15, v5, v0  }
0x31f: {  	v56 =	vld.idx.msk [tilespmem:v35+s4+$0x0], $0xffff;
	vm5 =	vle.f32 v20, v13;
	v20 =	vadd.s32 $0xFFFFF000, v24;
	v30 =	vadd.s32 v59, v41  }
0x320: {  	v57 =	vld.idx.msk [tilespmem:v36+s4+$0x0], $0xffff;
	vm4 =	vle.f32 v32, v18;
	v58 =	vsel vm5, v5, v0;
	vm6 =	vle.f32 v21, v12  }
0x321: {  	v47 =	vshll.u32 v30, $0x1;
	v32 =	vsel vm4, v5, v0;
	v59 =	vld.idx.msk [tilespmem:v33+s4+$0x0], $0xffff;
	v33 =	vadd.s32 v62, v58  }
0x322: {  	v60 =	vsel vm6, v5, v0;
	vm7 =	vle.f32 v28, v11;
	vm8 =	vle.f32 v54, v10  }
0x323: {  	v32 =	vadd.s32 v61, v32;
	v61 =	vld.idx.msk [tilespmem:v29+s4+$0x0], $0xffff;
	v29 =	vadd.s32 v63, v60;
	v62 =	vsel vm7, v5, v0  }
0x324: {  	v63 =	vld.idx.msk [tilespmem:v31+s4+$0x0], $0xffff;
	v48 =	vsel vm8, v5, v0;
	vm9 =	vle.f32 v55, v9;
	v31 =	vadd.s32 v39, v62  }
0x325: {  	vm11 =	vle.f32 v57, v7;
	v49 =	vld.idx.msk [tilespmem:v30+s4+$0x0], $0xffff;
	v30 =	vadd.s32 v50, v48;
	v50 =	vsel vm9, v5, v0  }
0x326: {  	vm10 =	vle.f32 v56, v8;
	v53 =	vsel vm11, v5, v0;
	v27 =	vadd.s32 v51, v50  }
0x327: {  	v51 =	vsel vm10, v5, v0;
	vm12 =	vle.f32 v59, v14;
	v54 =	vld.idx.msk [tilespmem:v33+s4+$0x0], $0xffff;
	v35 =	vadd.s32 v43, v53  }
0x328: {  	v52 =	vld.idx.msk [tilespmem:v32+s4+$0x0], $0xffff;
	v34 =	vadd.s32 v42, v51;
	v55 =	vsel vm12, v5, v0;
	vm13 =	vle.f32 v61, v15  }
0x329: {  	vm14 =	vle.f32 v63, v17;
	v32 =	vshll.u32 v32, $0x1;
	v36 =	vadd.s32 v44, v55  }
0x32a: {  	v56 =	vld.idx.msk [tilespmem:v29+s4+$0x0], $0xffff;
	v57 =	vsel vm13, v5, v0;
	v59 =	vsel vm14, v5, v0;
	v55 =	vshll.u32 v35, $0x1  }
0x32b: {  	v58 =	vld.idx.msk [tilespmem:v31+s4+$0x0], $0xffff;
	v37 =	vadd.s32 v45, v57;
	v38 =	vadd.s32 v46, v59;
	vm15 =	vle.f32 v49, v16  }
0x32c: {  	v57 =	vshll.u32 v36, $0x1;
	v60 =	vld.idx.msk [tilespmem:v30+s4+$0x0], $0xffff;
	v59 =	vshll.u32 v37, $0x1;
	v61 =	vsel vm15, v5, v0  }
0x32d: {  	v62 =	vld.idx.msk [tilespmem:v27+s4+$0x0], $0xffff;
	vm5 =	vle.f32 v54, v13;
	v13 =	vshll.u32 v29, $0x1;
	vm4 =	vle.f32 v52, v18  }
0x32e: {  	v46 =	vld.idx.msk [tilespmem:v35+s4+$0x0], $0xffff;
	v18 =	vshll.u32 v33, $0x1;
	v63 =	vadd.s32 v47, v61;
	v47 =	vsel vm5, v5, v0  }
0x32f: {  	v44 =	vld.idx.msk [tilespmem:v34+s4+$0x0], $0xffff;
	vm6 =	vle.f32 v56, v12;
	v12 =	vshll.u32 v31, $0x1;
	v61 =	vshll.u32 v38, $0x1  }
0x330: {  	v45 =	vsel vm4, v5, v0;
	v48 =	vld.idx.msk [tilespmem:v36+s4+$0x0], $0xffff;
	v49 =	vsel vm6, v5, v0;
	vm7 =	vle.f32 v58, v11  }
0x331: {  	v11 =	vshll.u32 v30, $0x1;
	v24 =	vshll.u32 v63, $0x1;
	v18 =	vadd.s32 v18, v47;
	v50 =	vld.idx.msk [tilespmem:v37+s4+$0x0], $0xffff  }
0x332: {  	v51 =	vsel vm7, v5, v0;
	v52 =	vld.idx.msk [tilespmem:v38+s4+$0x0], $0xffff;
	vm8 =	vle.f32 v60, v10;
	v10 =	vshll.u32 v27, $0x1  }
0x333: {  	v53 =	vsel vm8, v5, v0;
	vm9 =	vle.f32 v62, v9;
	v9 =	vshll.u32 v34, $0x1  }
0x334: {  	vm11 =	vle.f32 v46, v7;
	v7 =	vadd.s32 v32, v45;
	v54 =	vld.idx.msk [tilespmem:v63+s4+$0x0], $0xffff;
	v40 =	vsel vm9, v5, v0  }
0x335: {  	vm10 =	vle.f32 v44, v8;
	v58 =	vsel vm11, v5, v0;
	vm12 =	vle.f32 v48, v14  }
0x336: {  	v56 =	vsel vm10, v5, v0;
	v8 =	vadd.s32 v10, v40;
	v60 =	vsel vm12, v5, v0  }
0x337: {  	s22 =	simm.s32 $0x16080;
	vm13 =	vle.f32 v50, v15;
	vm14 =	vle.f32 v52, v17;
	v17 =	vadd.s32 v13, v49  }
0x338: {  	[tilespmem:s22+$0x70] =	vst v22;
	v15 =	vadd.s32 v11, v53;
	v14 =	vadd.s32 v9, v56;
	v13 =	vadd.s32 v55, v58  }
0x339: {  	[tilespmem:s22+$0x40] =	vst v19;
	v62 =	vsel vm13, v5, v0;
	v26 =	vsel vm14, v5, v0;
	vm15 =	vle.f32 v54, v16  }
0x33a: {  	[tilespmem:s22+$0x50] =	vst v23;
	v9 =	vadd.s32 v57, v60;
	v11 =	vadd.s32 v61, v26;
	v63 =	vsel vm15, v5, v0  }
0x33b: {  	s23 =	simm.s32 $0x0;
	s24 =	simm.s32 $0x12180;
	[tilespmem:s22+$0x60] =	vst v20;
	v16 =	vadd.s32 v12, v51;
	v12 =	vadd.s32 v59, v62;
	v10 =	vadd.s32 v24, v63  }
.LBB2_5:
0x33c: {  	v22 =	vld [tilespmem:s24+$0x70];
	s23 =	sadd.s32 $0x4, s23;
	v19 =	vshrl.u32 v7, $0x4;
	v18 =	vshrl.u32 v18, $0x4;
	v17 =	vshrl.u32 v17, $0x4  }
0x33d: {  	v16 =	vshrl.u32 v16, $0x4;
	v15 =	vshrl.u32 v15, $0x4;
	v20 =	vshrl.u32 v8, $0x4;
	v7 =	vld [tilespmem:s24+$0xFFFFFF90];
	p0 =	slt.u32 s23, $0x7C  }
0x33e: {  	v14 =	vshrl.u32 v14, $0x4;
	v29 =	vshrl.u32 v13, $0x4;
	v30 =	vshrl.u32 v9, $0x4;
	v8 =	vld [tilespmem:s24+$0xFFFFFFA0]  }
0x33f: {  	v31 =	vshrl.u32 v12, $0x4;
	v32 =	vshrl.u32 v11, $0x4;
	v33 =	vshrl.u32 v10, $0x4;
	v9 =	vld [tilespmem:s24+$0xFFFFFFB0]  }
0x340: {  	v12 =	vadd.s32 $0xFFFFF000, v19;
	v13 =	vadd.s32 $0xFFFFF000, v18;
	v17 =	vadd.s32 $0xFFFFF000, v17;
	v10 =	vld [tilespmem:s24+$0xFFFFFFC0]  }
0x341: {  	v16 =	vadd.s32 $0xFFFFF000, v16;
	v15 =	vadd.s32 $0xFFFFF000, v15;
	v11 =	vld [tilespmem:s24+$0xFFFFFFD0];
	vm0 =	vle.f32 v6, v22;
	[tilespmem:s22+$0xFFFFFF80] =	vst v12  }
0x342: {  	v23 =	vadd.s32 $0xFFFFF000, v20;
	vm1 =	vle.f32 v6, v7;
	v12 =	vld [tilespmem:s24+$0xFFFFFFE0];
	v18 =	vsel vm0, v2, v1;
	[tilespmem:s22+$0xFFFFFF90] =	vst v13  }
0x343: {  	v34 =	vsel vm1, v2, v1;
	vm2 =	vle.f32 v6, v8;
	v35 =	vsel vm1, v4, v3;
	v13 =	vld [tilespmem:s24+$0xFFFFFFF0];
	[tilespmem:s22+$0xFFFFFFA0] =	vst v17  }
0x344: {  	v36 =	vsel vm2, v2, v1;
	vm1 =	vle.f32 v6, v9;
	v28 =	vsel vm2, v4, v3;
	v19 =	vld [tilespmem:s24+$0x40];
	[tilespmem:s22+$0xFFFFFFB0] =	vst v16  }
0x345: {  	v37 =	vsel vm1, v2, v1;
	v25 =	vsel vm1, v4, v3;
	vm1 =	vle.f32 v6, v10;
	v20 =	vld [tilespmem:s24+$0x50];
	[tilespmem:s22+$0xFFFFFFC0] =	vst v15  }
0x346: {  	v38 =	vsel vm1, v2, v1;
	vm2 =	vle.f32 v6, v11;
	v26 =	vsel vm1, v4, v3;
	v21 =	vld [tilespmem:s24+$0x60];
	[tilespmem:s22+$0xFFFFFFD0] =	vst v23  }
0x347: {  	v39 =	vsel vm2, v2, v1;
	vm1 =	vle.f32 v6, v12;
	v27 =	vsel vm2, v4, v3;
	v40 =	vld.idx.msk [tilespmem:v18+s4+$0x0], $0xffff  }
0x348: {  	v41 =	vsel vm1, v2, v1;
	vm2 =	vle.f32 v6, v13;
	v24 =	vsel vm1, v4, v3;
	v15 =	vld [tilespmem:s24+$0x0]  }
0x349: {  	v17 =	vadd.s32 $0xFFFFF000, v14;
	v42 =	vsel vm2, v2, v1;
	v23 =	vsel vm2, v4, v3;
	v16 =	vld [tilespmem:s24+$0x10]  }
0x34a: {  	v18 =	vadd.s32 $0xFFFFF000, v29;
	v29 =	vadd.s32 $0xFFFFF000, v30;
	vm2 =	vle.f32 v6, v19;
	v14 =	vld [tilespmem:s24+$0x20];
	[tilespmem:s22+$0xFFFFFFE0] =	vst v17  }
0x34b: {  	v31 =	vadd.s32 $0xFFFFF000, v31;
	v30 =	vsel vm2, v2, v1;
	vm3 =	vle.f32 v6, v20;
	v17 =	vld [tilespmem:s24+$0x30];
	[tilespmem:s22+$0xFFFFFFF0] =	vst v18  }
0x34c: {  	v32 =	vadd.s32 $0xFFFFF000, v32;
	v43 =	vsel vm3, v2, v1;
	vm1 =	vle.f32 v6, v21;
	v18 =	vld [tilespmem:s24+$0xFFFFFF80];
	[tilespmem:s22+$0x0] =	vst v29  }
0x34d: {  	vm5 =	vle.f32 v40, v22;
	v29 =	vld.idx.msk [tilespmem:v34+s4+$0x0], $0xffff;
	vm4 =	vle.f32 v6, v15;
	v34 =	vsel vm1, v2, v1  }
0x34e: {  	v40 =	vsel vm0, v4, v3;
	v44 =	vsel vm5, v5, v0;
	v36 =	vld.idx.msk [tilespmem:v36+s4+$0x0], $0xffff;
	vm6 =	vle.f32 v6, v16  }
0x34f: {  	v45 =	vsel vm4, v2, v1;
	v40 =	vadd.s32 v40, v44;
	v37 =	vld.idx.msk [tilespmem:v37+s4+$0x0], $0xffff;
	vm0 =	vle.f32 v6, v14  }
0x350: {  	v44 =	vsel vm6, v2, v1;
	v46 =	vsel vm0, v2, v1;
	vm5 =	vle.f32 v6, v17;
	v30 =	vld.idx.msk [tilespmem:v30+s4+$0x0], $0xffff  }
0x351: {  	v48 =	vsel vm4, v4, v3;
	vm7 =	vle.f32 v6, v18;
	v47 =	vsel vm5, v2, v1;
	v43 =	vld.idx.msk [tilespmem:v43+s4+$0x0], $0xffff  }
0x352: {  	v51 =	vsel vm6, v4, v3;
	v49 =	vsel vm7, v2, v1;
	v50 =	vsel vm7, v4, v3;
	v34 =	vld.idx.msk [tilespmem:v34+s4+$0x0], $0xffff  }
0x353: {  	v52 =	vsel vm0, v4, v3;
	v53 =	vsel vm5, v4, v3;
	vm4 =	vle.f32 v29, v7;
	v38 =	vld.idx.msk [tilespmem:v38+s4+$0x0], $0xffff  }
0x354: {  	v29 =	vsel vm4, v5, v0;
	vm0 =	vle.f32 v36, v8;
	v36 =	vld.idx.msk [tilespmem:v40+s4+$0x0], $0xffff;
	[tilespmem:s22+$0x10] =	vst v31;
	v31 =	vadd.s32 $0xFFFFF000, v33  }
0x355: {  	v29 =	vadd.s32 v35, v29;
	v33 =	vsel vm0, v5, v0;
	vm0 =	vle.f32 v37, v9;
	v35 =	vld.idx.msk [tilespmem:v39+s4+$0x0], $0xffff  }
0x356: {  	v37 =	vsel vm0, v5, v0;
	vm0 =	vle.f32 v30, v19;
	v39 =	vld.idx.msk [tilespmem:v41+s4+$0x0], $0xffff;
	v41 =	vsel vm2, v4, v3  }
0x357: {  	v54 =	vsel vm3, v4, v3;
	v30 =	vld.idx.msk [tilespmem:v49+s4+$0x0], $0xffff;
	v49 =	vsel vm0, v5, v0;
	vm0 =	vle.f32 v43, v20  }
0x358: {  	v42 =	vld.idx.msk [tilespmem:v42+s4+$0x0], $0xffff;
	v41 =	vadd.s32 v41, v49;
	v43 =	vsel vm0, v5, v0;
	vm0 =	vle.f32 v34, v21  }
0x359: {  	v34 =	vld.idx.msk [tilespmem:v45+s4+$0x0], $0xffff;
	v43 =	vadd.s32 v54, v43;
	v45 =	vsel vm1, v4, v3;
	v49 =	vsel vm0, v5, v0  }
0x35a: {  	vm0 =	vle.f32 v38, v10;
	vm1 =	vle.f32 v36, v22;
	v38 =	vld.idx.msk [tilespmem:v44+s4+$0x0], $0xffff;
	v44 =	vadd.s32 v45, v49  }
0x35b: {  	v36 =	vshll.u32 v40, $0x1;
	vm2 =	vle.f32 v35, v11;
	v40 =	vsel vm1, v5, v0;
	v35 =	vld.idx.msk [tilespmem:v46+s4+$0x0], $0xffff;
	[tilespmem:s22+$0x20] =	vst v32  }
0x35c: {  	v32 =	vsel vm0, v5, v0;
	vm0 =	vle.f32 v39, v12;
	v36 =	vadd.s32 v36, v40;
	v39 =	vld.idx.msk [tilespmem:v47+s4+$0x0], $0xffff  }
0x35d: {  	vm1 =	vle.f32 v30, v18;
	v30 =	vsel vm2, v5, v0;
	v40 =	vsel vm0, v5, v0;
	v45 =	vld.idx.msk [tilespmem:v41+s4+$0x0], $0xffff  }
0x35e: {  	v28 =	vadd.s32 v28, v33;
	v46 =	vsel vm1, v5, v0;
	vm0 =	vle.f32 v42, v13;
	v33 =	vld.idx.msk [tilespmem:v43+s4+$0x0], $0xffff  }
0x35f: {  	v42 =	vadd.s32 v50, v46;
	v46 =	vsel vm0, v5, v0;
	vm0 =	vle.f32 v34, v15;
	v34 =	vld.idx.msk [tilespmem:v44+s4+$0x0], $0xffff  }
0x360: {  	v25 =	vadd.s32 v25, v37;
	v47 =	vsel vm0, v5, v0;
	vm0 =	vle.f32 v38, v16;
	v37 =	vld.idx.msk [tilespmem:v29+s4+$0x0], $0xffff  }
0x361: {  	v26 =	vadd.s32 v26, v32;
	v32 =	vsel vm0, v5, v0;
	vm0 =	vle.f32 v35, v14;
	v35 =	vld.idx.msk [tilespmem:v36+s4+$0x0], $0xffff  }
0x362: {  	v27 =	vadd.s32 v27, v30;
	v30 =	vsel vm0, v5, v0;
	vm0 =	vle.f32 v39, v17;
	[tilespmem:s22+$0x30] =	vst v31  }
0x363: {  	v39 =	vshll.u32 v41, $0x1;
	v38 =	vsel vm0, v5, v0;
	vm0 =	vle.f32 v45, v19;
	v31 =	vld.idx.msk [tilespmem:v28+s4+$0x0], $0xffff  }
0x364: {  	v43 =	vshll.u32 v43, $0x1;
	v45 =	vsel vm0, v5, v0;
	vm0 =	vle.f32 v33, v20;
	v41 =	vld.idx.msk [tilespmem:v42+s4+$0x0], $0xffff  }
0x365: {  	v39 =	vadd.s32 v39, v45;
	v45 =	vsel vm0, v5, v0;
	vm0 =	vle.f32 v34, v21;
	v33 =	vld.idx.msk [tilespmem:v25+s4+$0x0], $0xffff  }
0x366: {  	v44 =	vshll.u32 v44, $0x1;
	v43 =	vadd.s32 v43, v45;
	v45 =	vsel vm0, v5, v0;
	v34 =	vld.idx.msk [tilespmem:v26+s4+$0x0], $0xffff  }
0x367: {  	v24 =	vadd.s32 v24, v40;
	v44 =	vadd.s32 v44, v45;
	vm0 =	vle.f32 v35, v22;
	v40 =	vld.idx.msk [tilespmem:v27+s4+$0x0], $0xffff  }
0x368: {  	v23 =	vadd.s32 v23, v46;
	v35 =	vshll.u32 v36, $0x1;
	v36 =	vsel vm0, v5, v0  }
0x369: {  	v32 =	vadd.s32 v51, v32;
	v45 =	vadd.s32 v48, v47;
	v35 =	vadd.s32 v35, v36  }
0x36a: {  	v30 =	vadd.s32 v52, v30;
	v36 =	vadd.s32 v53, v38;
	vm0 =	vle.f32 v41, v18;
	v38 =	vld.idx.msk [tilespmem:v39+s4+$0x0], $0xffff  }
0x36b: {  	vm1 =	vle.f32 v37, v7;
	vm2 =	vle.f32 v31, v8;
	vm3 =	vle.f32 v33, v9;
	v31 =	vld.idx.msk [tilespmem:v43+s4+$0x0], $0xffff  }
0x36c: {  	v37 =	vsel vm1, v5, v0;
	v33 =	vsel vm0, v5, v0;
	vm0 =	vle.f32 v34, v10;
	v34 =	vld.idx.msk [tilespmem:v44+s4+$0x0], $0xffff  }
0x36d: {  	v41 =	vsel vm2, v5, v0;
	v46 =	vsel vm3, v5, v0;
	vm1 =	vle.f32 v40, v11;
	v47 =	vld.idx.msk [tilespmem:v24+s4+$0x0], $0xffff  }
0x36e: {  	v40 =	vshll.u32 v42, $0x1;
	v42 =	vsel vm0, v5, v0;
	v48 =	vsel vm1, v5, v0;
	v49 =	vld.idx.msk [tilespmem:v35+s4+$0x0], $0xffff  }
0x36f: {  	v29 =	vshll.u32 v29, $0x1;
	v28 =	vshll.u32 v28, $0x1;
	v25 =	vshll.u32 v25, $0x1;
	v50 =	vld.idx.msk [tilespmem:v23+s4+$0x0], $0xffff  }
0x370: {  	v26 =	vshll.u32 v26, $0x1;
	v39 =	vshll.u32 v39, $0x1;
	vm0 =	vle.f32 v38, v19;
	v51 =	vld.idx.msk [tilespmem:v45+s4+$0x0], $0xffff  }
0x371: {  	v43 =	vshll.u32 v43, $0x1;
	v52 =	vsel vm0, v5, v0;
	vm0 =	vle.f32 v31, v20;
	v38 =	vld.idx.msk [tilespmem:v32+s4+$0x0], $0xffff  }
0x372: {  	v39 =	vadd.s32 v39, v52;
	v52 =	vsel vm0, v5, v0;
	vm0 =	vle.f32 v34, v21;
	v31 =	vld.idx.msk [tilespmem:v30+s4+$0x0], $0xffff  }
0x373: {  	v44 =	vshll.u32 v44, $0x1;
	v43 =	vadd.s32 v43, v52;
	v52 =	vsel vm0, v5, v0;
	v34 =	vld.idx.msk [tilespmem:v36+s4+$0x0], $0xffff  }
0x374: {  	vm0 =	vle.f32 v47, v12;
	v44 =	vadd.s32 v44, v52;
	vm1 =	vle.f32 v49, v22  }
0x375: {  	v35 =	vshll.u32 v35, $0x1;
	vm2 =	vle.f32 v50, v13;
	v47 =	vsel vm1, v5, v0  }
0x376: {  	v49 =	vsel vm0, v5, v0;
	vm0 =	vle.f32 v51, v15;
	v35 =	vadd.s32 v35, v47  }
0x377: {  	v47 =	vsel vm2, v5, v0;
	v50 =	vsel vm0, v5, v0;
	vm0 =	vle.f32 v38, v16;
	v38 =	vld.idx.msk [tilespmem:v39+s4+$0x0], $0xffff  }
0x378: {  	v27 =	vshll.u32 v27, $0x1;
	v51 =	vsel vm0, v5, v0;
	vm0 =	vle.f32 v31, v14;
	v31 =	vld.idx.msk [tilespmem:v43+s4+$0x0], $0xffff  }
0x379: {  	v24 =	vshll.u32 v24, $0x1;
	v52 =	vsel vm0, v5, v0;
	vm0 =	vle.f32 v34, v17;
	v34 =	vld.idx.msk [tilespmem:v44+s4+$0x0], $0xffff  }
0x37a: {  	v23 =	vshll.u32 v23, $0x1;
	v45 =	vshll.u32 v45, $0x1;
	v53 =	vsel vm0, v5, v0  }
0x37b: {  	v32 =	vshll.u32 v32, $0x1;
	v30 =	vshll.u32 v30, $0x1;
	v36 =	vshll.u32 v36, $0x1;
	v54 =	vld.idx.msk [tilespmem:v35+s4+$0x0], $0xffff  }
0x37c: {  	v29 =	vadd.s32 v29, v37;
	v28 =	vadd.s32 v28, v41;
	v33 =	vadd.s32 v40, v33  }
0x37d: {  	v25 =	vadd.s32 v25, v46;
	v37 =	vshll.u32 v39, $0x1;
	vm0 =	vle.f32 v38, v19  }
0x37e: {  	v39 =	vshll.u32 v43, $0x1;
	v38 =	vsel vm0, v5, v0;
	vm0 =	vle.f32 v31, v20  }
0x37f: {  	v31 =	vadd.s32 v37, v38;
	v37 =	vsel vm0, v5, v0;
	vm0 =	vle.f32 v34, v21  }
0x380: {  	v34 =	vadd.s32 v39, v37;
	v37 =	vshll.u32 v44, $0x1;
	v38 =	vsel vm0, v5, v0  }
0x381: {  	v26 =	vadd.s32 v26, v42;
	v37 =	vadd.s32 v37, v38;
	vm0 =	vle.f32 v54, v22;
	v39 =	vld.idx.msk [tilespmem:v33+s4+$0x0], $0xffff  }
0x382: {  	v27 =	vadd.s32 v27, v48;
	v35 =	vshll.u32 v35, $0x1;
	v40 =	vsel vm0, v5, v0;
	v38 =	vld.idx.msk [tilespmem:v29+s4+$0x0], $0xffff  }
0x383: {  	v24 =	vadd.s32 v24, v49;
	v23 =	vadd.s32 v23, v47;
	v35 =	vadd.s32 v35, v40;
	v41 =	vld.idx.msk [tilespmem:v28+s4+$0x0], $0xffff  }
0x384: {  	v32 =	vadd.s32 v32, v51;
	v30 =	vadd.s32 v30, v52;
	v40 =	vadd.s32 v45, v50;
	v42 =	vld.idx.msk [tilespmem:v31+s4+$0x0], $0xffff  }
0x385: {  	v36 =	vadd.s32 v36, v53;
	v33 =	vshll.u32 v33, $0x1;
	v29 =	vshll.u32 v29, $0x1;
	v43 =	vld.idx.msk [tilespmem:v34+s4+$0x0], $0xffff  }
0x386: {  	v44 =	vshll.u32 v25, $0x1;
	v45 =	vshll.u32 v26, $0x1;
	v28 =	vshll.u32 v28, $0x1;
	v46 =	vld.idx.msk [tilespmem:v37+s4+$0x0], $0xffff  }
0x387: {  	v47 =	vshll.u32 v24, $0x1;
	vm0 =	vle.f32 v39, v18;
	v39 =	vshll.u32 v27, $0x1;
	v25 =	vld.idx.msk [tilespmem:v25+s4+$0x0], $0xffff  }
0x388: {  	v48 =	vsel vm0, v5, v0;
	vm0 =	vle.f32 v38, v7;
	v38 =	vshll.u32 v23, $0x1;
	v49 =	vld.idx.msk [tilespmem:v35+s4+$0x0], $0xffff  }
0x389: {  	v50 =	vsel vm0, v5, v0;
	vm0 =	vle.f32 v41, v8;
	v41 =	vshll.u32 v40, $0x1;
	v26 =	vld.idx.msk [tilespmem:v26+s4+$0x0], $0xffff  }
0x38a: {  	v31 =	vshll.u32 v31, $0x1;
	v51 =	vsel vm0, v5, v0;
	vm0 =	vle.f32 v42, v19;
	v27 =	vld.idx.msk [tilespmem:v27+s4+$0x0], $0xffff  }
0x38b: {  	v34 =	vshll.u32 v34, $0x1;
	v42 =	vsel vm0, v5, v0;
	vm0 =	vle.f32 v43, v20;
	v24 =	vld.idx.msk [tilespmem:v24+s4+$0x0], $0xffff  }
0x38c: {  	v31 =	vadd.s32 v31, v42;
	v42 =	vsel vm0, v5, v0;
	vm0 =	vle.f32 v46, v21;
	v23 =	vld.idx.msk [tilespmem:v23+s4+$0x0], $0xffff  }
0x38d: {  	v37 =	vshll.u32 v37, $0x1;
	v34 =	vadd.s32 v34, v42;
	v42 =	vsel vm0, v5, v0;
	v40 =	vld.idx.msk [tilespmem:v40+s4+$0x0], $0xffff  }
0x38e: {  	vm0 =	vle.f32 v25, v9;
	v37 =	vadd.s32 v37, v42;
	vm1 =	vle.f32 v49, v22;
	v25 =	vld.idx.msk [tilespmem:v32+s4+$0x0], $0xffff  }
0x38f: {  	v35 =	vshll.u32 v35, $0x1;
	vm2 =	vle.f32 v26, v10;
	v42 =	vsel vm1, v5, v0;
	v26 =	vld.idx.msk [tilespmem:v30+s4+$0x0], $0xffff  }
0x390: {  	v43 =	vsel vm0, v5, v0;
	vm0 =	vle.f32 v27, v11;
	v35 =	vadd.s32 v35, v42;
	v27 =	vld.idx.msk [tilespmem:v36+s4+$0x0], $0xffff  }
0x391: {  	v42 =	vsel vm2, v5, v0;
	v46 =	vsel vm0, v5, v0;
	vm0 =	vle.f32 v24, v12;
	v24 =	vld.idx.msk [tilespmem:v31+s4+$0x0], $0xffff  }
0x392: {  	v49 =	vsel vm0, v5, v0;
	vm0 =	vle.f32 v23, v13;
	v23 =	vshll.u32 v32, $0x1;
	v32 =	vld.idx.msk [tilespmem:v34+s4+$0x0], $0xffff  }
0x393: {  	v30 =	vshll.u32 v30, $0x1;
	v52 =	vsel vm0, v5, v0;
	vm0 =	vle.f32 v40, v15;
	v40 =	vld.idx.msk [tilespmem:v37+s4+$0x0], $0xffff  }
0x394: {  	v53 =	vsel vm0, v5, v0;
	vm0 =	vle.f32 v25, v16;
	v25 =	vshll.u32 v36, $0x1  }
0x395: {  	v33 =	vadd.s32 v33, v48;
	v36 =	vsel vm0, v5, v0;
	vm0 =	vle.f32 v26, v14;
	v26 =	vld.idx.msk [tilespmem:v35+s4+$0x0], $0xffff  }
0x396: {  	v29 =	vadd.s32 v29, v50;
	v48 =	vsel vm0, v5, v0;
	vm0 =	vle.f32 v27, v17  }
0x397: {  	v31 =	vshll.u32 v31, $0x1;
	v27 =	vsel vm0, v5, v0;
	vm0 =	vle.f32 v24, v19  }
0x398: {  	v34 =	vshll.u32 v34, $0x1;
	v24 =	vsel vm0, v5, v0;
	vm0 =	vle.f32 v32, v20  }
0x399: {  	v24 =	vadd.s32 v31, v24;
	v31 =	vsel vm0, v5, v0;
	vm0 =	vle.f32 v40, v21  }
0x39a: {  	v31 =	vadd.s32 v34, v31;
	v34 =	vshll.u32 v37, $0x1;
	v37 =	vsel vm0, v5, v0;
	v32 =	vld.idx.msk [tilespmem:v33+s4+$0x0], $0xffff  }
0x39b: {  	v28 =	vadd.s32 v28, v51;
	v34 =	vadd.s32 v34, v37;
	vm0 =	vle.f32 v26, v22;
	v40 =	vld.idx.msk [tilespmem:v29+s4+$0x0], $0xffff  }
0x39c: {  	v35 =	vshll.u32 v35, $0x1;
	v26 =	vadd.s32 v44, v43;
	v37 =	vsel vm0, v5, v0  }
0x39d: {  	v42 =	vadd.s32 v45, v42;
	v39 =	vadd.s32 v39, v46;
	v35 =	vadd.s32 v35, v37  }
0x39e: {  	v38 =	vadd.s32 v38, v52;
	v41 =	vadd.s32 v41, v53;
	v37 =	vadd.s32 v47, v49;
	v43 =	vld.idx.msk [tilespmem:v24+s4+$0x0], $0xffff  }
0x39f: {  	v23 =	vadd.s32 v23, v36;
	v30 =	vadd.s32 v30, v48;
	v25 =	vadd.s32 v25, v27;
	v27 =	vld.idx.msk [tilespmem:v31+s4+$0x0], $0xffff  }
0x3a0: {  	v33 =	vshll.u32 v33, $0x1;
	v29 =	vshll.u32 v29, $0x1;
	vm0 =	vle.f32 v32, v18;
	v32 =	vld.idx.msk [tilespmem:v34+s4+$0x0], $0xffff  }
0x3a1: {  	v44 =	vsel vm0, v5, v0;
	vm0 =	vle.f32 v40, v7;
	v36 =	vld.idx.msk [tilespmem:v28+s4+$0x0], $0xffff;
	v28 =	vshll.u32 v28, $0x1  }
0x3a2: {  	v46 =	vshll.u32 v42, $0x1;
	v45 =	vshll.u32 v26, $0x1;
	v40 =	vsel vm0, v5, v0;
	v47 =	vld.idx.msk [tilespmem:v35+s4+$0x0], $0xffff  }
0x3a3: {  	v50 =	vshll.u32 v38, $0x1;
	v48 =	vshll.u32 v39, $0x1;
	v49 =	vshll.u32 v37, $0x1;
	v26 =	vld.idx.msk [tilespmem:v26+s4+$0x0], $0xffff  }
0x3a4: {  	v51 =	vshll.u32 v41, $0x1;
	v24 =	vshll.u32 v24, $0x1;
	vm0 =	vle.f32 v43, v19;
	v42 =	vld.idx.msk [tilespmem:v42+s4+$0x0], $0xffff  }
0x3a5: {  	v31 =	vshll.u32 v31, $0x1;
	v43 =	vsel vm0, v5, v0;
	vm0 =	vle.f32 v27, v20;
	v39 =	vld.idx.msk [tilespmem:v39+s4+$0x0], $0xffff  }
0x3a6: {  	v24 =	vadd.s32 v24, v43;
	v27 =	vld.idx.msk [tilespmem:v37+s4+$0x0], $0xffff;
	v37 =	vsel vm0, v5, v0;
	vm0 =	vle.f32 v32, v21  }
0x3a7: {  	v34 =	vshll.u32 v34, $0x1;
	v32 =	vld.idx.msk [tilespmem:v38+s4+$0x0], $0xffff;
	v31 =	vadd.s32 v31, v37;
	v37 =	vsel vm0, v5, v0  }
0x3a8: {  	vm0 =	vle.f32 v36, v8;
	vm1 =	vle.f32 v47, v22;
	v36 =	vld.idx.msk [tilespmem:v41+s4+$0x0], $0xffff;
	v34 =	vadd.s32 v34, v37  }
0x3a9: {  	v35 =	vshll.u32 v35, $0x1;
	vm2 =	vle.f32 v26, v9;
	v37 =	vsel vm1, v5, v0;
	v26 =	vld.idx.msk [tilespmem:v23+s4+$0x0], $0xffff  }
0x3aa: {  	v38 =	vsel vm0, v5, v0;
	vm0 =	vle.f32 v42, v10;
	v35 =	vadd.s32 v35, v37;
	v41 =	vld.idx.msk [tilespmem:v30+s4+$0x0], $0xffff  }
0x3ab: {  	v37 =	vsel vm2, v5, v0;
	v42 =	vsel vm0, v5, v0;
	vm0 =	vle.f32 v39, v11;
	v39 =	vld.idx.msk [tilespmem:v24+s4+$0x0], $0xffff  }
0x3ac: {  	v23 =	vshll.u32 v23, $0x1;
	v43 =	vsel vm0, v5, v0;
	vm0 =	vle.f32 v27, v12;
	v27 =	vld.idx.msk [tilespmem:v31+s4+$0x0], $0xffff  }
0x3ad: {  	v30 =	vshll.u32 v30, $0x1;
	v47 =	vsel vm0, v5, v0;
	vm0 =	vle.f32 v32, v13;
	v32 =	vld.idx.msk [tilespmem:v34+s4+$0x0], $0xffff  }
0x3ae: {  	v52 =	vsel vm0, v5, v0;
	vm0 =	vle.f32 v36, v15;
	v53 =	vld.idx.msk [tilespmem:v25+s4+$0x0], $0xffff;
	v25 =	vshll.u32 v25, $0x1  }
0x3af: {  	v33 =	vadd.s32 v33, v44;
	v36 =	vsel vm0, v5, v0;
	vm0 =	vle.f32 v26, v16;
	v26 =	vld.idx.msk [tilespmem:v35+s4+$0x0], $0xffff  }
0x3b0: {  	v29 =	vadd.s32 v29, v40;
	v40 =	vsel vm0, v5, v0;
	vm0 =	vle.f32 v41, v14  }
0x3b1: {  	v24 =	vshll.u32 v24, $0x1;
	v41 =	vsel vm0, v5, v0;
	vm0 =	vle.f32 v39, v19  }
0x3b2: {  	v31 =	vshll.u32 v31, $0x1;
	v39 =	vsel vm0, v5, v0;
	vm0 =	vle.f32 v27, v20  }
0x3b3: {  	v24 =	vadd.s32 v24, v39;
	v27 =	vsel vm0, v5, v0;
	vm0 =	vle.f32 v32, v21  }
0x3b4: {  	v27 =	vadd.s32 v31, v27;
	v31 =	vshll.u32 v34, $0x1;
	v34 =	vsel vm0, v5, v0;
	v32 =	vld.idx.msk [tilespmem:v33+s4+$0x0], $0xffff  }
0x3b5: {  	vm0 =	vle.f32 v53, v17;
	v31 =	vadd.s32 v31, v34;
	vm1 =	vle.f32 v26, v22;
	v39 =	vld.idx.msk [tilespmem:v29+s4+$0x0], $0xffff  }
0x3b6: {  	v26 =	vsel vm0, v5, v0;
	v34 =	vshll.u32 v35, $0x1;
	v35 =	vsel vm1, v5, v0  }
0x3b7: {  	v28 =	vadd.s32 v28, v38;
	v37 =	vadd.s32 v45, v37;
	v34 =	vadd.s32 v34, v35  }
0x3b8: {  	v38 =	vadd.s32 v48, v43;
	v35 =	vadd.s32 v46, v42;
	v42 =	vadd.s32 v49, v47;
	v43 =	vld.idx.msk [tilespmem:v24+s4+$0x0], $0xffff  }
0x3b9: {  	v44 =	vadd.s32 v50, v52;
	v36 =	vadd.s32 v51, v36;
	v23 =	vadd.s32 v23, v40;
	v40 =	vld.idx.msk [tilespmem:v27+s4+$0x0], $0xffff  }
0x3ba: {  	v30 =	vadd.s32 v30, v41;
	v25 =	vadd.s32 v25, v26;
	vm0 =	vle.f32 v32, v18;
	v26 =	vld.idx.msk [tilespmem:v31+s4+$0x0], $0xffff  }
0x3bb: {  	v32 =	vshll.u32 v33, $0x1;
	v33 =	vsel vm0, v5, v0;
	vm0 =	vle.f32 v39, v7  }
0x3bc: {  	v41 =	vshll.u32 v28, $0x1;
	v29 =	vshll.u32 v29, $0x1;
	v39 =	vsel vm0, v5, v0;
	v45 =	vld.idx.msk [tilespmem:v34+s4+$0x0], $0xffff  }
0x3bd: {  	v48 =	vshll.u32 v38, $0x1;
	v46 =	vshll.u32 v37, $0x1;
	v47 =	vshll.u32 v35, $0x1;
	v28 =	vld.idx.msk [tilespmem:v28+s4+$0x0], $0xffff  }
0x3be: {  	v49 =	vshll.u32 v42, $0x1;
	v24 =	vshll.u32 v24, $0x1;
	vm0 =	vle.f32 v43, v19;
	v37 =	vld.idx.msk [tilespmem:v37+s4+$0x0], $0xffff  }
0x3bf: {  	v27 =	vshll.u32 v27, $0x1;
	v43 =	vsel vm0, v5, v0;
	vm0 =	vle.f32 v40, v20;
	v35 =	vld.idx.msk [tilespmem:v35+s4+$0x0], $0xffff  }
0x3c0: {  	v24 =	vadd.s32 v24, v43;
	v40 =	vsel vm0, v5, v0;
	vm0 =	vle.f32 v26, v21;
	v38 =	vld.idx.msk [tilespmem:v38+s4+$0x0], $0xffff  }
0x3c1: {  	v31 =	vshll.u32 v31, $0x1;
	v27 =	vadd.s32 v27, v40;
	v40 =	vsel vm0, v5, v0;
	v26 =	vld.idx.msk [tilespmem:v42+s4+$0x0], $0xffff  }
0x3c2: {  	v43 =	vshll.u32 v44, $0x1;
	v31 =	vadd.s32 v31, v40;
	vm0 =	vle.f32 v45, v22;
	v42 =	vld.idx.msk [tilespmem:v44+s4+$0x0], $0xffff  }
0x3c3: {  	v34 =	vshll.u32 v34, $0x1;
	vm1 =	vle.f32 v28, v8;
	v40 =	vsel vm0, v5, v0;
	v28 =	vld.idx.msk [tilespmem:v36+s4+$0x0], $0xffff  }
0x3c4: {  	v44 =	vsel vm1, v5, v0;
	vm0 =	vle.f32 v37, v9;
	v34 =	vadd.s32 v34, v40;
	v37 =	vld.idx.msk [tilespmem:v23+s4+$0x0], $0xffff  }
0x3c5: {  	v40 =	vsel vm0, v5, v0;
	vm0 =	vle.f32 v35, v10;
	v35 =	vshll.u32 v36, $0x1;
	v36 =	vld.idx.msk [tilespmem:v24+s4+$0x0], $0xffff  }
0x3c6: {  	v45 =	vsel vm0, v5, v0;
	vm0 =	vle.f32 v38, v11;
	v38 =	vshll.u32 v23, $0x1;
	v23 =	vld.idx.msk [tilespmem:v27+s4+$0x0], $0xffff  }
0x3c7: {  	v50 =	vsel vm0, v5, v0;
	vm0 =	vle.f32 v26, v12;
	v26 =	vshll.u32 v30, $0x1;
	v51 =	vld.idx.msk [tilespmem:v31+s4+$0x0], $0xffff  }
0x3c8: {  	v52 =	vsel vm0, v5, v0;
	vm0 =	vle.f32 v42, v13;
	v42 =	vshll.u32 v25, $0x1;
	v30 =	vld.idx.msk [tilespmem:v30+s4+$0x0], $0xffff  }
0x3c9: {  	v32 =	vadd.s32 v32, v33;
	v33 =	vsel vm0, v5, v0;
	vm0 =	vle.f32 v28, v15;
	v28 =	vld.idx.msk [tilespmem:v34+s4+$0x0], $0xffff  }
0x3ca: {  	v29 =	vadd.s32 v29, v39;
	v53 =	vsel vm0, v5, v0;
	vm0 =	vle.f32 v37, v16;
	v39 =	vld.idx.msk [tilespmem:v25+s4+$0x0], $0xffff  }
0x3cb: {  	v24 =	vshll.u32 v24, $0x1;
	v37 =	vsel vm0, v5, v0;
	vm0 =	vle.f32 v36, v19  }
0x3cc: {  	v27 =	vshll.u32 v27, $0x1;
	v25 =	vsel vm0, v5, v0;
	vm0 =	vle.f32 v23, v20  }
0x3cd: {  	v23 =	vadd.s32 v24, v25;
	v24 =	vsel vm0, v5, v0;
	vm0 =	vle.f32 v51, v21  }
0x3ce: {  	v25 =	vshll.u32 v31, $0x1;
	v24 =	vadd.s32 v27, v24;
	v27 =	vsel vm0, v5, v0;
	v36 =	vld.idx.msk [tilespmem:v32+s4+$0x0], $0xffff  }
0x3cf: {  	vm0 =	vle.f32 v30, v14;
	v25 =	vadd.s32 v25, v27;
	vm1 =	vle.f32 v28, v22;
	v31 =	vld.idx.msk [tilespmem:v29+s4+$0x0], $0xffff  }
0x3d0: {  	v22 =	vshll.u32 v34, $0x1;
	vm2 =	vle.f32 v39, v17;
	v27 =	vsel vm1, v5, v0  }
0x3d1: {  	v28 =	vsel vm0, v5, v0;
	v30 =	vsel vm2, v5, v0;
	v22 =	vadd.s32 v22, v27  }
0x3d2: {  	v34 =	vadd.s32 v46, v40;
	v27 =	vadd.s32 v41, v44;
	v22 =	vshrl.u32 v22, $0x4;
	v39 =	vld.idx.msk [tilespmem:v23+s4+$0x0], $0xffff  }
0x3d3: {  	s22 =	sadd.s32 $0x100, s22;
	v40 =	vadd.s32 v47, v45;
	v41 =	vadd.s32 v48, v50;
	v22 =	vadd.s32 $0xFFFFF000, v22;
	v44 =	vld.idx.msk [tilespmem:v24+s4+$0x0], $0xffff  }
0x3d4: {  	v33 =	vadd.s32 v43, v33;
	v32 =	vshll.u32 v32, $0x1;
	v45 =	vadd.s32 v49, v52;
	v43 =	vld.idx.msk [tilespmem:v25+s4+$0x0], $0xffff;
	[tilespmem:s22+$0x70] =	vst v22  }
0x3d5: {  	v26 =	vadd.s32 v26, v28;
	v22 =	vadd.s32 v35, v53;
	v35 =	vadd.s32 v38, v37  }
0x3d6: {  	v28 =	vadd.s32 v42, v30;
	vm0 =	vle.f32 v36, v18;
	vm1 =	vle.f32 v31, v7  }
0x3d7: {  	v29 =	vshll.u32 v29, $0x1;
	v31 =	vsel vm0, v5, v0;
	v36 =	vsel vm1, v5, v0;
	v30 =	vld.idx.msk [tilespmem:v27+s4+$0x0], $0xffff  }
0x3d8: {  	v38 =	vshll.u32 v40, $0x1;
	v27 =	vshll.u32 v27, $0x1;
	v37 =	vld.idx.msk [tilespmem:v34+s4+$0x0], $0xffff;
	v34 =	vshll.u32 v34, $0x1  }
0x3d9: {  	v47 =	vshll.u32 v33, $0x1;
	v46 =	vshll.u32 v45, $0x1;
	v42 =	vshll.u32 v41, $0x1;
	v40 =	vld.idx.msk [tilespmem:v40+s4+$0x0], $0xffff  }
0x3da: {  	v50 =	vshll.u32 v26, $0x1;
	v48 =	vshll.u32 v22, $0x1;
	v49 =	vshll.u32 v35, $0x1;
	v41 =	vld.idx.msk [tilespmem:v41+s4+$0x0], $0xffff  }
0x3db: {  	v31 =	vadd.s32 v32, v31;
	v29 =	vadd.s32 v29, v36;
	v36 =	vshll.u32 v28, $0x1;
	v32 =	vld.idx.msk [tilespmem:v45+s4+$0x0], $0xffff  }
0x3dc: {  	v51 =	vshll.u32 v29, $0x1;
	vm2 =	vle.f32 v39, v19;
	v45 =	vshll.u32 v31, $0x1;
	v33 =	vld.idx.msk [tilespmem:v33+s4+$0x0], $0xffff  }
0x3dd: {  	vm0 =	vle.f32 v44, v20;
	vm1 =	vle.f32 v43, v21;
	vm3 =	vle.f32 v30, v8;
	v22 =	vld.idx.msk [tilespmem:v22+s4+$0x0], $0xffff  }
0x3de: {  	v19 =	vsel vm2, v5, v0;
	v20 =	vsel vm3, v5, v0;
	vm3 =	vle.f32 v37, v9;
	v21 =	vld.idx.msk [tilespmem:v35+s4+$0x0], $0xffff  }
0x3df: {  	v20 =	vadd.s32 v27, v20;
	v27 =	vsel vm3, v5, v0;
	vm2 =	vle.f32 v40, v10;
	v26 =	vld.idx.msk [tilespmem:v26+s4+$0x0], $0xffff  }
0x3e0: {  	v27 =	vadd.s32 v34, v27;
	v30 =	vsel vm2, v5, v0;
	vm2 =	vle.f32 v41, v11;
	v28 =	vld.idx.msk [tilespmem:v28+s4+$0x0], $0xffff  }
0x3e1: {  	v30 =	vadd.s32 v38, v30;
	v34 =	vsel vm2, v5, v0;
	vm2 =	vle.f32 v32, v12;
	v31 =	vld.idx.msk [tilespmem:v31+s4+$0x0], $0xffff  }
0x3e2: {  	v32 =	vadd.s32 v42, v34;
	v34 =	vsel vm2, v5, v0;
	vm2 =	vle.f32 v33, v13;
	v29 =	vld.idx.msk [tilespmem:v29+s4+$0x0], $0xffff  }
0x3e3: {  	v33 =	vadd.s32 v46, v34;
	v34 =	vsel vm2, v5, v0;
	vm2 =	vle.f32 v22, v15  }
0x3e4: {  	v34 =	vadd.s32 v47, v34;
	v35 =	vsel vm2, v5, v0;
	vm2 =	vle.f32 v21, v16;
	v22 =	vld.idx.msk [tilespmem:v20+s4+$0x0], $0xffff  }
0x3e5: {  	v35 =	vadd.s32 v48, v35;
	v37 =	vsel vm2, v5, v0;
	vm2 =	vle.f32 v26, v14;
	v21 =	vld.idx.msk [tilespmem:v27+s4+$0x0], $0xffff  }
0x3e6: {  	v37 =	vadd.s32 v49, v37;
	v38 =	vsel vm2, v5, v0;
	vm2 =	vle.f32 v28, v17;
	v26 =	vld.idx.msk [tilespmem:v30+s4+$0x0], $0xffff  }
0x3e7: {  	vm3 =	vle.f32 v31, v18;
	v31 =	vadd.s32 v50, v38;
	v38 =	vsel vm2, v5, v0;
	v28 =	vld.idx.msk [tilespmem:v32+s4+$0x0], $0xffff  }
0x3e8: {  	v39 =	vsel vm3, v5, v0;
	vm2 =	vle.f32 v29, v7;
	v36 =	vadd.s32 v36, v38;
	v29 =	vld.idx.msk [tilespmem:v33+s4+$0x0], $0xffff  }
0x3e9: {  	v20 =	vshll.u32 v20, $0x1;
	v27 =	vshll.u32 v27, $0x1;
	v38 =	vsel vm2, v5, v0;
	v40 =	vld.idx.msk [tilespmem:v34+s4+$0x0], $0xffff  }
0x3ea: {  	vm2 =	vle.f32 v22, v8;
	v22 =	vshll.u32 v30, $0x1;
	v30 =	vshll.u32 v32, $0x1;
	v32 =	vld.idx.msk [tilespmem:v35+s4+$0x0], $0xffff  }
0x3eb: {  	v41 =	vsel vm2, v5, v0;
	vm2 =	vle.f32 v21, v9;
	v21 =	vshll.u32 v33, $0x1;
	v33 =	vld.idx.msk [tilespmem:v37+s4+$0x0], $0xffff  }
0x3ec: {  	v42 =	vsel vm2, v5, v0;
	vm2 =	vle.f32 v26, v10;
	v26 =	vshll.u32 v34, $0x1;
	v34 =	vld.idx.msk [tilespmem:v31+s4+$0x0], $0xffff  }
0x3ed: {  	v35 =	vshll.u32 v35, $0x1;
	v43 =	vsel vm2, v5, v0;
	vm2 =	vle.f32 v28, v11;
	v28 =	vld.idx.msk [tilespmem:v36+s4+$0x0], $0xffff  }
0x3ee: {  	v44 =	vsel vm2, v5, v0;
	vm2 =	vle.f32 v29, v12;
	v29 =	vshll.u32 v37, $0x1  }
0x3ef: {  	v31 =	vshll.u32 v31, $0x1;
	v37 =	vsel vm2, v5, v0;
	vm2 =	vle.f32 v40, v13  }
0x3f0: {  	v40 =	vsel vm2, v5, v0;
	vm2 =	vle.f32 v32, v15;
	v32 =	vshll.u32 v36, $0x1  }
0x3f1: {  	v36 =	vadd.s32 v45, v39;
	v39 =	vsel vm2, v5, v0;
	vm2 =	vle.f32 v33, v16  }
0x3f2: {  	v33 =	vadd.s32 v51, v38;
	v38 =	vsel vm2, v5, v0;
	vm2 =	vle.f32 v34, v14  }
0x3f3: {  	v20 =	vadd.s32 v20, v41;
	v34 =	vsel vm2, v5, v0;
	vm2 =	vle.f32 v28, v17  }
0x3f4: {  	v27 =	vadd.s32 v27, v42;
	v22 =	vadd.s32 v22, v43;
	v28 =	vsel vm2, v5, v0  }
0x3f5: {  	v30 =	vadd.s32 v30, v44;
	v37 =	vadd.s32 v21, v37;
	v26 =	vadd.s32 v26, v40  }
0x3f6: {  	v35 =	vadd.s32 v35, v39;
	v29 =	vadd.s32 v29, v38;
	v31 =	vadd.s32 v31, v34;
	v40 =	vld.idx.msk [tilespmem:v36+s4+$0x0], $0xffff  }
0x3f7: {  	v28 =	vadd.s32 v32, v28;
	v36 =	vshll.u32 v36, $0x1;
	v34 =	vld.idx.msk [tilespmem:v33+s4+$0x0], $0xffff;
	v33 =	vshll.u32 v33, $0x1  }
0x3f8: {  	v41 =	vshll.u32 v22, $0x1;
	v39 =	vshll.u32 v27, $0x1;
	v38 =	vshll.u32 v20, $0x1;
	v32 =	vld.idx.msk [tilespmem:v20+s4+$0x0], $0xffff  }
0x3f9: {  	v42 =	vshll.u32 v30, $0x1;
	v43 =	vshll.u32 v37, $0x1;
	v44 =	vshll.u32 v26, $0x1;
	v27 =	vld.idx.msk [tilespmem:v27+s4+$0x0], $0xffff  }
0x3fa: {  	v46 =	vshll.u32 v35, $0x1;
	v47 =	vshll.u32 v29, $0x1;
	v48 =	vshll.u32 v31, $0x1;
	v45 =	vld.idx.msk [tilespmem:v22+s4+$0x0], $0xffff  }
0x3fb: {  	v21 =	vsel vm1, v5, v0;
	v49 =	vshll.u32 v28, $0x1;
	v20 =	vsel vm0, v5, v0;
	v30 =	vld.idx.msk [tilespmem:v30+s4+$0x0], $0xffff  }
0x3fc: {  	v22 =	vshll.u32 v23, $0x1;
	v23 =	vshll.u32 v24, $0x1;
	vm0 =	vle.f32 v40, v18;
	v37 =	vld.idx.msk [tilespmem:v37+s4+$0x0], $0xffff  }
0x3fd: {  	v24 =	vshll.u32 v25, $0x1;
	v40 =	vsel vm0, v5, v0;
	vm0 =	vle.f32 v34, v7;
	v26 =	vld.idx.msk [tilespmem:v26+s4+$0x0], $0xffff  }
0x3fe: {  	v25 =	vadd.s32 v36, v40;
	v34 =	vsel vm0, v5, v0;
	vm0 =	vle.f32 v32, v8;
	v32 =	vld.idx.msk [tilespmem:v35+s4+$0x0], $0xffff  }
0x3ff: {  	v33 =	vadd.s32 v33, v34;
	v34 =	vsel vm0, v5, v0;
	vm0 =	vle.f32 v27, v9;
	v27 =	vld.idx.msk [tilespmem:v29+s4+$0x0], $0xffff  }
0x400: {  	v29 =	vadd.s32 v38, v34;
	v34 =	vsel vm0, v5, v0;
	vm0 =	vle.f32 v45, v10;
	v31 =	vld.idx.msk [tilespmem:v31+s4+$0x0], $0xffff  }
0x401: {  	v34 =	vadd.s32 v39, v34;
	v35 =	vsel vm0, v5, v0;
	vm0 =	vle.f32 v30, v11;
	v28 =	vld.idx.msk [tilespmem:v28+s4+$0x0], $0xffff  }
0x402: {  	v30 =	vadd.s32 v41, v35;
	v35 =	vsel vm0, v5, v0;
	vm0 =	vle.f32 v37, v12  }
0x403: {  	v35 =	vadd.s32 v42, v35;
	v37 =	vsel vm0, v5, v0;
	vm0 =	vle.f32 v26, v13;
	v36 =	vld.idx.msk [tilespmem:v25+s4+$0x0], $0xffff  }
0x404: {  	v37 =	vadd.s32 v43, v37;
	v38 =	vsel vm0, v5, v0;
	vm0 =	vle.f32 v32, v15;
	v26 =	vld.idx.msk [tilespmem:v33+s4+$0x0], $0xffff  }
0x405: {  	v38 =	vadd.s32 v44, v38;
	v39 =	vsel vm0, v5, v0;
	vm0 =	vle.f32 v27, v16;
	v32 =	vld.idx.msk [tilespmem:v29+s4+$0x0], $0xffff  }
0x406: {  	v39 =	vadd.s32 v46, v39;
	v40 =	vsel vm0, v5, v0;
	vm0 =	vle.f32 v31, v14;
	v27 =	vld.idx.msk [tilespmem:v34+s4+$0x0], $0xffff  }
0x407: {  	v40 =	vadd.s32 v47, v40;
	v41 =	vsel vm0, v5, v0;
	vm0 =	vle.f32 v28, v17;
	v31 =	vld.idx.msk [tilespmem:v30+s4+$0x0], $0xffff  }
0x408: {  	v25 =	vshll.u32 v25, $0x1;
	v41 =	vadd.s32 v48, v41;
	v42 =	vsel vm0, v5, v0;
	v28 =	vld.idx.msk [tilespmem:v35+s4+$0x0], $0xffff  }
0x409: {  	v33 =	vshll.u32 v33, $0x1;
	vm0 =	vle.f32 v36, v18;
	v42 =	vadd.s32 v49, v42;
	v36 =	vld.idx.msk [tilespmem:v37+s4+$0x0], $0xffff  }
0x40a: {  	v43 =	vsel vm0, v5, v0;
	vm0 =	vle.f32 v26, v7;
	v26 =	vshll.u32 v29, $0x1;
	v29 =	vld.idx.msk [tilespmem:v38+s4+$0x0], $0xffff  }
0x40b: {  	v44 =	vsel vm0, v5, v0;
	vm0 =	vle.f32 v32, v8;
	v32 =	vshll.u32 v34, $0x1;
	v34 =	vld.idx.msk [tilespmem:v39+s4+$0x0], $0xffff  }
0x40c: {  	v45 =	vsel vm0, v5, v0;
	vm0 =	vle.f32 v27, v9;
	v27 =	vshll.u32 v30, $0x1;
	v30 =	vld.idx.msk [tilespmem:v40+s4+$0x0], $0xffff  }
0x40d: {  	v46 =	vsel vm0, v5, v0;
	vm0 =	vle.f32 v31, v10;
	v31 =	vshll.u32 v35, $0x1;
	v35 =	vld.idx.msk [tilespmem:v41+s4+$0x0], $0xffff  }
0x40e: {  	v47 =	vsel vm0, v5, v0;
	vm0 =	vle.f32 v28, v11;
	v28 =	vshll.u32 v37, $0x1;
	v37 =	vld.idx.msk [tilespmem:v42+s4+$0x0], $0xffff  }
0x40f: {  	v48 =	vsel vm0, v5, v0;
	vm0 =	vle.f32 v36, v12;
	v36 =	vshll.u32 v38, $0x1  }
0x410: {  	v38 =	vsel vm0, v5, v0;
	vm0 =	vle.f32 v29, v13;
	v29 =	vshll.u32 v39, $0x1  }
0x411: {  	v39 =	vsel vm0, v5, v0;
	vm0 =	vle.f32 v34, v15;
	v34 =	vshll.u32 v40, $0x1  }
0x412: {  	v40 =	vsel vm0, v5, v0;
	vm0 =	vle.f32 v30, v16;
	v30 =	vshll.u32 v41, $0x1  }
0x413: {  	v41 =	vsel vm0, v5, v0;
	vm0 =	vle.f32 v35, v14;
	v35 =	vshll.u32 v42, $0x1  }
0x414: {  	v25 =	vadd.s32 v25, v43;
	v42 =	vsel vm0, v5, v0;
	vm0 =	vle.f32 v37, v17  }
0x415: {  	v33 =	vadd.s32 v33, v44;
	v26 =	vadd.s32 v26, v45;
	v37 =	vsel vm0, v5, v0  }
0x416: {  	v32 =	vadd.s32 v32, v46;
	v27 =	vadd.s32 v27, v47;
	v31 =	vadd.s32 v31, v48  }
0x417: {  	v28 =	vadd.s32 v28, v38;
	v36 =	vadd.s32 v36, v39;
	v29 =	vadd.s32 v29, v40  }
0x418: {  	v34 =	vadd.s32 v34, v41;
	v30 =	vadd.s32 v30, v42;
	v35 =	vadd.s32 v35, v37  }
0x419: {  	v38 =	vshll.u32 v33, $0x1;
	v39 =	vshll.u32 v26, $0x1;
	v37 =	vld.idx.msk [tilespmem:v25+s4+$0x0], $0xffff;
	v25 =	vshll.u32 v25, $0x1  }
0x41a: {  	v40 =	vshll.u32 v32, $0x1;
	v41 =	vshll.u32 v27, $0x1;
	v42 =	vshll.u32 v31, $0x1;
	v33 =	vld.idx.msk [tilespmem:v33+s4+$0x0], $0xffff  }
0x41b: {  	v43 =	vshll.u32 v28, $0x1;
	v44 =	vshll.u32 v36, $0x1;
	v45 =	vshll.u32 v29, $0x1;
	v26 =	vld.idx.msk [tilespmem:v26+s4+$0x0], $0xffff  }
0x41c: {  	v46 =	vshll.u32 v34, $0x1;
	v47 =	vshll.u32 v30, $0x1;
	v48 =	vshll.u32 v35, $0x1;
	v32 =	vld.idx.msk [tilespmem:v32+s4+$0x0], $0xffff  }
0x41d: {  	v19 =	vadd.s32 v22, v19;
	v20 =	vadd.s32 v23, v20;
	v21 =	vadd.s32 v24, v21;
	v27 =	vld.idx.msk [tilespmem:v27+s4+$0x0], $0xffff  }
0x41e: {  	v19 =	vshrl.u32 v19, $0x4;
	v20 =	vshrl.u32 v20, $0x4;
	v21 =	vshrl.u32 v21, $0x4;
	v22 =	vld.idx.msk [tilespmem:v31+s4+$0x0], $0xffff  }
0x41f: {  	v19 =	vadd.s32 $0xFFFFF000, v19;
	v20 =	vadd.s32 $0xFFFFF000, v20;
	vm0 =	vle.f32 v37, v18;
	v23 =	vld.idx.msk [tilespmem:v28+s4+$0x0], $0xffff  }
0x420: {  	v24 =	vsel vm0, v5, v0;
	vm0 =	vle.f32 v33, v7;
	v28 =	vld.idx.msk [tilespmem:v36+s4+$0x0], $0xffff;
	[tilespmem:s22+$0x40] =	vst v19;
	v19 =	vadd.s32 $0xFFFFF000, v21  }
0x421: {  	v21 =	vadd.s32 v25, v24;
	v24 =	vsel vm0, v5, v0;
	vm0 =	vle.f32 v26, v8;
	v25 =	vld.idx.msk [tilespmem:v29+s4+$0x0], $0xffff  }
0x422: {  	v24 =	vadd.s32 v38, v24;
	v26 =	vsel vm0, v5, v0;
	vm0 =	vle.f32 v32, v9;
	v29 =	vld.idx.msk [tilespmem:v34+s4+$0x0], $0xffff  }
0x423: {  	v26 =	vadd.s32 v39, v26;
	v31 =	vsel vm0, v5, v0;
	vm0 =	vle.f32 v27, v10;
	v27 =	vld.idx.msk [tilespmem:v30+s4+$0x0], $0xffff  }
0x424: {  	v30 =	vadd.s32 v40, v31;
	v31 =	vsel vm0, v5, v0;
	vm0 =	vle.f32 v22, v11;
	v22 =	vld.idx.msk [tilespmem:v35+s4+$0x0], $0xffff  }
0x425: {  	v31 =	vadd.s32 v41, v31;
	v32 =	vsel vm0, v5, v0;
	vm0 =	vle.f32 v23, v12;
	[tilespmem:s22+$0x50] =	vst v20  }
0x426: {  	v23 =	vadd.s32 v42, v32;
	v32 =	vsel vm0, v5, v0;
	vm0 =	vle.f32 v28, v13;
	v20 =	vld.idx.msk [tilespmem:v21+s4+$0x0], $0xffff  }
0x427: {  	v32 =	vadd.s32 v43, v32;
	v33 =	vsel vm0, v5, v0;
	vm0 =	vle.f32 v25, v15;
	v28 =	vld.idx.msk [tilespmem:v24+s4+$0x0], $0xffff  }
0x428: {  	v33 =	vadd.s32 v44, v33;
	v34 =	vsel vm0, v5, v0;
	vm0 =	vle.f32 v29, v16;
	v25 =	vld.idx.msk [tilespmem:v26+s4+$0x0], $0xffff  }
0x429: {  	v34 =	vadd.s32 v45, v34;
	v35 =	vsel vm0, v5, v0;
	vm0 =	vle.f32 v27, v14;
	v29 =	vld.idx.msk [tilespmem:v30+s4+$0x0], $0xffff  }
0x42a: {  	v35 =	vadd.s32 v46, v35;
	v36 =	vsel vm0, v5, v0;
	vm0 =	vle.f32 v22, v17;
	v27 =	vld.idx.msk [tilespmem:v31+s4+$0x0], $0xffff  }
0x42b: {  	v21 =	vshll.u32 v21, $0x1;
	v36 =	vadd.s32 v47, v36;
	v37 =	vsel vm0, v5, v0;
	v22 =	vld.idx.msk [tilespmem:v23+s4+$0x0], $0xffff;
	[tilespmem:s22+$0x60] =	vst v19  }
0x42c: {  	vm0 =	vle.f32 v20, v18;
	v18 =	vshll.u32 v24, $0x1;
	v20 =	vadd.s32 v48, v37;
	v19 =	vld.idx.msk [tilespmem:v32+s4+$0x0], $0xffff  }
0x42d: {  	v26 =	vshll.u32 v26, $0x1;
	v24 =	vsel vm0, v5, v0;
	vm0 =	vle.f32 v28, v7;
	v7 =	vld.idx.msk [tilespmem:v33+s4+$0x0], $0xffff  }
0x42e: {  	v28 =	vsel vm0, v5, v0;
	vm0 =	vle.f32 v25, v8;
	v8 =	vshll.u32 v30, $0x1;
	v25 =	vld.idx.msk [tilespmem:v34+s4+$0x0], $0xffff  }
0x42f: {  	v30 =	vsel vm0, v5, v0;
	vm0 =	vle.f32 v29, v9;
	v9 =	vshll.u32 v31, $0x1;
	v29 =	vld.idx.msk [tilespmem:v35+s4+$0x0], $0xffff  }
0x430: {  	v31 =	vsel vm0, v5, v0;
	vm0 =	vle.f32 v27, v10;
	v10 =	vshll.u32 v23, $0x1;
	v23 =	vld.idx.msk [tilespmem:v36+s4+$0x0], $0xffff  }
0x431: {  	v27 =	vsel vm0, v5, v0;
	vm0 =	vle.f32 v22, v11;
	v11 =	vshll.u32 v32, $0x1;
	v22 =	vld.idx.msk [tilespmem:v20+s4+$0x0], $0xffff  }
0x432: {  	v32 =	vsel vm0, v5, v0;
	vm0 =	vle.f32 v19, v12;
	v12 =	vshll.u32 v33, $0x1  }
0x433: {  	v33 =	vshll.u32 v34, $0x1;
	v19 =	vsel vm0, v5, v0;
	vm0 =	vle.f32 v7, v13  }
0x434: {  	v13 =	vsel vm0, v5, v0;
	vm0 =	vle.f32 v25, v15;
	v25 =	vshll.u32 v35, $0x1  }
0x435: {  	v34 =	vsel vm0, v5, v0;
	vm0 =	vle.f32 v29, v16;
	v29 =	vshll.u32 v36, $0x1  }
0x436: {  	v20 =	vshll.u32 v20, $0x1;
	v35 =	vsel vm0, v5, v0;
	vm0 =	vle.f32 v23, v14  }
.Ltmp1:
0x437: {  	v7 =	vadd.s32 v21, v24;
	v21 =	vsel vm0, v5, v0;
	vm0 =	vle.f32 v22, v17;
	(pc) =	sbr.rel @p0 .LBB2_5-.Ltmp1, $4  }
0x438: {  	v18 =	vadd.s32 v18, v28;
	v17 =	vadd.s32 v26, v30;
	v22 =	vsel vm0, v5, v0  }
0x439: {  	v15 =	vadd.s32 v9, v27;
	v16 =	vadd.s32 v8, v31;
	v8 =	vadd.s32 v10, v32  }
0x43a: {  	v13 =	vadd.s32 v12, v13;
	v14 =	vadd.s32 v11, v19;
	v9 =	vadd.s32 v33, v34  }
0x43b: {  	s24 =	sadd.s32 $0x100, s24;
	v12 =	vadd.s32 v25, v35;
	v11 =	vadd.s32 v29, v21;
	v10 =	vadd.s32 v20, v22  }
0x43c: {  	v7 =	vshrl.u32 v7, $0x4  }
0x43d: {  	v18 =	vshrl.u32 v18, $0x4;
	v7 =	vadd.s32 $0xFFFFF000, v7  }
0x43e: {  	v17 =	vshrl.u32 v17, $0x4;
	v18 =	vadd.s32 $0xFFFFF000, v18;
	[tilespmem:s22+$0xFFFFFF80] =	vst v7  }
0x43f: {  	v15 =	vshrl.u32 v15, $0x4;
	v62 =	vadd.s32 $0xFFFFF000, v17;
	[tilespmem:s22+$0xFFFFFF90] =	vst v18  }
0x440: {  	v8 =	vshrl.u32 v8, $0x4;
	v15 =	vadd.s32 $0xFFFFF000, v15;
	[tilespmem:s22+$0xFFFFFFA0] =	vst v62  }
0x441: {  	v63 =	vshrl.u32 v12, $0x4;
	v8 =	vadd.s32 $0xFFFFF000, v8;
	[tilespmem:s22+$0xFFFFFFC0] =	vst v15  }
0x442: {  	v7 =	vshrl.u32 v16, $0x4;
	[tilespmem:s22+$0xFFFFFFD0] =	vst v8;
	v8 =	vshrl.u32 v9, $0x4;
	v9 =	vadd.s32 $0xFFFFF000, v63  }
0x443: {  	v7 =	vadd.s32 $0xFFFFF000, v7;
	[tilespmem:s22+$0x10] =	vst v9  }
0x444: {  	s20 =	sadd.s32 $0x1, s20;
	v8 =	vadd.s32 $0xFFFFF000, v8;
	[tilespmem:s22+$0xFFFFFFB0] =	vst v7;
	v7 =	vshrl.u32 v14, $0x4  }
0x445: {  	v13 =	vshrl.u32 v13, $0x4;
	p0 =	sne.s32 s20, $0x20;
	[tilespmem:s22+$0x0] =	vst v8;
	v7 =	vadd.s32 $0xFFFFF000, v7  }
.Ltmp2:
0x446: {  	v8 =	vshrl.u32 v10, $0x4;
	[tilespmem:s22+$0xFFFFFFE0] =	vst v7;
	v7 =	vadd.s32 $0xFFFFF000, v13;
	(pc) =	sbr.rel @p0 .LBB2_2-.Ltmp2, $4  }
0x447: {  	v8 =	vadd.s32 $0xFFFFF000, v8;
	[tilespmem:s22+$0xFFFFFFF0] =	vst v7;
	v7 =	vshrl.u32 v11, $0x4  }
0x448: {  	s21 =	sadd.s32 s21, s3;
	[tilespmem:s22+$0x30] =	vst v8;
	v7 =	vadd.s32 $0xFFFFF000, v7  }
0x449: {  	s21 =	sadd.s32 $0x400, s21;
	[tilespmem:s22+$0x20] =	vst v7  }
0x44a: {  	[hbm4b:s21+s4] =	stream.linear.scatter [tilespmem:s16], [sflag:$0x4], $0x2000, $0x38;
	[tilespmem:$0x18000] =	vst v63  }
0x44b: {  	s19 =	sadd.s32 $0x1, s19  }
0x44c: {  	_ =	swait.ge [sflag:s17], $0x2000;
	p0 =	sne.s32 s19, s9  }
.Ltmp3:
0x44d: {  	[sflag:s17] =	ssyncset.done $0x0;
	(pc) =	sbr.rel @p0 .LBB2_1-.Ltmp3, $4  }
0x44e: {  	[sflag:s17] =	ssyncadd.s32 $0xFFFFE000  }
0x44f: {  	_ =	swait.ge [sflag:s18], $0x2000  }
0x450: {  	[sflag:s18] =	ssyncset.done $0x0  }
0x451: {  	[sflag:s18] =	ssyncadd.s32 $0xFFFFE000  }
0x452: {  	_ =	sfence.sel $0x180000  }
0x453: {  	[bflag:$0x0] =	sbarrier.arrive $0xFFFF  }
0x454: {  	p0 =	sne.s32 s2, $0x0;
	_ =	strace $0x9000004A  }
0x455: {  	s0 =	sadd.s32 @!p0 $0x100000, s0;
	[bflag:$0x2] =	sbarrier.arrive $0xFFFF  }
0x456: {  	[sflag:s0] =	ssyncadd.tile.s32 @!p0 $0x1;
	_ =	shalt  }
.Lfunc_end2:
_tile_overlayer_lowered:
.L_overlay_start_2:
0x457: {  	(tag) =	ssettag $0x2  }
0x458: {  	s0 =	rddreg [dreg:$0x0];
	s2 =	stileid.u32  }
0x459: {  	s1 =	rddreg [dreg:$0x1];
	p0 =	sne.s32 s2, $0x0  }
0x45a: {  	s3 =	rddreg [dreg:$0x2];
	[bflag:$0x3] =	sbarrier.arrive $0xFFFF;
	s2 =	simm.s32 @!p0 $0x1C05  }
0x45b: {  	[timem:s3], [sflag:s2] =	dma.local @!p0 [hbm:s0], s1  }
0x45c: {  	s0 =	simm.s32 @!p0 $0x5  }
0x45d: {  	_ =	swait.ge @!p0 [sflag:s0], s1  }
0x45e: {  	s1 =	ssub.s32 @!p0 $0x0, s1;
	[sflag:s0] =	ssyncset.done @!p0 $0x0  }
0x45f: {  	[sflag:s0] =	ssyncadd.s32 @!p0 s1  }
0x460: {  	[bflag:$0x3] =	sbarrier.arrive $0xFFFF  }
0x461: {  	_ =	shalt  }

</sc_bundles>
